<compile_context>
chip_gen: v7x
topology: tpu7x:2x2x1
jax: 0.10.2.dev20260603
libtpu: 0.0.44.dev20260713+nightly
codegen_flags: <defaults>
</compile_context>

<pallas_src>
import functools

import jax
import jax.numpy as jnp
from jax import lax
from jax.experimental import pallas as pl
from jax.experimental.pallas import tpu as pltpu
from jax.experimental.pallas import tpu_sc as plsc

BATCH = 16384
HIST = 50
EMBED_DIM = 64
VOCAB = 1000000
LANES = 16
NUM_CORES = 2
NUM_SUBCORES = 16
NUM_WORKERS = NUM_CORES * NUM_SUBCORES
SPT = BATCH // NUM_WORKERS
KSUB = SPT // 128
PROJ_CHUNK = 32768


def _proj_body(emb_t_ref, wt_ref, bp_ref, o0_ref, o1_ref):
    x = emb_t_ref[...]
    w = wt_ref[...]
    bp = bp_ref[...]
    o0_ref[...] = jnp.sum(x * w[0][:, None], axis=0) + bp[0, 0]
    o1_ref[...] = jnp.sum(x * w[1][:, None], axis=0) + bp[1, 0]


def _project(emb_t, wt, bp):
    return pl.pallas_call(
        _proj_body,
        grid=(pl.cdiv(VOCAB, PROJ_CHUNK),),
        in_specs=[
            pl.BlockSpec((EMBED_DIM, PROJ_CHUNK), lambda i: (0, i)),
            pl.BlockSpec((2, EMBED_DIM), lambda i: (0, 0)),
            pl.BlockSpec((2, 1), lambda i: (0, 0)),
        ],
        out_specs=[
            pl.BlockSpec((PROJ_CHUNK,), lambda i: (i,)),
            pl.BlockSpec((PROJ_CHUNK,), lambda i: (i,)),
        ],
        out_shape=[
            jax.ShapeDtypeStruct((VOCAB,), jnp.float32),
            jax.ShapeDtypeStruct((VOCAB,), jnp.float32),
        ],
    )(emb_t, wt, bp)


def _sc_gather_sum(
    xt_hbm, p0_hbm, p1_hbm, o0_hbm, o1_hbm, idx_v, val_v, acc0_v, acc1_v,
    sem_a, sem_b,
):
    wid = lax.axis_index("s") * NUM_CORES + lax.axis_index("c")
    base = wid * SPT
    sems = (sem_a, sem_b)

    pltpu.sync_copy(xt_hbm.at[wid], idx_v)

    def issue(l, buf):
        for k in range(KSUB):
            idx_ref = idx_v.at[l, k]
            pltpu.async_copy(p0_hbm.at[idx_ref], val_v.at[buf, 0, k], sems[buf])
            pltpu.async_copy(p1_hbm.at[idx_ref], val_v.at[buf, 1, k], sems[buf])

    def drain(l, buf):
        for k in range(KSUB):
            idx_ref = idx_v.at[l, k]
            pltpu.make_async_copy(
                p0_hbm.at[idx_ref], val_v.at[buf, 0, k], sems[buf]
            ).wait()
            pltpu.make_async_copy(
                p1_hbm.at[idx_ref], val_v.at[buf, 1, k], sems[buf]
            ).wait()

    issue(0, 0)

    zv = jnp.zeros((LANES,), jnp.float32)

    def zbody(i, _):
        acc0_v[pl.ds(i * LANES, LANES)] = zv
        acc1_v[pl.ds(i * LANES, LANES)] = zv
        return 0

    lax.fori_loop(0, SPT // LANES, zbody, 0)

    def accumulate(buf):
        for k in range(KSUB):
            for r in range(8):
                sl = pl.ds(k * 128 + r * LANES, LANES)
                vs = pl.ds(r * LANES, LANES)
                acc0_v[sl] = acc0_v[sl] + val_v[buf, 0, k, vs]
                acc1_v[sl] = acc1_v[sl] + val_v[buf, 1, k, vs]

    def lbody(j, _):
        for t in range(2):
            l = 2 * j + t

            @pl.when(l + 1 < HIST)
            def _():
                issue(l + 1, 1 - t)

            drain(l, t)
            accumulate(t)
        return 0

    lax.fori_loop(0, HIST // 2, lbody, 0)

    pltpu.sync_copy(acc0_v, o0_hbm.at[pl.ds(base, SPT)])
    pltpu.sync_copy(acc1_v, o1_hbm.at[pl.ds(base, SPT)])


@functools.partial(
    pl.kernel,
    out_type=[
        jax.ShapeDtypeStruct((BATCH,), jnp.float32),
        jax.ShapeDtypeStruct((BATCH,), jnp.float32),
    ],
    mesh=plsc.VectorSubcoreMesh(core_axis_name="c", subcore_axis_name="s"),
    compiler_params=pltpu.CompilerParams(use_tc_tiling_on_sc=False),
    scratch_types=[
        pltpu.VMEM((HIST, KSUB, 128), jnp.int32),
        pltpu.VMEM((2, 2, KSUB, 128), jnp.float32),
        pltpu.VMEM((SPT,), jnp.float32),
        pltpu.VMEM((SPT,), jnp.float32),
        pltpu.SemaphoreType.DMA,
        pltpu.SemaphoreType.DMA,
    ],
)
def _gather_sum_call(
    xt_hbm, p0_hbm, p1_hbm, o0_hbm, o1_hbm, idx_v, val_v, acc0_v, acc1_v,
    sem_a, sem_b,
):
    _sc_gather_sum(
        xt_hbm, p0_hbm, p1_hbm, o0_hbm, o1_hbm, idx_v, val_v, acc0_v, acc1_v,
        sem_a, sem_b,
    )


@jax.jit
def kernel(x, embeddings, W, b):
    scale = 1.0 / HIST
    wt = jnp.transpose(W) * scale
    bp = (b * scale).reshape(2, 1)
    emb_t = jnp.transpose(embeddings)
    p0, p1 = _project(emb_t, wt, bp)
    xt = jnp.transpose(x.astype(jnp.int32))
    x_idx = xt.reshape(HIST, NUM_WORKERS, KSUB, 128).transpose(1, 0, 2, 3)
    o0, o1 = _gather_sum_call(x_idx, p0, p1)
    return jnp.stack([o0, o1], axis=1)

# --- scband reference (transcript-rebuilt; emitter-appended) ---
"""Pipeline reference for scband-baseline-28406913695796 (READ-ONLY COPY).

The authoritative reference and input builder live on the scoring server;
editing this copy changes nothing except your own understanding.
"""

import jax, jax.numpy as jnp
import numpy as np

VOCAB = 1000000
EMBED_DIM = 64
BATCH = 16384
HIST = 50

def setup_inputs(seed: int = 0) -> dict:
    key = jax.random.key(seed)
    k1, k2, k3, k4 = jax.random.split(key, 4)
    x = jax.random.randint(k1, (BATCH, HIST), 0, VOCAB, dtype=jnp.int64)
    embeddings = jax.random.normal(k2, (VOCAB, EMBED_DIM), dtype=jnp.float32)
    # nn.Linear(EMBED_DIM, 2) params
    bound = 1.0 / np.sqrt(EMBED_DIM)
    W = jax.random.uniform(k3, (EMBED_DIM, 2), dtype=jnp.float32, minval=-bound, maxval=bound)
    b = jax.random.uniform(k4, (2,), dtype=jnp.float32, minval=-bound, maxval=bound)
    return {"x": x, "embeddings": embeddings, "W": W, "b": b}

def reference(x, embeddings, W, b):
    # emb = embeddings[x] : gather rows from table
    emb = jnp.take(embeddings, x, axis=0)  # [B, L, D]
    t_hat = jnp.mean(emb, axis=1)          # [B, D]
    out = t_hat @ W + b                    # [B, 2]
    return out

if __name__ == "__main__":
    import jax
    _d = setup_inputs()
    print(jax.jit(kernel)(*tuple(_d.values())))

</pallas_src>

<mosaic_0001>
#map = affine_map<(d0, d1) -> (0, 0, 0, 0)>
#map1 = affine_map<(d0, d1) -> (0)>
module attributes {stable_mosaic.version = 14 : i64} {
  func.func @_gather_sum_call(%arg0: i32, %arg1: i32, %arg2: memref<32x50x4x128xi32, #tpu.memory_space<hbm>>, %arg3: memref<1000000xf32, #tpu.memory_space<hbm>>, %arg4: memref<1000000xf32, #tpu.memory_space<hbm>>, %arg5: memref<16384xf32, #tpu.memory_space<hbm>>, %arg6: memref<16384xf32, #tpu.memory_space<hbm>>, %arg7: memref<50x4x128xi32, #tpu.memory_space<vmem>>, %arg8: memref<2x2x4x128xf32, #tpu.memory_space<vmem>>, %arg9: memref<512xf32, #tpu.memory_space<vmem>>, %arg10: memref<512xf32, #tpu.memory_space<vmem>>, %arg11: memref<!tpu.dma_semaphore, #tpu.memory_space<semaphore_mem>>, %arg12: memref<!tpu.dma_semaphore, #tpu.memory_space<semaphore_mem>>) attributes {dimension_semantics = [#tpu.dimension_semantics<core_parallel>, #tpu.dimension_semantics<subcore_parallel>], iteration_bounds = array<i64: 2, 16>, scalar_prefetch = 0 : i64, scratch_operands = 6 : i64, tpu.core_type = #tpu.core_type<sc_vector_subcore>, window_params = [{transform_indices = #map}, {transform_indices = #map1}, {transform_indices = #map1}, {transform_indices = #map1}, {transform_indices = #map1}]} {
    %mul3A = arith.constant 2 : i32
    %mul3A_0 = arith.muli %arg1, %mul3A : i32
    %add3A = arith.addi %mul3A_0, %arg0 : i32
    %mul3A_1 = arith.constant 512 : i32
    %mul3A_2 = arith.muli %add3A, %mul3A_1 : i32
    "tpu.region"() ({
      %run_scoped3A = tpu.sem_alloc : memref<!tpu.dma_semaphore, #tpu.memory_space<semaphore_mem>>
      %dma_start3A_120 = arith.constant 0 : i32
      %dma_start3A_121 = arith.constant 0 : i32
      %dma_start3A_122 = arith.constant 0 : i32
      %dma_start3A_123 = tpu.memref_slice %arg2[%add3A, %dma_start3A_120, %dma_start3A_121, %dma_start3A_122] : memref<32x50x4x128xi32, #tpu.memory_space<hbm>> -> memref<1x50x4x128xi32, #tpu.memory_space<hbm>>
      %dma_start3A_124 = tpu.memref_squeeze %dma_start3A_123 : memref<1x50x4x128xi32, #tpu.memory_space<hbm>> -> memref<50x4x128xi32, #tpu.memory_space<hbm>>
      %dma_start3A_125 = arith.constant 0 : i32
      %dma_start3A_126 = arith.constant 0 : i32
      %dma_start3A_127 = arith.constant 0 : i32
      %dma_start3A_128 = tpu.memref_slice %arg2[%add3A, %dma_start3A_125, %dma_start3A_126, %dma_start3A_127] : memref<32x50x4x128xi32, #tpu.memory_space<hbm>> -> memref<1x50x4x128xi32, #tpu.memory_space<hbm>>
      %dma_start3A_129 = tpu.memref_squeeze %dma_start3A_128 : memref<1x50x4x128xi32, #tpu.memory_space<hbm>> -> memref<50x4x128xi32, #tpu.memory_space<hbm>>
      tpu.enqueue_dma source(%dma_start3A_129 : memref<50x4x128xi32, #tpu.memory_space<hbm>>) target(%arg7 : memref<50x4x128xi32, #tpu.memory_space<vmem>>) target_semaphore(%run_scoped3A : memref<!tpu.dma_semaphore, #tpu.memory_space<semaphore_mem>>)
      %dma_wait3A = arith.constant 0 : i32
      %dma_wait3A_130 = arith.constant 0 : i32
      %dma_wait3A_131 = arith.constant 0 : i32
      %dma_wait3A_132 = tpu.memref_slice %arg2[%add3A, %dma_wait3A, %dma_wait3A_130, %dma_wait3A_131] : memref<32x50x4x128xi32, #tpu.memory_space<hbm>> -> memref<1x50x4x128xi32, #tpu.memory_space<hbm>>
      %dma_wait3A_133 = tpu.memref_squeeze %dma_wait3A_132 : memref<1x50x4x128xi32, #tpu.memory_space<hbm>> -> memref<50x4x128xi32, #tpu.memory_space<hbm>>
      %dma_wait3A_134 = arith.constant 0 : i32
      %dma_wait3A_135 = arith.constant 0 : i32
      %dma_wait3A_136 = arith.constant 0 : i32
      %dma_wait3A_137 = tpu.memref_slice %arg2[%add3A, %dma_wait3A_134, %dma_wait3A_135, %dma_wait3A_136] : memref<32x50x4x128xi32, #tpu.memory_space<hbm>> -> memref<1x50x4x128xi32, #tpu.memory_space<hbm>>
      %dma_wait3A_138 = tpu.memref_squeeze %dma_wait3A_137 : memref<1x50x4x128xi32, #tpu.memory_space<hbm>> -> memref<50x4x128xi32, #tpu.memory_space<hbm>>
      tpu.wait_dma2 semaphore(%run_scoped3A : memref<!tpu.dma_semaphore, #tpu.memory_space<semaphore_mem>>) src(%dma_wait3A_138 : memref<50x4x128xi32, #tpu.memory_space<hbm>>) dst(%arg7 : memref<50x4x128xi32, #tpu.memory_space<vmem>>)
      tpu.yield
    }) : () -> ()
    %dma_start3A = arith.constant 0 : i32
    %dma_start3A_3 = arith.constant 0 : i32
    %dma_start3A_4 = arith.constant 0 : i32
    %dma_start3A_5 = arith.constant 0 : i32
    %dma_start3A_6 = arith.constant 0 : i32
    %dma_start3A_7 = arith.constant 0 : i32
    %dma_start3A_8 = tpu.memref_slice %arg8[%dma_start3A_4, %dma_start3A_5, %dma_start3A_6, %dma_start3A_7] : memref<2x2x4x128xf32, #tpu.memory_space<vmem>> -> memref<1x1x1x128xf32, #tpu.memory_space<vmem>>
    %dma_start3A_9 = tpu.memref_squeeze %dma_start3A_8 : memref<1x1x1x128xf32, #tpu.memory_space<vmem>> -> memref<128xf32, #tpu.memory_space<vmem>>
    %dma_start3A_10 = arith.constant 0 : i32
    %dma_start3A_11 = tpu.memref_slice %arg7[%dma_start3A, %dma_start3A_3, %dma_start3A_10] : memref<50x4x128xi32, #tpu.memory_space<vmem>> -> memref<1x1x128xi32, #tpu.memory_space<vmem>>
    %dma_start3A_12 = tpu.memref_squeeze %dma_start3A_11 : memref<1x1x128xi32, #tpu.memory_space<vmem>> -> memref<128xi32, #tpu.memory_space<vmem>>
    %dma_start3A_13 = arith.constant 0 : i32
    %dma_start3A_14 = tpu.memref_slice %arg3[%dma_start3A_13] : memref<1000000xf32, #tpu.memory_space<hbm>> -> memref<1000000xf32, #tpu.memory_space<hbm>>
    tpu.enqueue_indirect_dma source(%dma_start3A_14 : memref<1000000xf32, #tpu.memory_space<hbm>>) target(%dma_start3A_9 : memref<128xf32, #tpu.memory_space<vmem>>) offsets(%dma_start3A_12 : memref<128xi32, #tpu.memory_space<vmem>>) semaphore(%arg11 : memref<!tpu.dma_semaphore, #tpu.memory_space<semaphore_mem>>)
    %dma_start3A_15 = arith.constant 0 : i32
    %dma_start3A_16 = arith.constant 0 : i32
    %dma_start3A_17 = arith.constant 0 : i32
    %dma_start3A_18 = arith.constant 1 : i32
    %dma_start3A_19 = arith.constant 0 : i32
    %dma_start3A_20 = arith.constant 0 : i32
    %dma_start3A_21 = tpu.memref_slice %arg8[%dma_start3A_17, %dma_start3A_18, %dma_start3A_19, %dma_start3A_20] : memref<2x2x4x128xf32, #tpu.memory_space<vmem>> -> memref<1x1x1x128xf32, #tpu.memory_space<vmem>>
    %dma_start3A_22 = tpu.memref_squeeze %dma_start3A_21 : memref<1x1x1x128xf32, #tpu.memory_space<vmem>> -> memref<128xf32, #tpu.memory_space<vmem>>
    %dma_start3A_23 = arith.constant 0 : i32
    %dma_start3A_24 = tpu.memref_slice %arg7[%dma_start3A_15, %dma_start3A_16, %dma_start3A_23] : memref<50x4x128xi32, #tpu.memory_space<vmem>> -> memref<1x1x128xi32, #tpu.memory_space<vmem>>
    %dma_start3A_25 = tpu.memref_squeeze %dma_start3A_24 : memref<1x1x128xi32, #tpu.memory_space<vmem>> -> memref<128xi32, #tpu.memory_space<vmem>>
    %dma_start3A_26 = arith.constant 0 : i32
    %dma_start3A_27 = tpu.memref_slice %arg4[%dma_start3A_26] : memref<1000000xf32, #tpu.memory_space<hbm>> -> memref<1000000xf32, #tpu.memory_space<hbm>>
    tpu.enqueue_indirect_dma source(%dma_start3A_27 : memref<1000000xf32, #tpu.memory_space<hbm>>) target(%dma_start3A_22 : memref<128xf32, #tpu.memory_space<vmem>>) offsets(%dma_start3A_25 : memref<128xi32, #tpu.memory_space<vmem>>) semaphore(%arg11 : memref<!tpu.dma_semaphore, #tpu.memory_space<semaphore_mem>>)
    %dma_start3A_28 = arith.constant 0 : i32
    %dma_start3A_29 = arith.constant 1 : i32
    %dma_start3A_30 = arith.constant 0 : i32
    %dma_start3A_31 = arith.constant 0 : i32
    %dma_start3A_32 = arith.constant 1 : i32
    %dma_start3A_33 = arith.constant 0 : i32
    %dma_start3A_34 = tpu.memref_slice %arg8[%dma_start3A_30, %dma_start3A_31, %dma_start3A_32, %dma_start3A_33] : memref<2x2x4x128xf32, #tpu.memory_space<vmem>> -> memref<1x1x1x128xf32, #tpu.memory_space<vmem>>
    %dma_start3A_35 = tpu.memref_squeeze %dma_start3A_34 : memref<1x1x1x128xf32, #tpu.memory_space<vmem>> -> memref<128xf32, #tpu.memory_space<vmem>>
    %dma_start3A_36 = arith.constant 0 : i32
    %dma_start3A_37 = tpu.memref_slice %arg7[%dma_start3A_28, %dma_start3A_29, %dma_start3A_36] : memref<50x4x128xi32, #tpu.memory_space<vmem>> -> memref<1x1x128xi32, #tpu.memory_space<vmem>>
    %dma_start3A_38 = tpu.memref_squeeze %dma_start3A_37 : memref<1x1x128xi32, #tpu.memory_space<vmem>> -> memref<128xi32, #tpu.memory_space<vmem>>
    %dma_start3A_39 = arith.constant 0 : i32
    %dma_start3A_40 = tpu.memref_slice %arg3[%dma_start3A_39] : memref<1000000xf32, #tpu.memory_space<hbm>> -> memref<1000000xf32, #tpu.memory_space<hbm>>
    tpu.enqueue_indirect_dma source(%dma_start3A_40 : memref<1000000xf32, #tpu.memory_space<hbm>>) target(%dma_start3A_35 : memref<128xf32, #tpu.memory_space<vmem>>) offsets(%dma_start3A_38 : memref<128xi32, #tpu.memory_space<vmem>>) semaphore(%arg11 : memref<!tpu.dma_semaphore, #tpu.memory_space<semaphore_mem>>)
    %dma_start3A_41 = arith.constant 0 : i32
    %dma_start3A_42 = arith.constant 1 : i32
    %dma_start3A_43 = arith.constant 0 : i32
    %dma_start3A_44 = arith.constant 1 : i32
    %dma_start3A_45 = arith.constant 1 : i32
    %dma_start3A_46 = arith.constant 0 : i32
    %dma_start3A_47 = tpu.memref_slice %arg8[%dma_start3A_43, %dma_start3A_44, %dma_start3A_45, %dma_start3A_46] : memref<2x2x4x128xf32, #tpu.memory_space<vmem>> -> memref<1x1x1x128xf32, #tpu.memory_space<vmem>>
    %dma_start3A_48 = tpu.memref_squeeze %dma_start3A_47 : memref<1x1x1x128xf32, #tpu.memory_space<vmem>> -> memref<128xf32, #tpu.memory_space<vmem>>
    %dma_start3A_49 = arith.constant 0 : i32
    %dma_start3A_50 = tpu.memref_slice %arg7[%dma_start3A_41, %dma_start3A_42, %dma_start3A_49] : memref<50x4x128xi32, #tpu.memory_space<vmem>> -> memref<1x1x128xi32, #tpu.memory_space<vmem>>
    %dma_start3A_51 = tpu.memref_squeeze %dma_start3A_50 : memref<1x1x128xi32, #tpu.memory_space<vmem>> -> memref<128xi32, #tpu.memory_space<vmem>>
    %dma_start3A_52 = arith.constant 0 : i32
    %dma_start3A_53 = tpu.memref_slice %arg4[%dma_start3A_52] : memref<1000000xf32, #tpu.memory_space<hbm>> -> memref<1000000xf32, #tpu.memory_space<hbm>>
    tpu.enqueue_indirect_dma source(%dma_start3A_53 : memref<1000000xf32, #tpu.memory_space<hbm>>) target(%dma_start3A_48 : memref<128xf32, #tpu.memory_space<vmem>>) offsets(%dma_start3A_51 : memref<128xi32, #tpu.memory_space<vmem>>) semaphore(%arg11 : memref<!tpu.dma_semaphore, #tpu.memory_space<semaphore_mem>>)
    %dma_start3A_54 = arith.constant 0 : i32
    %dma_start3A_55 = arith.constant 2 : i32
    %dma_start3A_56 = arith.constant 0 : i32
    %dma_start3A_57 = arith.constant 0 : i32
    %dma_start3A_58 = arith.constant 2 : i32
    %dma_start3A_59 = arith.constant 0 : i32
    %dma_start3A_60 = tpu.memref_slice %arg8[%dma_start3A_56, %dma_start3A_57, %dma_start3A_58, %dma_start3A_59] : memref<2x2x4x128xf32, #tpu.memory_space<vmem>> -> memref<1x1x1x128xf32, #tpu.memory_space<vmem>>
    %dma_start3A_61 = tpu.memref_squeeze %dma_start3A_60 : memref<1x1x1x128xf32, #tpu.memory_space<vmem>> -> memref<128xf32, #tpu.memory_space<vmem>>
    %dma_start3A_62 = arith.constant 0 : i32
    %dma_start3A_63 = tpu.memref_slice %arg7[%dma_start3A_54, %dma_start3A_55, %dma_start3A_62] : memref<50x4x128xi32, #tpu.memory_space<vmem>> -> memref<1x1x128xi32, #tpu.memory_space<vmem>>
    %dma_start3A_64 = tpu.memref_squeeze %dma_start3A_63 : memref<1x1x128xi32, #tpu.memory_space<vmem>> -> memref<128xi32, #tpu.memory_space<vmem>>
    %dma_start3A_65 = arith.constant 0 : i32
    %dma_start3A_66 = tpu.memref_slice %arg3[%dma_start3A_65] : memref<1000000xf32, #tpu.memory_space<hbm>> -> memref<1000000xf32, #tpu.memory_space<hbm>>
    tpu.enqueue_indirect_dma source(%dma_start3A_66 : memref<1000000xf32, #tpu.memory_space<hbm>>) target(%dma_start3A_61 : memref<128xf32, #tpu.memory_space<vmem>>) offsets(%dma_start3A_64 : memref<128xi32, #tpu.memory_space<vmem>>) semaphore(%arg11 : memref<!tpu.dma_semaphore, #tpu.memory_space<semaphore_mem>>)
    %dma_start3A_67 = arith.constant 0 : i32
    %dma_start3A_68 = arith.constant 2 : i32
    %dma_start3A_69 = arith.constant 0 : i32
    %dma_start3A_70 = arith.constant 1 : i32
    %dma_start3A_71 = arith.constant 2 : i32
    %dma_start3A_72 = arith.constant 0 : i32
    %dma_start3A_73 = tpu.memref_slice %arg8[%dma_start3A_69, %dma_start3A_70, %dma_start3A_71, %dma_start3A_72] : memref<2x2x4x128xf32, #tpu.memory_space<vmem>> -> memref<1x1x1x128xf32, #tpu.memory_space<vmem>>
    %dma_start3A_74 = tpu.memref_squeeze %dma_start3A_73 : memref<1x1x1x128xf32, #tpu.memory_space<vmem>> -> memref<128xf32, #tpu.memory_space<vmem>>
    %dma_start3A_75 = arith.constant 0 : i32
    %dma_start3A_76 = tpu.memref_slice %arg7[%dma_start3A_67, %dma_start3A_68, %dma_start3A_75] : memref<50x4x128xi32, #tpu.memory_space<vmem>> -> memref<1x1x128xi32, #tpu.memory_space<vmem>>
    %dma_start3A_77 = tpu.memref_squeeze %dma_start3A_76 : memref<1x1x128xi32, #tpu.memory_space<vmem>> -> memref<128xi32, #tpu.memory_space<vmem>>
    %dma_start3A_78 = arith.constant 0 : i32
    %dma_start3A_79 = tpu.memref_slice %arg4[%dma_start3A_78] : memref<1000000xf32, #tpu.memory_space<hbm>> -> memref<1000000xf32, #tpu.memory_space<hbm>>
    tpu.enqueue_indirect_dma source(%dma_start3A_79 : memref<1000000xf32, #tpu.memory_space<hbm>>) target(%dma_start3A_74 : memref<128xf32, #tpu.memory_space<vmem>>) offsets(%dma_start3A_77 : memref<128xi32, #tpu.memory_space<vmem>>) semaphore(%arg11 : memref<!tpu.dma_semaphore, #tpu.memory_space<semaphore_mem>>)
    %dma_start3A_80 = arith.constant 0 : i32
    %dma_start3A_81 = arith.constant 3 : i32
    %dma_start3A_82 = arith.constant 0 : i32
    %dma_start3A_83 = arith.constant 0 : i32
    %dma_start3A_84 = arith.constant 3 : i32
    %dma_start3A_85 = arith.constant 0 : i32
    %dma_start3A_86 = tpu.memref_slice %arg8[%dma_start3A_82, %dma_start3A_83, %dma_start3A_84, %dma_start3A_85] : memref<2x2x4x128xf32, #tpu.memory_space<vmem>> -> memref<1x1x1x128xf32, #tpu.memory_space<vmem>>
    %dma_start3A_87 = tpu.memref_squeeze %dma_start3A_86 : memref<1x1x1x128xf32, #tpu.memory_space<vmem>> -> memref<128xf32, #tpu.memory_space<vmem>>
    %dma_start3A_88 = arith.constant 0 : i32
    %dma_start3A_89 = tpu.memref_slice %arg7[%dma_start3A_80, %dma_start3A_81, %dma_start3A_88] : memref<50x4x128xi32, #tpu.memory_space<vmem>> -> memref<1x1x128xi32, #tpu.memory_space<vmem>>
    %dma_start3A_90 = tpu.memref_squeeze %dma_start3A_89 : memref<1x1x128xi32, #tpu.memory_space<vmem>> -> memref<128xi32, #tpu.memory_space<vmem>>
    %dma_start3A_91 = arith.constant 0 : i32
    %dma_start3A_92 = tpu.memref_slice %arg3[%dma_start3A_91] : memref<1000000xf32, #tpu.memory_space<hbm>> -> memref<1000000xf32, #tpu.memory_space<hbm>>
    tpu.enqueue_indirect_dma source(%dma_start3A_92 : memref<1000000xf32, #tpu.memory_space<hbm>>) target(%dma_start3A_87 : memref<128xf32, #tpu.memory_space<vmem>>) offsets(%dma_start3A_90 : memref<128xi32, #tpu.memory_space<vmem>>) semaphore(%arg11 : memref<!tpu.dma_semaphore, #tpu.memory_space<semaphore_mem>>)
    %dma_start3A_93 = arith.constant 0 : i32
    %dma_start3A_94 = arith.constant 3 : i32
    %dma_start3A_95 = arith.constant 0 : i32
    %dma_start3A_96 = arith.constant 1 : i32
    %dma_start3A_97 = arith.constant 3 : i32
    %dma_start3A_98 = arith.constant 0 : i32
    %dma_start3A_99 = tpu.memref_slice %arg8[%dma_start3A_95, %dma_start3A_96, %dma_start3A_97, %dma_start3A_98] : memref<2x2x4x128xf32, #tpu.memory_space<vmem>> -> memref<1x1x1x128xf32, #tpu.memory_space<vmem>>
    %dma_start3A_100 = tpu.memref_squeeze %dma_start3A_99 : memref<1x1x1x128xf32, #tpu.memory_space<vmem>> -> memref<128xf32, #tpu.memory_space<vmem>>
    %dma_start3A_101 = arith.constant 0 : i32
    %dma_start3A_102 = tpu.memref_slice %arg7[%dma_start3A_93, %dma_start3A_94, %dma_start3A_101] : memref<50x4x128xi32, #tpu.memory_space<vmem>> -> memref<1x1x128xi32, #tpu.memory_space<vmem>>
    %dma_start3A_103 = tpu.memref_squeeze %dma_start3A_102 : memref<1x1x128xi32, #tpu.memory_space<vmem>> -> memref<128xi32, #tpu.memory_space<vmem>>
    %dma_start3A_104 = arith.constant 0 : i32
    %dma_start3A_105 = tpu.memref_slice %arg4[%dma_start3A_104] : memref<1000000xf32, #tpu.memory_space<hbm>> -> memref<1000000xf32, #tpu.memory_space<hbm>>
    tpu.enqueue_indirect_dma source(%dma_start3A_105 : memref<1000000xf32, #tpu.memory_space<hbm>>) target(%dma_start3A_100 : memref<128xf32, #tpu.memory_space<vmem>>) offsets(%dma_start3A_103 : memref<128xi32, #tpu.memory_space<vmem>>) semaphore(%arg11 : memref<!tpu.dma_semaphore, #tpu.memory_space<semaphore_mem>>)
    %broadcast_in_dim3A = arith.constant 0.000000e+00 : f32
    %broadcast_in_dim3A_106 = vector.broadcast %broadcast_in_dim3A : f32 to vector<16xf32>
    %scan3A = arith.constant 0 : i32
    %scan3A_107 = arith.constant 0 : i32
    %scan3A_108 = arith.constant 32 : i32
    %scan3A_109 = arith.addi %scan3A_107, %scan3A_108 : i32
    %scan3A_110 = arith.constant 1 : i32
    %scan3A_111 = scf.for %scan3A_120 = %scan3A_107 to %scan3A_109 step %scan3A_110 iter_args(%scan3A_121 = %scan3A) -> (i32)  : i32 {
      %mul3A_122 = arith.constant 16 : i32
      %mul3A_123 = arith.muli %scan3A_120, %mul3A_122 : i32
      %swap3A = arith.index_cast %mul3A_123 : i32 to index
      %swap3A_124 = tpu.vector_load %arg9[%swap3A] {strides = array<i32>} : memref<512xf32, #tpu.memory_space<vmem>>, vector<16xf32>,
      %swap3A_125 = vector.shape_cast %swap3A_124 : vector<16xf32> to vector<16xf32>
      %swap3A_126 = vector.shape_cast %broadcast_in_dim3A_106 : vector<16xf32> to vector<16xf32>
      tpu.vector_store %arg9[%swap3A], %swap3A_126 {strides = array<i32>} : memref<512xf32, #tpu.memory_space<vmem>>, vector<16xf32>,
      %mul3A_127 = arith.constant 16 : i32
      %mul3A_128 = arith.muli %scan3A_120, %mul3A_127 : i32
      %swap3A_129 = arith.index_cast %mul3A_128 : i32 to index
      %swap3A_130 = tpu.vector_load %arg10[%swap3A_129] {strides = array<i32>} : memref<512xf32, #tpu.memory_space<vmem>>, vector<16xf32>,
      %swap3A_131 = vector.shape_cast %swap3A_130 : vector<16xf32> to vector<16xf32>
      %swap3A_132 = vector.shape_cast %broadcast_in_dim3A_106 : vector<16xf32> to vector<16xf32>
      tpu.vector_store %arg10[%swap3A_129], %swap3A_132 {strides = array<i32>} : memref<512xf32, #tpu.memory_space<vmem>>, vector<16xf32>,
      %scan3A_133 = arith.constant 0 : i32
      scf.yield %scan3A_133 : i32
    }
    %scan3A_112 = arith.constant 32 : i32
    %scan3A_113 = arith.constant 0 : i32
    %scan3A_114 = arith.constant 0 : i32
    %scan3A_115 = arith.constant 25 : i32
    %scan3A_116 = arith.addi %scan3A_114, %scan3A_115 : i32
    %scan3A_117 = arith.constant 1 : i32
    %scan3A_118 = scf.for %scan3A_120 = %scan3A_114 to %scan3A_116 step %scan3A_117 iter_args(%scan3A_121 = %scan3A_113) -> (i32)  : i32 {
      %mul3A_122 = arith.constant 2 : i32
      %mul3A_123 = arith.muli %mul3A_122, %scan3A_120 : i32
      %add3A_124 = arith.constant 0 : i32
      %add3A_125 = arith.addi %mul3A_123, %add3A_124 : i32
      %add3A_126 = arith.constant 1 : i32
      %add3A_127 = arith.addi %add3A_125, %add3A_126 : i32
      %lt3A = arith.constant 50 : i32
      %lt3A_128 = arith.cmpi slt, %add3A_127, %lt3A : i32
      %convert_element_type3A = arith.extui %lt3A_128 : i1 to i32
      %cond3A = arith.constant 0 : i32
      %cond3A_129 = arith.cmpi ne, %convert_element_type3A, %cond3A : i32
      scf.if %cond3A_129 {
        %add3A_2507 = arith.constant 1 : i32
        %add3A_2508 = arith.addi %add3A_125, %add3A_2507 : i32
        %dma_start3A_2509 = arith.constant 0 : i32
        %dma_start3A_2510 = arith.constant 1 : i32
        %dma_start3A_2511 = arith.constant 0 : i32
        %dma_start3A_2512 = arith.constant 0 : i32
        %dma_start3A_2513 = arith.constant 0 : i32
        %dma_start3A_2514 = tpu.memref_slice %arg8[%dma_start3A_2510, %dma_start3A_2511, %dma_start3A_2512, %dma_start3A_2513] : memref<2x2x4x128xf32, #tpu.memory_space<vmem>> -> memref<1x1x1x128xf32, #tpu.memory_space<vmem>>
        %dma_start3A_2515 = tpu.memref_squeeze %dma_start3A_2514 : memref<1x1x1x128xf32, #tpu.memory_space<vmem>> -> memref<128xf32, #tpu.memory_space<vmem>>
        %dma_start3A_2516 = arith.constant 0 : i32
        %dma_start3A_2517 = tpu.memref_slice %arg7[%add3A_2508, %dma_start3A_2509, %dma_start3A_2516] : memref<50x4x128xi32, #tpu.memory_space<vmem>> -> memref<1x1x128xi32, #tpu.memory_space<vmem>>
        %dma_start3A_2518 = tpu.memref_squeeze %dma_start3A_2517 : memref<1x1x128xi32, #tpu.memory_space<vmem>> -> memref<128xi32, #tpu.memory_space<vmem>>
        %dma_start3A_2519 = arith.constant 0 : i32
        %dma_start3A_2520 = tpu.memref_slice %arg3[%dma_start3A_2519] : memref<1000000xf32, #tpu.memory_space<hbm>> -> memref<1000000xf32, #tpu.memory_space<hbm>>
        tpu.enqueue_indirect_dma source(%dma_start3A_2520 : memref<1000000xf32, #tpu.memory_space<hbm>>) target(%dma_start3A_2515 : memref<128xf32, #tpu.memory_space<vmem>>) offsets(%dma_start3A_2518 : memref<128xi32, #tpu.memory_space<vmem>>) semaphore(%arg12 : memref<!tpu.dma_semaphore, #tpu.memory_space<semaphore_mem>>)
        %dma_start3A_2521 = arith.constant 0 : i32
        %dma_start3A_2522 = arith.constant 1 : i32
        %dma_start3A_2523 = arith.constant 1 : i32
        %dma_start3A_2524 = arith.constant 0 : i32
        %dma_start3A_2525 = arith.constant 0 : i32
        %dma_start3A_2526 = tpu.memref_slice %arg8[%dma_start3A_2522, %dma_start3A_2523, %dma_start3A_2524, %dma_start3A_2525] : memref<2x2x4x128xf32, #tpu.memory_space<vmem>> -> memref<1x1x1x128xf32, #tpu.memory_space<vmem>>
        %dma_start3A_2527 = tpu.memref_squeeze %dma_start3A_2526 : memref<1x1x1x128xf32, #tpu.memory_space<vmem>> -> memref<128xf32, #tpu.memory_space<vmem>>
        %dma_start3A_2528 = arith.constant 0 : i32
        %dma_start3A_2529 = tpu.memref_slice %arg7[%add3A_2508, %dma_start3A_2521, %dma_start3A_2528] : memref<50x4x128xi32, #tpu.memory_space<vmem>> -> memref<1x1x128xi32, #tpu.memory_space<vmem>>
        %dma_start3A_2530 = tpu.memref_squeeze %dma_start3A_2529 : memref<1x1x128xi32, #tpu.memory_space<vmem>> -> memref<128xi32, #tpu.memory_space<vmem>>
        %dma_start3A_2531 = arith.constant 0 : i32
        %dma_start3A_2532 = tpu.memref_slice %arg4[%dma_start3A_2531] : memref<1000000xf32, #tpu.memory_space<hbm>> -> memref<1000000xf32, #tpu.memory_space<hbm>>
        tpu.enqueue_indirect_dma source(%dma_start3A_2532 : memref<1000000xf32, #tpu.memory_space<hbm>>) target(%dma_start3A_2527 : memref<128xf32, #tpu.memory_space<vmem>>) offsets(%dma_start3A_2530 : memref<128xi32, #tpu.memory_space<vmem>>) semaphore(%arg12 : memref<!tpu.dma_semaphore, #tpu.memory_space<semaphore_mem>>)
        %dma_start3A_2533 = arith.constant 1 : i32
        %dma_start3A_2534 = arith.constant 1 : i32
        %dma_start3A_2535 = arith.constant 0 : i32
        %dma_start3A_2536 = arith.constant 1 : i32
        %dma_start3A_2537 = arith.constant 0 : i32
        %dma_start3A_2538 = tpu.memref_slice %arg8[%dma_start3A_2534, %dma_start3A_2535, %dma_start3A_2536, %dma_start3A_2537] : memref<2x2x4x128xf32, #tpu.memory_space<vmem>> -> memref<1x1x1x128xf32, #tpu.memory_space<vmem>>
        %dma_start3A_2539 = tpu.memref_squeeze %dma_start3A_2538 : memref<1x1x1x128xf32, #tpu.memory_space<vmem>> -> memref<128xf32, #tpu.memory_space<vmem>>
        %dma_start3A_2540 = arith.constant 0 : i32
        %dma_start3A_2541 = tpu.memref_slice %arg7[%add3A_2508, %dma_start3A_2533, %dma_start3A_2540] : memref<50x4x128xi32, #tpu.memory_space<vmem>> -> memref<1x1x128xi32, #tpu.memory_space<vmem>>
        %dma_start3A_2542 = tpu.memref_squeeze %dma_start3A_2541 : memref<1x1x128xi32, #tpu.memory_space<vmem>> -> memref<128xi32, #tpu.memory_space<vmem>>
        %dma_start3A_2543 = arith.constant 0 : i32
        %dma_start3A_2544 = tpu.memref_slice %arg3[%dma_start3A_2543] : memref<1000000xf32, #tpu.memory_space<hbm>> -> memref<1000000xf32, #tpu.memory_space<hbm>>
        tpu.enqueue_indirect_dma source(%dma_start3A_2544 : memref<1000000xf32, #tpu.memory_space<hbm>>) target(%dma_start3A_2539 : memref<128xf32, #tpu.memory_space<vmem>>) offsets(%dma_start3A_2542 : memref<128xi32, #tpu.memory_space<vmem>>) semaphore(%arg12 : memref<!tpu.dma_semaphore, #tpu.memory_space<semaphore_mem>>)
        %dma_start3A_2545 = arith.constant 1 : i32
        %dma_start3A_2546 = arith.constant 1 : i32
        %dma_start3A_2547 = arith.constant 1 : i32
        %dma_start3A_2548 = arith.constant 1 : i32
        %dma_start3A_2549 = arith.constant 0 : i32
        %dma_start3A_2550 = tpu.memref_slice %arg8[%dma_start3A_2546, %dma_start3A_2547, %dma_start3A_2548, %dma_start3A_2549] : memref<2x2x4x128xf32, #tpu.memory_space<vmem>> -> memref<1x1x1x128xf32, #tpu.memory_space<vmem>>
        %dma_start3A_2551 = tpu.memref_squeeze %dma_start3A_2550 : memref<1x1x1x128xf32, #tpu.memory_space<vmem>> -> memref<128xf32, #tpu.memory_space<vmem>>
        %dma_start3A_2552 = arith.constant 0 : i32
        %dma_start3A_2553 = tpu.memref_slice %arg7[%add3A_2508, %dma_start3A_2545, %dma_start3A_2552] : memref<50x4x128xi32, #tpu.memory_space<vmem>> -> memref<1x1x128xi32, #tpu.memory_space<vmem>>
        %dma_start3A_2554 = tpu.memref_squeeze %dma_start3A_2553 : memref<1x1x128xi32, #tpu.memory_space<vmem>> -> memref<128xi32, #tpu.memory_space<vmem>>
        %dma_start3A_2555 = arith.constant 0 : i32
        %dma_start3A_2556 = tpu.memref_slice %arg4[%dma_start3A_2555] : memref<1000000xf32, #tpu.memory_space<hbm>> -> memref<1000000xf32, #tpu.memory_space<hbm>>
        tpu.enqueue_indirect_dma source(%dma_start3A_2556 : memref<1000000xf32, #tpu.memory_space<hbm>>) target(%dma_start3A_2551 : memref<128xf32, #tpu.memory_space<vmem>>) offsets(%dma_start3A_2554 : memref<128xi32, #tpu.memory_space<vmem>>) semaphore(%arg12 : memref<!tpu.dma_semaphore, #tpu.memory_space<semaphore_mem>>)
        %dma_start3A_2557 = arith.constant 2 : i32
        %dma_start3A_2558 = arith.constant 1 : i32
        %dma_start3A_2559 = arith.constant 0 : i32
        %dma_start3A_2560 = arith.constant 2 : i32
        %dma_start3A_2561 = arith.constant 0 : i32
        %dma_start3A_2562 = tpu.memref_slice %arg8[%dma_start3A_2558, %dma_start3A_2559, %dma_start3A_2560, %dma_start3A_2561] : memref<2x2x4x128xf32, #tpu.memory_space<vmem>> -> memref<1x1x1x128xf32, #tpu.memory_space<vmem>>
        %dma_start3A_2563 = tpu.memref_squeeze %dma_start3A_2562 : memref<1x1x1x128xf32, #tpu.memory_space<vmem>> -> memref<128xf32, #tpu.memory_space<vmem>>
        %dma_start3A_2564 = arith.constant 0 : i32
        %dma_start3A_2565 = tpu.memref_slice %arg7[%add3A_2508, %dma_start3A_2557, %dma_start3A_2564] : memref<50x4x128xi32, #tpu.memory_space<vmem>> -> memref<1x1x128xi32, #tpu.memory_space<vmem>>
        %dma_start3A_2566 = tpu.memref_squeeze %dma_start3A_2565 : memref<1x1x128xi32, #tpu.memory_space<vmem>> -> memref<128xi32, #tpu.memory_space<vmem>>
        %dma_start3A_2567 = arith.constant 0 : i32
        %dma_start3A_2568 = tpu.memref_slice %arg3[%dma_start3A_2567] : memref<1000000xf32, #tpu.memory_space<hbm>> -> memref<1000000xf32, #tpu.memory_space<hbm>>
        tpu.enqueue_indirect_dma source(%dma_start3A_2568 : memref<1000000xf32, #tpu.memory_space<hbm>>) target(%dma_start3A_2563 : memref<128xf32, #tpu.memory_space<vmem>>) offsets(%dma_start3A_2566 : memref<128xi32, #tpu.memory_space<vmem>>) semaphore(%arg12 : memref<!tpu.dma_semaphore, #tpu.memory_space<semaphore_mem>>)
        %dma_start3A_2569 = arith.constant 2 : i32
        %dma_start3A_2570 = arith.constant 1 : i32
        %dma_start3A_2571 = arith.constant 1 : i32
        %dma_start3A_2572 = arith.constant 2 : i32
        %dma_start3A_2573 = arith.constant 0 : i32
        %dma_start3A_2574 = tpu.memref_slice %arg8[%dma_start3A_2570, %dma_start3A_2571, %dma_start3A_2572, %dma_start3A_2573] : memref<2x2x4x128xf32, #tpu.memory_space<vmem>> -> memref<1x1x1x128xf32, #tpu.memory_space<vmem>>
        %dma_start3A_2575 = tpu.memref_squeeze %dma_start3A_2574 : memref<1x1x1x128xf32, #tpu.memory_space<vmem>> -> memref<128xf32, #tpu.memory_space<vmem>>
        %dma_start3A_2576 = arith.constant 0 : i32
        %dma_start3A_2577 = tpu.memref_slice %arg7[%add3A_2508, %dma_start3A_2569, %dma_start3A_2576] : memref<50x4x128xi32, #tpu.memory_space<vmem>> -> memref<1x1x128xi32, #tpu.memory_space<vmem>>
        %dma_start3A_2578 = tpu.memref_squeeze %dma_start3A_2577 : memref<1x1x128xi32, #tpu.memory_space<vmem>> -> memref<128xi32, #tpu.memory_space<vmem>>
        %dma_start3A_2579 = arith.constant 0 : i32
        %dma_start3A_2580 = tpu.memref_slice %arg4[%dma_start3A_2579] : memref<1000000xf32, #tpu.memory_space<hbm>> -> memref<1000000xf32, #tpu.memory_space<hbm>>
        tpu.enqueue_indirect_dma source(%dma_start3A_2580 : memref<1000000xf32, #tpu.memory_space<hbm>>) target(%dma_start3A_2575 : memref<128xf32, #tpu.memory_space<vmem>>) offsets(%dma_start3A_2578 : memref<128xi32, #tpu.memory_space<vmem>>) semaphore(%arg12 : memref<!tpu.dma_semaphore, #tpu.memory_space<semaphore_mem>>)
        %dma_start3A_2581 = arith.constant 3 : i32
        %dma_start3A_2582 = arith.constant 1 : i32
        %dma_start3A_2583 = arith.constant 0 : i32
        %dma_start3A_2584 = arith.constant 3 : i32
        %dma_start3A_2585 = arith.constant 0 : i32
        %dma_start3A_2586 = tpu.memref_slice %arg8[%dma_start3A_2582, %dma_start3A_2583, %dma_start3A_2584, %dma_start3A_2585] : memref<2x2x4x128xf32, #tpu.memory_space<vmem>> -> memref<1x1x1x128xf32, #tpu.memory_space<vmem>>
        %dma_start3A_2587 = tpu.memref_squeeze %dma_start3A_2586 : memref<1x1x1x128xf32, #tpu.memory_space<vmem>> -> memref<128xf32, #tpu.memory_space<vmem>>
        %dma_start3A_2588 = arith.constant 0 : i32
        %dma_start3A_2589 = tpu.memref_slice %arg7[%add3A_2508, %dma_start3A_2581, %dma_start3A_2588] : memref<50x4x128xi32, #tpu.memory_space<vmem>> -> memref<1x1x128xi32, #tpu.memory_space<vmem>>
        %dma_start3A_2590 = tpu.memref_squeeze %dma_start3A_2589 : memref<1x1x128xi32, #tpu.memory_space<vmem>> -> memref<128xi32, #tpu.memory_space<vmem>>
        %dma_start3A_2591 = arith.constant 0 : i32
        %dma_start3A_2592 = tpu.memref_slice %arg3[%dma_start3A_2591] : memref<1000000xf32, #tpu.memory_space<hbm>> -> memref<1000000xf32, #tpu.memory_space<hbm>>
        tpu.enqueue_indirect_dma source(%dma_start3A_2592 : memref<1000000xf32, #tpu.memory_space<hbm>>) target(%dma_start3A_2587 : memref<128xf32, #tpu.memory_space<vmem>>) offsets(%dma_start3A_2590 : memref<128xi32, #tpu.memory_space<vmem>>) semaphore(%arg12 : memref<!tpu.dma_semaphore, #tpu.memory_space<semaphore_mem>>)
        %dma_start3A_2593 = arith.constant 3 : i32
        %dma_start3A_2594 = arith.constant 1 : i32
        %dma_start3A_2595 = arith.constant 1 : i32
        %dma_start3A_2596 = arith.constant 3 : i32
        %dma_start3A_2597 = arith.constant 0 : i32
        %dma_start3A_2598 = tpu.memref_slice %arg8[%dma_start3A_2594, %dma_start3A_2595, %dma_start3A_2596, %dma_start3A_2597] : memref<2x2x4x128xf32, #tpu.memory_space<vmem>> -> memref<1x1x1x128xf32, #tpu.memory_space<vmem>>
        %dma_start3A_2599 = tpu.memref_squeeze %dma_start3A_2598 : memref<1x1x1x128xf32, #tpu.memory_space<vmem>> -> memref<128xf32, #tpu.memory_space<vmem>>
        %dma_start3A_2600 = arith.constant 0 : i32
        %dma_start3A_2601 = tpu.memref_slice %arg7[%add3A_2508, %dma_start3A_2593, %dma_start3A_2600] : memref<50x4x128xi32, #tpu.memory_space<vmem>> -> memref<1x1x128xi32, #tpu.memory_space<vmem>>
        %dma_start3A_2602 = tpu.memref_squeeze %dma_start3A_2601 : memref<1x1x128xi32, #tpu.memory_space<vmem>> -> memref<128xi32, #tpu.memory_space<vmem>>
        %dma_start3A_2603 = arith.constant 0 : i32
        %dma_start3A_2604 = tpu.memref_slice %arg4[%dma_start3A_2603] : memref<1000000xf32, #tpu.memory_space<hbm>> -> memref<1000000xf32, #tpu.memory_space<hbm>>
        tpu.enqueue_indirect_dma source(%dma_start3A_2604 : memref<1000000xf32, #tpu.memory_space<hbm>>) target(%dma_start3A_2599 : memref<128xf32, #tpu.memory_space<vmem>>) offsets(%dma_start3A_2602 : memref<128xi32, #tpu.memory_space<vmem>>) semaphore(%arg12 : memref<!tpu.dma_semaphore, #tpu.memory_space<semaphore_mem>>)
      } else {
      }
      %dma_wait3A = arith.constant 0 : i32
      %dma_wait3A_130 = arith.constant 0 : i32
      %dma_wait3A_131 = arith.constant 0 : i32
      %dma_wait3A_132 = arith.constant 0 : i32
      %dma_wait3A_133 = arith.constant 0 : i32
      %dma_wait3A_134 = tpu.memref_slice %arg8[%dma_wait3A_130, %dma_wait3A_131, %dma_wait3A_132, %dma_wait3A_133] : memref<2x2x4x128xf32, #tpu.memory_space<vmem>> -> memref<1x1x1x128xf32, #tpu.memory_space<vmem>>
      %dma_wait3A_135 = tpu.memref_squeeze %dma_wait3A_134 : memref<1x1x1x128xf32, #tpu.memory_space<vmem>> -> memref<128xf32, #tpu.memory_space<vmem>>
      %dma_wait3A_136 = arith.constant 0 : i32
      %dma_wait3A_137 = tpu.memref_slice %arg7[%add3A_125, %dma_wait3A, %dma_wait3A_136] : memref<50x4x128xi32, #tpu.memory_space<vmem>> -> memref<1x1x128xi32, #tpu.memory_space<vmem>>
      %dma_wait3A_138 = tpu.memref_squeeze %dma_wait3A_137 : memref<1x1x128xi32, #tpu.memory_space<vmem>> -> memref<128xi32, #tpu.memory_space<vmem>>
      %dma_wait3A_139 = arith.constant 0 : i32
      %dma_wait3A_140 = tpu.memref_slice %arg3[%dma_wait3A_139] : memref<1000000xf32, #tpu.memory_space<hbm>> -> memref<1000000xf32, #tpu.memory_space<hbm>>
      tpu.wait_indirect_dma semaphore(%arg11 : memref<!tpu.dma_semaphore, #tpu.memory_space<semaphore_mem>>) src(%dma_wait3A_140 : memref<1000000xf32, #tpu.memory_space<hbm>>) dst(%dma_wait3A_135 : memref<128xf32, #tpu.memory_space<vmem>>)
      %dma_wait3A_141 = arith.constant 0 : i32
      %dma_wait3A_142 = arith.constant 0 : i32
      %dma_wait3A_143 = arith.constant 1 : i32
      %dma_wait3A_144 = arith.constant 0 : i32
      %dma_wait3A_145 = arith.constant 0 : i32
      %dma_wait3A_146 = tpu.memref_slice %arg8[%dma_wait3A_142, %dma_wait3A_143, %dma_wait3A_144, %dma_wait3A_145] : memref<2x2x4x128xf32, #tpu.memory_space<vmem>> -> memref<1x1x1x128xf32, #tpu.memory_space<vmem>>
      %dma_wait3A_147 = tpu.memref_squeeze %dma_wait3A_146 : memref<1x1x1x128xf32, #tpu.memory_space<vmem>> -> memref<128xf32, #tpu.memory_space<vmem>>
      %dma_wait3A_148 = arith.constant 0 : i32
      %dma_wait3A_149 = tpu.memref_slice %arg7[%add3A_125, %dma_wait3A_141, %dma_wait3A_148] : memref<50x4x128xi32, #tpu.memory_space<vmem>> -> memref<1x1x128xi32, #tpu.memory_space<vmem>>
      %dma_wait3A_150 = tpu.memref_squeeze %dma_wait3A_149 : memref<1x1x128xi32, #tpu.memory_space<vmem>> -> memref<128xi32, #tpu.memory_space<vmem>>
      %dma_wait3A_151 = arith.constant 0 : i32
      %dma_wait3A_152 = tpu.memref_slice %arg4[%dma_wait3A_151] : memref<1000000xf32, #tpu.memory_space<hbm>> -> memref<1000000xf32, #tpu.memory_space<hbm>>
      tpu.wait_indirect_dma semaphore(%arg11 : memref<!tpu.dma_semaphore, #tpu.memory_space<semaphore_mem>>) src(%dma_wait3A_152 : memref<1000000xf32, #tpu.memory_space<hbm>>) dst(%dma_wait3A_147 : memref<128xf32, #tpu.memory_space<vmem>>)
      %dma_wait3A_153 = arith.constant 1 : i32
      %dma_wait3A_154 = arith.constant 0 : i32
      %dma_wait3A_155 = arith.constant 0 : i32
      %dma_wait3A_156 = arith.constant 1 : i32
      %dma_wait3A_157 = arith.constant 0 : i32
      %dma_wait3A_158 = tpu.memref_slice %arg8[%dma_wait3A_154, %dma_wait3A_155, %dma_wait3A_156, %dma_wait3A_157] : memref<2x2x4x128xf32, #tpu.memory_space<vmem>> -> memref<1x1x1x128xf32, #tpu.memory_space<vmem>>
      %dma_wait3A_159 = tpu.memref_squeeze %dma_wait3A_158 : memref<1x1x1x128xf32, #tpu.memory_space<vmem>> -> memref<128xf32, #tpu.memory_space<vmem>>
      %dma_wait3A_160 = arith.constant 0 : i32
      %dma_wait3A_161 = tpu.memref_slice %arg7[%add3A_125, %dma_wait3A_153, %dma_wait3A_160] : memref<50x4x128xi32, #tpu.memory_space<vmem>> -> memref<1x1x128xi32, #tpu.memory_space<vmem>>
      %dma_wait3A_162 = tpu.memref_squeeze %dma_wait3A_161 : memref<1x1x128xi32, #tpu.memory_space<vmem>> -> memref<128xi32, #tpu.memory_space<vmem>>
      %dma_wait3A_163 = arith.constant 0 : i32
      %dma_wait3A_164 = tpu.memref_slice %arg3[%dma_wait3A_163] : memref<1000000xf32, #tpu.memory_space<hbm>> -> memref<1000000xf32, #tpu.memory_space<hbm>>
      tpu.wait_indirect_dma semaphore(%arg11 : memref<!tpu.dma_semaphore, #tpu.memory_space<semaphore_mem>>) src(%dma_wait3A_164 : memref<1000000xf32, #tpu.memory_space<hbm>>) dst(%dma_wait3A_159 : memref<128xf32, #tpu.memory_space<vmem>>)
      %dma_wait3A_165 = arith.constant 1 : i32
      %dma_wait3A_166 = arith.constant 0 : i32
      %dma_wait3A_167 = arith.constant 1 : i32
      %dma_wait3A_168 = arith.constant 1 : i32
      %dma_wait3A_169 = arith.constant 0 : i32
      %dma_wait3A_170 = tpu.memref_slice %arg8[%dma_wait3A_166, %dma_wait3A_167, %dma_wait3A_168, %dma_wait3A_169] : memref<2x2x4x128xf32, #tpu.memory_space<vmem>> -> memref<1x1x1x128xf32, #tpu.memory_space<vmem>>
      %dma_wait3A_171 = tpu.memref_squeeze %dma_wait3A_170 : memref<1x1x1x128xf32, #tpu.memory_space<vmem>> -> memref<128xf32, #tpu.memory_space<vmem>>
      %dma_wait3A_172 = arith.constant 0 : i32
      %dma_wait3A_173 = tpu.memref_slice %arg7[%add3A_125, %dma_wait3A_165, %dma_wait3A_172] : memref<50x4x128xi32, #tpu.memory_space<vmem>> -> memref<1x1x128xi32, #tpu.memory_space<vmem>>
      %dma_wait3A_174 = tpu.memref_squeeze %dma_wait3A_173 : memref<1x1x128xi32, #tpu.memory_space<vmem>> -> memref<128xi32, #tpu.memory_space<vmem>>
      %dma_wait3A_175 = arith.constant 0 : i32
      %dma_wait3A_176 = tpu.memref_slice %arg4[%dma_wait3A_175] : memref<1000000xf32, #tpu.memory_space<hbm>> -> memref<1000000xf32, #tpu.memory_space<hbm>>
      tpu.wait_indirect_dma semaphore(%arg11 : memref<!tpu.dma_semaphore, #tpu.memory_space<semaphore_mem>>) src(%dma_wait3A_176 : memref<1000000xf32, #tpu.memory_space<hbm>>) dst(%dma_wait3A_171 : memref<128xf32, #tpu.memory_space<vmem>>)
      %dma_wait3A_177 = arith.constant 2 : i32
      %dma_wait3A_178 = arith.constant 0 : i32
      %dma_wait3A_179 = arith.constant 0 : i32
      %dma_wait3A_180 = arith.constant 2 : i32
      %dma_wait3A_181 = arith.constant 0 : i32
      %dma_wait3A_182 = tpu.memref_slice %arg8[%dma_wait3A_178, %dma_wait3A_179, %dma_wait3A_180, %dma_wait3A_181] : memref<2x2x4x128xf32, #tpu.memory_space<vmem>> -> memref<1x1x1x128xf32, #tpu.memory_space<vmem>>
      %dma_wait3A_183 = tpu.memref_squeeze %dma_wait3A_182 : memref<1x1x1x128xf32, #tpu.memory_space<vmem>> -> memref<128xf32, #tpu.memory_space<vmem>>
      %dma_wait3A_184 = arith.constant 0 : i32
      %dma_wait3A_185 = tpu.memref_slice %arg7[%add3A_125, %dma_wait3A_177, %dma_wait3A_184] : memref<50x4x128xi32, #tpu.memory_space<vmem>> -> memref<1x1x128xi32, #tpu.memory_space<vmem>>
      %dma_wait3A_186 = tpu.memref_squeeze %dma_wait3A_185 : memref<1x1x128xi32, #tpu.memory_space<vmem>> -> memref<128xi32, #tpu.memory_space<vmem>>
      %dma_wait3A_187 = arith.constant 0 : i32
      %dma_wait3A_188 = tpu.memref_slice %arg3[%dma_wait3A_187] : memref<1000000xf32, #tpu.memory_space<hbm>> -> memref<1000000xf32, #tpu.memory_space<hbm>>
      tpu.wait_indirect_dma semaphore(%arg11 : memref<!tpu.dma_semaphore, #tpu.memory_space<semaphore_mem>>) src(%dma_wait3A_188 : memref<1000000xf32, #tpu.memory_space<hbm>>) dst(%dma_wait3A_183 : memref<128xf32, #tpu.memory_space<vmem>>)
      %dma_wait3A_189 = arith.constant 2 : i32
      %dma_wait3A_190 = arith.constant 0 : i32
      %dma_wait3A_191 = arith.constant 1 : i32
      %dma_wait3A_192 = arith.constant 2 : i32
      %dma_wait3A_193 = arith.constant 0 : i32
      %dma_wait3A_194 = tpu.memref_slice %arg8[%dma_wait3A_190, %dma_wait3A_191, %dma_wait3A_192, %dma_wait3A_193] : memref<2x2x4x128xf32, #tpu.memory_space<vmem>> -> memref<1x1x1x128xf32, #tpu.memory_space<vmem>>
      %dma_wait3A_195 = tpu.memref_squeeze %dma_wait3A_194 : memref<1x1x1x128xf32, #tpu.memory_space<vmem>> -> memref<128xf32, #tpu.memory_space<vmem>>
      %dma_wait3A_196 = arith.constant 0 : i32
      %dma_wait3A_197 = tpu.memref_slice %arg7[%add3A_125, %dma_wait3A_189, %dma_wait3A_196] : memref<50x4x128xi32, #tpu.memory_space<vmem>> -> memref<1x1x128xi32, #tpu.memory_space<vmem>>
      %dma_wait3A_198 = tpu.memref_squeeze %dma_wait3A_197 : memref<1x1x128xi32, #tpu.memory_space<vmem>> -> memref<128xi32, #tpu.memory_space<vmem>>
      %dma_wait3A_199 = arith.constant 0 : i32
      %dma_wait3A_200 = tpu.memref_slice %arg4[%dma_wait3A_199] : memref<1000000xf32, #tpu.memory_space<hbm>> -> memref<1000000xf32, #tpu.memory_space<hbm>>
      tpu.wait_indirect_dma semaphore(%arg11 : memref<!tpu.dma_semaphore, #tpu.memory_space<semaphore_mem>>) src(%dma_wait3A_200 : memref<1000000xf32, #tpu.memory_space<hbm>>) dst(%dma_wait3A_195 : memref<128xf32, #tpu.memory_space<vmem>>)
      %dma_wait3A_201 = arith.constant 3 : i32
      %dma_wait3A_202 = arith.constant 0 : i32
      %dma_wait3A_203 = arith.constant 0 : i32
      %dma_wait3A_204 = arith.constant 3 : i32
      %dma_wait3A_205 = arith.constant 0 : i32
      %dma_wait3A_206 = tpu.memref_slice %arg8[%dma_wait3A_202, %dma_wait3A_203, %dma_wait3A_204, %dma_wait3A_205] : memref<2x2x4x128xf32, #tpu.memory_space<vmem>> -> memref<1x1x1x128xf32, #tpu.memory_space<vmem>>
      %dma_wait3A_207 = tpu.memref_squeeze %dma_wait3A_206 : memref<1x1x1x128xf32, #tpu.memory_space<vmem>> -> memref<128xf32, #tpu.memory_space<vmem>>
      %dma_wait3A_208 = arith.constant 0 : i32
      %dma_wait3A_209 = tpu.memref_slice %arg7[%add3A_125, %dma_wait3A_201, %dma_wait3A_208] : memref<50x4x128xi32, #tpu.memory_space<vmem>> -> memref<1x1x128xi32, #tpu.memory_space<vmem>>
      %dma_wait3A_210 = tpu.memref_squeeze %dma_wait3A_209 : memref<1x1x128xi32, #tpu.memory_space<vmem>> -> memref<128xi32, #tpu.memory_space<vmem>>
      %dma_wait3A_211 = arith.constant 0 : i32
      %dma_wait3A_212 = tpu.memref_slice %arg3[%dma_wait3A_211] : memref<1000000xf32, #tpu.memory_space<hbm>> -> memref<1000000xf32, #tpu.memory_space<hbm>>
      tpu.wait_indirect_dma semaphore(%arg11 : memref<!tpu.dma_semaphore, #tpu.memory_space<semaphore_mem>>) src(%dma_wait3A_212 : memref<1000000xf32, #tpu.memory_space<hbm>>) dst(%dma_wait3A_207 : memref<128xf32, #tpu.memory_space<vmem>>)
      %dma_wait3A_213 = arith.constant 3 : i32
      %dma_wait3A_214 = arith.constant 0 : i32
      %dma_wait3A_215 = arith.constant 1 : i32
      %dma_wait3A_216 = arith.constant 3 : i32
      %dma_wait3A_217 = arith.constant 0 : i32
      %dma_wait3A_218 = tpu.memref_slice %arg8[%dma_wait3A_214, %dma_wait3A_215, %dma_wait3A_216, %dma_wait3A_217] : memref<2x2x4x128xf32, #tpu.memory_space<vmem>> -> memref<1x1x1x128xf32, #tpu.memory_space<vmem>>
      %dma_wait3A_219 = tpu.memref_squeeze %dma_wait3A_218 : memref<1x1x1x128xf32, #tpu.memory_space<vmem>> -> memref<128xf32, #tpu.memory_space<vmem>>
      %dma_wait3A_220 = arith.constant 0 : i32
      %dma_wait3A_221 = tpu.memref_slice %arg7[%add3A_125, %dma_wait3A_213, %dma_wait3A_220] : memref<50x4x128xi32, #tpu.memory_space<vmem>> -> memref<1x1x128xi32, #tpu.memory_space<vmem>>
      %dma_wait3A_222 = tpu.memref_squeeze %dma_wait3A_221 : memref<1x1x128xi32, #tpu.memory_space<vmem>> -> memref<128xi32, #tpu.memory_space<vmem>>
      %dma_wait3A_223 = arith.constant 0 : i32
      %dma_wait3A_224 = tpu.memref_slice %arg4[%dma_wait3A_223] : memref<1000000xf32, #tpu.memory_space<hbm>> -> memref<1000000xf32, #tpu.memory_space<hbm>>
      tpu.wait_indirect_dma semaphore(%arg11 : memref<!tpu.dma_semaphore, #tpu.memory_space<semaphore_mem>>) src(%dma_wait3A_224 : memref<1000000xf32, #tpu.memory_space<hbm>>) dst(%dma_wait3A_219 : memref<128xf32, #tpu.memory_space<vmem>>)
      %get3A = arith.constant 0 : index
      %get3A_225 = tpu.vector_load %arg9[%get3A] {strides = array<i32>} : memref<512xf32, #tpu.memory_space<vmem>>, vector<16xf32>,
      %get3A_226 = vector.shape_cast %get3A_225 : vector<16xf32> to vector<16xf32>
      %get3A_227 = arith.constant 0 : i32
      %get3A_228 = arith.constant 0 : i32
      %get3A_229 = arith.constant 0 : i32
      %get3A_230 = arith.index_cast %get3A_227 : i32 to index
      %get3A_231 = arith.index_cast %get3A_228 : i32 to index
      %get3A_232 = arith.index_cast %get3A_229 : i32 to index
      %get3A_233 = arith.constant 0 : index
      %get3A_234 = tpu.vector_load %arg8[%get3A_230, %get3A_231, %get3A_232, %get3A_233] {strides = array<i32>} : memref<2x2x4x128xf32, #tpu.memory_space<vmem>>, vector<1x1x1x16xf32>,
      %get3A_235 = vector.shape_cast %get3A_234 : vector<1x1x1x16xf32> to vector<16xf32>
      %add3A_236 = arith.addf %get3A_226, %get3A_235 : vector<16xf32>
      %swap3A = arith.constant 0 : index
      %swap3A_237 = tpu.vector_load %arg9[%swap3A] {strides = array<i32>} : memref<512xf32, #tpu.memory_space<vmem>>, vector<16xf32>,
      %swap3A_238 = vector.shape_cast %swap3A_237 : vector<16xf32> to vector<16xf32>
      %swap3A_239 = vector.shape_cast %add3A_236 : vector<16xf32> to vector<16xf32>
      tpu.vector_store %arg9[%swap3A], %swap3A_239 {strides = array<i32>} : memref<512xf32, #tpu.memory_space<vmem>>, vector<16xf32>,
      %get3A_240 = arith.constant 0 : index
      %get3A_241 = tpu.vector_load %arg10[%get3A_240] {strides = array<i32>} : memref<512xf32, #tpu.memory_space<vmem>>, vector<16xf32>,
      %get3A_242 = vector.shape_cast %get3A_241 : vector<16xf32> to vector<16xf32>
      %get3A_243 = arith.constant 0 : i32
      %get3A_244 = arith.constant 1 : i32
      %get3A_245 = arith.constant 0 : i32
      %get3A_246 = arith.index_cast %get3A_243 : i32 to index
      %get3A_247 = arith.index_cast %get3A_244 : i32 to index
      %get3A_248 = arith.index_cast %get3A_245 : i32 to index
      %get3A_249 = arith.constant 0 : index
      %get3A_250 = tpu.vector_load %arg8[%get3A_246, %get3A_247, %get3A_248, %get3A_249] {strides = array<i32>} : memref<2x2x4x128xf32, #tpu.memory_space<vmem>>, vector<1x1x1x16xf32>,
      %get3A_251 = vector.shape_cast %get3A_250 : vector<1x1x1x16xf32> to vector<16xf32>
      %add3A_252 = arith.addf %get3A_242, %get3A_251 : vector<16xf32>
      %swap3A_253 = arith.constant 0 : index
      %swap3A_254 = tpu.vector_load %arg10[%swap3A_253] {strides = array<i32>} : memref<512xf32, #tpu.memory_space<vmem>>, vector<16xf32>,
      %swap3A_255 = vector.shape_cast %swap3A_254 : vector<16xf32> to vector<16xf32>
      %swap3A_256 = vector.shape_cast %add3A_252 : vector<16xf32> to vector<16xf32>
      tpu.vector_store %arg10[%swap3A_253], %swap3A_256 {strides = array<i32>} : memref<512xf32, #tpu.memory_space<vmem>>, vector<16xf32>,
      %get3A_257 = arith.constant 16 : index
      %get3A_258 = tpu.vector_load %arg9[%get3A_257] {strides = array<i32>} : memref<512xf32, #tpu.memory_space<vmem>>, vector<16xf32>,
      %get3A_259 = vector.shape_cast %get3A_258 : vector<16xf32> to vector<16xf32>
      %get3A_260 = arith.constant 0 : i32
      %get3A_261 = arith.constant 0 : i32
      %get3A_262 = arith.constant 0 : i32
      %get3A_263 = arith.index_cast %get3A_260 : i32 to index
      %get3A_264 = arith.index_cast %get3A_261 : i32 to index
      %get3A_265 = arith.index_cast %get3A_262 : i32 to index
      %get3A_266 = arith.constant 16 : index
      %get3A_267 = tpu.vector_load %arg8[%get3A_263, %get3A_264, %get3A_265, %get3A_266] {strides = array<i32>} : memref<2x2x4x128xf32, #tpu.memory_space<vmem>>, vector<1x1x1x16xf32>,
      %get3A_268 = vector.shape_cast %get3A_267 : vector<1x1x1x16xf32> to vector<16xf32>
      %add3A_269 = arith.addf %get3A_259, %get3A_268 : vector<16xf32>
      %swap3A_270 = arith.constant 16 : index
      %swap3A_271 = tpu.vector_load %arg9[%swap3A_270] {strides = array<i32>} : memref<512xf32, #tpu.memory_space<vmem>>, vector<16xf32>,
      %swap3A_272 = vector.shape_cast %swap3A_271 : vector<16xf32> to vector<16xf32>
      %swap3A_273 = vector.shape_cast %add3A_269 : vector<16xf32> to vector<16xf32>
      tpu.vector_store %arg9[%swap3A_270], %swap3A_273 {strides = array<i32>} : memref<512xf32, #tpu.memory_space<vmem>>, vector<16xf32>,
      %get3A_274 = arith.constant 16 : index
      %get3A_275 = tpu.vector_load %arg10[%get3A_274] {strides = array<i32>} : memref<512xf32, #tpu.memory_space<vmem>>, vector<16xf32>,
      %get3A_276 = vector.shape_cast %get3A_275 : vector<16xf32> to vector<16xf32>
      %get3A_277 = arith.constant 0 : i32
      %get3A_278 = arith.constant 1 : i32
      %get3A_279 = arith.constant 0 : i32
      %get3A_280 = arith.index_cast %get3A_277 : i32 to index
      %get3A_281 = arith.index_cast %get3A_278 : i32 to index
      %get3A_282 = arith.index_cast %get3A_279 : i32 to index
      %get3A_283 = arith.constant 16 : index
      %get3A_284 = tpu.vector_load %arg8[%get3A_280, %get3A_281, %get3A_282, %get3A_283] {strides = array<i32>} : memref<2x2x4x128xf32, #tpu.memory_space<vmem>>, vector<1x1x1x16xf32>,
      %get3A_285 = vector.shape_cast %get3A_284 : vector<1x1x1x16xf32> to vector<16xf32>
      %add3A_286 = arith.addf %get3A_276, %get3A_285 : vector<16xf32>
      %swap3A_287 = arith.constant 16 : index
      %swap3A_288 = tpu.vector_load %arg10[%swap3A_287] {strides = array<i32>} : memref<512xf32, #tpu.memory_space<vmem>>, vector<16xf32>,
      %swap3A_289 = vector.shape_cast %swap3A_288 : vector<16xf32> to vector<16xf32>
      %swap3A_290 = vector.shape_cast %add3A_286 : vector<16xf32> to vector<16xf32>
      tpu.vector_store %arg10[%swap3A_287], %swap3A_290 {strides = array<i32>} : memref<512xf32, #tpu.memory_space<vmem>>, vector<16xf32>,
      %get3A_291 = arith.constant 32 : index
      %get3A_292 = tpu.vector_load %arg9[%get3A_291] {strides = array<i32>} : memref<512xf32, #tpu.memory_space<vmem>>, vector<16xf32>,
      %get3A_293 = vector.shape_cast %get3A_292 : vector<16xf32> to vector<16xf32>
      %get3A_294 = arith.constant 0 : i32
      %get3A_295 = arith.constant 0 : i32
      %get3A_296 = arith.constant 0 : i32
      %get3A_297 = arith.index_cast %get3A_294 : i32 to index
      %get3A_298 = arith.index_cast %get3A_295 : i32 to index
      %get3A_299 = arith.index_cast %get3A_296 : i32 to index
      %get3A_300 = arith.constant 32 : index
      %get3A_301 = tpu.vector_load %arg8[%get3A_297, %get3A_298, %get3A_299, %get3A_300] {strides = array<i32>} : memref<2x2x4x128xf32, #tpu.memory_space<vmem>>, vector<1x1x1x16xf32>,
      %get3A_302 = vector.shape_cast %get3A_301 : vector<1x1x1x16xf32> to vector<16xf32>
      %add3A_303 = arith.addf %get3A_293, %get3A_302 : vector<16xf32>
      %swap3A_304 = arith.constant 32 : index
      %swap3A_305 = tpu.vector_load %arg9[%swap3A_304] {strides = array<i32>} : memref<512xf32, #tpu.memory_space<vmem>>, vector<16xf32>,
      %swap3A_306 = vector.shape_cast %swap3A_305 : vector<16xf32> to vector<16xf32>
      %swap3A_307 = vector.shape_cast %add3A_303 : vector<16xf32> to vector<16xf32>
      tpu.vector_store %arg9[%swap3A_304], %swap3A_307 {strides = array<i32>} : memref<512xf32, #tpu.memory_space<vmem>>, vector<16xf32>,
      %get3A_308 = arith.constant 32 : index
      %get3A_309 = tpu.vector_load %arg10[%get3A_308] {strides = array<i32>} : memref<512xf32, #tpu.memory_space<vmem>>, vector<16xf32>,
      %get3A_310 = vector.shape_cast %get3A_309 : vector<16xf32> to vector<16xf32>
      %get3A_311 = arith.constant 0 : i32
      %get3A_312 = arith.constant 1 : i32
      %get3A_313 = arith.constant 0 : i32
      %get3A_314 = arith.index_cast %get3A_311 : i32 to index
      %get3A_315 = arith.index_cast %get3A_312 : i32 to index
      %get3A_316 = arith.index_cast %get3A_313 : i32 to index
      %get3A_317 = arith.constant 32 : index
      %get3A_318 = tpu.vector_load %arg8[%get3A_314, %get3A_315, %get3A_316, %get3A_317] {strides = array<i32>} : memref<2x2x4x128xf32, #tpu.memory_space<vmem>>, vector<1x1x1x16xf32>,
      %get3A_319 = vector.shape_cast %get3A_318 : vector<1x1x1x16xf32> to vector<16xf32>
      %add3A_320 = arith.addf %get3A_310, %get3A_319 : vector<16xf32>
      %swap3A_321 = arith.constant 32 : index
      %swap3A_322 = tpu.vector_load %arg10[%swap3A_321] {strides = array<i32>} : memref<512xf32, #tpu.memory_space<vmem>>, vector<16xf32>,
      %swap3A_323 = vector.shape_cast %swap3A_322 : vector<16xf32> to vector<16xf32>
      %swap3A_324 = vector.shape_cast %add3A_320 : vector<16xf32> to vector<16xf32>
      tpu.vector_store %arg10[%swap3A_321], %swap3A_324 {strides = array<i32>} : memref<512xf32, #tpu.memory_space<vmem>>, vector<16xf32>,
      %get3A_325 = arith.constant 48 : index
      %get3A_326 = tpu.vector_load %arg9[%get3A_325] {strides = array<i32>} : memref<512xf32, #tpu.memory_space<vmem>>, vector<16xf32>,
      %get3A_327 = vector.shape_cast %get3A_326 : vector<16xf32> to vector<16xf32>
      %get3A_328 = arith.constant 0 : i32
      %get3A_329 = arith.constant 0 : i32
      %get3A_330 = arith.constant 0 : i32
      %get3A_331 = arith.index_cast %get3A_328 : i32 to index
      %get3A_332 = arith.index_cast %get3A_329 : i32 to index
      %get3A_333 = arith.index_cast %get3A_330 : i32 to index
      %get3A_334 = arith.constant 48 : index
      %get3A_335 = tpu.vector_load %arg8[%get3A_331, %get3A_332, %get3A_333, %get3A_334] {strides = array<i32>} : memref<2x2x4x128xf32, #tpu.memory_space<vmem>>, vector<1x1x1x16xf32>,
      %get3A_336 = vector.shape_cast %get3A_335 : vector<1x1x1x16xf32> to vector<16xf32>
      %add3A_337 = arith.addf %get3A_327, %get3A_336 : vector<16xf32>
      %swap3A_338 = arith.constant 48 : index
      %swap3A_339 = tpu.vector_load %arg9[%swap3A_338] {strides = array<i32>} : memref<512xf32, #tpu.memory_space<vmem>>, vector<16xf32>,
      %swap3A_340 = vector.shape_cast %swap3A_339 : vector<16xf32> to vector<16xf32>
      %swap3A_341 = vector.shape_cast %add3A_337 : vector<16xf32> to vector<16xf32>
      tpu.vector_store %arg9[%swap3A_338], %swap3A_341 {strides = array<i32>} : memref<512xf32, #tpu.memory_space<vmem>>, vector<16xf32>,
      %get3A_342 = arith.constant 48 : index
      %get3A_343 = tpu.vector_load %arg10[%get3A_342] {strides = array<i32>} : memref<512xf32, #tpu.memory_space<vmem>>, vector<16xf32>,
      %get3A_344 = vector.shape_cast %get3A_343 : vector<16xf32> to vector<16xf32>
      %get3A_345 = arith.constant 0 : i32
      %get3A_346 = arith.constant 1 : i32
      %get3A_347 = arith.constant 0 : i32
      %get3A_348 = arith.index_cast %get3A_345 : i32 to index
      %get3A_349 = arith.index_cast %get3A_346 : i32 to index
      %get3A_350 = arith.index_cast %get3A_347 : i32 to index
      %get3A_351 = arith.constant 48 : index
      %get3A_352 = tpu.vector_load %arg8[%get3A_348, %get3A_349, %get3A_350, %get3A_351] {strides = array<i32>} : memref<2x2x4x128xf32, #tpu.memory_space<vmem>>, vector<1x1x1x16xf32>,
      %get3A_353 = vector.shape_cast %get3A_352 : vector<1x1x1x16xf32> to vector<16xf32>
      %add3A_354 = arith.addf %get3A_344, %get3A_353 : vector<16xf32>
      %swap3A_355 = arith.constant 48 : index
      %swap3A_356 = tpu.vector_load %arg10[%swap3A_355] {strides = array<i32>} : memref<512xf32, #tpu.memory_space<vmem>>, vector<16xf32>,
      %swap3A_357 = vector.shape_cast %swap3A_356 : vector<16xf32> to vector<16xf32>
      %swap3A_358 = vector.shape_cast %add3A_354 : vector<16xf32> to vector<16xf32>
      tpu.vector_store %arg10[%swap3A_355], %swap3A_358 {strides = array<i32>} : memref<512xf32, #tpu.memory_space<vmem>>, vector<16xf32>,
      %get3A_359 = arith.constant 64 : index
      %get3A_360 = tpu.vector_load %arg9[%get3A_359] {strides = array<i32>} : memref<512xf32, #tpu.memory_space<vmem>>, vector<16xf32>,
      %get3A_361 = vector.shape_cast %get3A_360 : vector<16xf32> to vector<16xf32>
      %get3A_362 = arith.constant 0 : i32
      %get3A_363 = arith.constant 0 : i32
      %get3A_364 = arith.constant 0 : i32
      %get3A_365 = arith.index_cast %get3A_362 : i32 to index
      %get3A_366 = arith.index_cast %get3A_363 : i32 to index
      %get3A_367 = arith.index_cast %get3A_364 : i32 to index
      %get3A_368 = arith.constant 64 : index
      %get3A_369 = tpu.vector_load %arg8[%get3A_365, %get3A_366, %get3A_367, %get3A_368] {strides = array<i32>} : memref<2x2x4x128xf32, #tpu.memory_space<vmem>>, vector<1x1x1x16xf32>,
      %get3A_370 = vector.shape_cast %get3A_369 : vector<1x1x1x16xf32> to vector<16xf32>
      %add3A_371 = arith.addf %get3A_361, %get3A_370 : vector<16xf32>
      %swap3A_372 = arith.constant 64 : index
      %swap3A_373 = tpu.vector_load %arg9[%swap3A_372] {strides = array<i32>} : memref<512xf32, #tpu.memory_space<vmem>>, vector<16xf32>,
      %swap3A_374 = vector.shape_cast %swap3A_373 : vector<16xf32> to vector<16xf32>
      %swap3A_375 = vector.shape_cast %add3A_371 : vector<16xf32> to vector<16xf32>
      tpu.vector_store %arg9[%swap3A_372], %swap3A_375 {strides = array<i32>} : memref<512xf32, #tpu.memory_space<vmem>>, vector<16xf32>,
      %get3A_376 = arith.constant 64 : index
      %get3A_377 = tpu.vector_load %arg10[%get3A_376] {strides = array<i32>} : memref<512xf32, #tpu.memory_space<vmem>>, vector<16xf32>,
      %get3A_378 = vector.shape_cast %get3A_377 : vector<16xf32> to vector<16xf32>
      %get3A_379 = arith.constant 0 : i32
      %get3A_380 = arith.constant 1 : i32
      %get3A_381 = arith.constant 0 : i32
      %get3A_382 = arith.index_cast %get3A_379 : i32 to index
      %get3A_383 = arith.index_cast %get3A_380 : i32 to index
      %get3A_384 = arith.index_cast %get3A_381 : i32 to index
      %get3A_385 = arith.constant 64 : index
      %get3A_386 = tpu.vector_load %arg8[%get3A_382, %get3A_383, %get3A_384, %get3A_385] {strides = array<i32>} : memref<2x2x4x128xf32, #tpu.memory_space<vmem>>, vector<1x1x1x16xf32>,
      %get3A_387 = vector.shape_cast %get3A_386 : vector<1x1x1x16xf32> to vector<16xf32>
      %add3A_388 = arith.addf %get3A_378, %get3A_387 : vector<16xf32>
      %swap3A_389 = arith.constant 64 : index
      %swap3A_390 = tpu.vector_load %arg10[%swap3A_389] {strides = array<i32>} : memref<512xf32, #tpu.memory_space<vmem>>, vector<16xf32>,
      %swap3A_391 = vector.shape_cast %swap3A_390 : vector<16xf32> to vector<16xf32>
      %swap3A_392 = vector.shape_cast %add3A_388 : vector<16xf32> to vector<16xf32>
      tpu.vector_store %arg10[%swap3A_389], %swap3A_392 {strides = array<i32>} : memref<512xf32, #tpu.memory_space<vmem>>, vector<16xf32>,
      %get3A_393 = arith.constant 80 : index
      %get3A_394 = tpu.vector_load %arg9[%get3A_393] {strides = array<i32>} : memref<512xf32, #tpu.memory_space<vmem>>, vector<16xf32>,
      %get3A_395 = vector.shape_cast %get3A_394 : vector<16xf32> to vector<16xf32>
      %get3A_396 = arith.constant 0 : i32
      %get3A_397 = arith.constant 0 : i32
      %get3A_398 = arith.constant 0 : i32
      %get3A_399 = arith.index_cast %get3A_396 : i32 to index
      %get3A_400 = arith.index_cast %get3A_397 : i32 to index
      %get3A_401 = arith.index_cast %get3A_398 : i32 to index
      %get3A_402 = arith.constant 80 : index
      %get3A_403 = tpu.vector_load %arg8[%get3A_399, %get3A_400, %get3A_401, %get3A_402] {strides = array<i32>} : memref<2x2x4x128xf32, #tpu.memory_space<vmem>>, vector<1x1x1x16xf32>,
      %get3A_404 = vector.shape_cast %get3A_403 : vector<1x1x1x16xf32> to vector<16xf32>
      %add3A_405 = arith.addf %get3A_395, %get3A_404 : vector<16xf32>
      %swap3A_406 = arith.constant 80 : index
      %swap3A_407 = tpu.vector_load %arg9[%swap3A_406] {strides = array<i32>} : memref<512xf32, #tpu.memory_space<vmem>>, vector<16xf32>,
      %swap3A_408 = vector.shape_cast %swap3A_407 : vector<16xf32> to vector<16xf32>
      %swap3A_409 = vector.shape_cast %add3A_405 : vector<16xf32> to vector<16xf32>
      tpu.vector_store %arg9[%swap3A_406], %swap3A_409 {strides = array<i32>} : memref<512xf32, #tpu.memory_space<vmem>>, vector<16xf32>,
      %get3A_410 = arith.constant 80 : index
      %get3A_411 = tpu.vector_load %arg10[%get3A_410] {strides = array<i32>} : memref<512xf32, #tpu.memory_space<vmem>>, vector<16xf32>,
      %get3A_412 = vector.shape_cast %get3A_411 : vector<16xf32> to vector<16xf32>
      %get3A_413 = arith.constant 0 : i32
      %get3A_414 = arith.constant 1 : i32
      %get3A_415 = arith.constant 0 : i32
      %get3A_416 = arith.index_cast %get3A_413 : i32 to index
      %get3A_417 = arith.index_cast %get3A_414 : i32 to index
      %get3A_418 = arith.index_cast %get3A_415 : i32 to index
      %get3A_419 = arith.constant 80 : index
      %get3A_420 = tpu.vector_load %arg8[%get3A_416, %get3A_417, %get3A_418, %get3A_419] {strides = array<i32>} : memref<2x2x4x128xf32, #tpu.memory_space<vmem>>, vector<1x1x1x16xf32>,
      %get3A_421 = vector.shape_cast %get3A_420 : vector<1x1x1x16xf32> to vector<16xf32>
      %add3A_422 = arith.addf %get3A_412, %get3A_421 : vector<16xf32>
      %swap3A_423 = arith.constant 80 : index
      %swap3A_424 = tpu.vector_load %arg10[%swap3A_423] {strides = array<i32>} : memref<512xf32, #tpu.memory_space<vmem>>, vector<16xf32>,
      %swap3A_425 = vector.shape_cast %swap3A_424 : vector<16xf32> to vector<16xf32>
      %swap3A_426 = vector.shape_cast %add3A_422 : vector<16xf32> to vector<16xf32>
      tpu.vector_store %arg10[%swap3A_423], %swap3A_426 {strides = array<i32>} : memref<512xf32, #tpu.memory_space<vmem>>, vector<16xf32>,
      %get3A_427 = arith.constant 96 : index
      %get3A_428 = tpu.vector_load %arg9[%get3A_427] {strides = array<i32>} : memref<512xf32, #tpu.memory_space<vmem>>, vector<16xf32>,
      %get3A_429 = vector.shape_cast %get3A_428 : vector<16xf32> to vector<16xf32>
      %get3A_430 = arith.constant 0 : i32
      %get3A_431 = arith.constant 0 : i32
      %get3A_432 = arith.constant 0 : i32
      %get3A_433 = arith.index_cast %get3A_430 : i32 to index
      %get3A_434 = arith.index_cast %get3A_431 : i32 to index
      %get3A_435 = arith.index_cast %get3A_432 : i32 to index
      %get3A_436 = arith.constant 96 : index
      %get3A_437 = tpu.vector_load %arg8[%get3A_433, %get3A_434, %get3A_435, %get3A_436] {strides = array<i32>} : memref<2x2x4x128xf32, #tpu.memory_space<vmem>>, vector<1x1x1x16xf32>,
      %get3A_438 = vector.shape_cast %get3A_437 : vector<1x1x1x16xf32> to vector<16xf32>
      %add3A_439 = arith.addf %get3A_429, %get3A_438 : vector<16xf32>
      %swap3A_440 = arith.constant 96 : index
      %swap3A_441 = tpu.vector_load %arg9[%swap3A_440] {strides = array<i32>} : memref<512xf32, #tpu.memory_space<vmem>>, vector<16xf32>,
      %swap3A_442 = vector.shape_cast %swap3A_441 : vector<16xf32> to vector<16xf32>
      %swap3A_443 = vector.shape_cast %add3A_439 : vector<16xf32> to vector<16xf32>
      tpu.vector_store %arg9[%swap3A_440], %swap3A_443 {strides = array<i32>} : memref<512xf32, #tpu.memory_space<vmem>>, vector<16xf32>,
      %get3A_444 = arith.constant 96 : index
      %get3A_445 = tpu.vector_load %arg10[%get3A_444] {strides = array<i32>} : memref<512xf32, #tpu.memory_space<vmem>>, vector<16xf32>,
      %get3A_446 = vector.shape_cast %get3A_445 : vector<16xf32> to vector<16xf32>
      %get3A_447 = arith.constant 0 : i32
      %get3A_448 = arith.constant 1 : i32
      %get3A_449 = arith.constant 0 : i32
      %get3A_450 = arith.index_cast %get3A_447 : i32 to index
      %get3A_451 = arith.index_cast %get3A_448 : i32 to index
      %get3A_452 = arith.index_cast %get3A_449 : i32 to index
      %get3A_453 = arith.constant 96 : index
      %get3A_454 = tpu.vector_load %arg8[%get3A_450, %get3A_451, %get3A_452, %get3A_453] {strides = array<i32>} : memref<2x2x4x128xf32, #tpu.memory_space<vmem>>, vector<1x1x1x16xf32>,
      %get3A_455 = vector.shape_cast %get3A_454 : vector<1x1x1x16xf32> to vector<16xf32>
      %add3A_456 = arith.addf %get3A_446, %get3A_455 : vector<16xf32>
      %swap3A_457 = arith.constant 96 : index
      %swap3A_458 = tpu.vector_load %arg10[%swap3A_457] {strides = array<i32>} : memref<512xf32, #tpu.memory_space<vmem>>, vector<16xf32>,
      %swap3A_459 = vector.shape_cast %swap3A_458 : vector<16xf32> to vector<16xf32>
      %swap3A_460 = vector.shape_cast %add3A_456 : vector<16xf32> to vector<16xf32>
      tpu.vector_store %arg10[%swap3A_457], %swap3A_460 {strides = array<i32>} : memref<512xf32, #tpu.memory_space<vmem>>, vector<16xf32>,
      %get3A_461 = arith.constant 112 : index
      %get3A_462 = tpu.vector_load %arg9[%get3A_461] {strides = array<i32>} : memref<512xf32, #tpu.memory_space<vmem>>, vector<16xf32>,
      %get3A_463 = vector.shape_cast %get3A_462 : vector<16xf32> to vector<16xf32>
      %get3A_464 = arith.constant 0 : i32
      %get3A_465 = arith.constant 0 : i32
      %get3A_466 = arith.constant 0 : i32
      %get3A_467 = arith.index_cast %get3A_464 : i32 to index
      %get3A_468 = arith.index_cast %get3A_465 : i32 to index
      %get3A_469 = arith.index_cast %get3A_466 : i32 to index
      %get3A_470 = arith.constant 112 : index
      %get3A_471 = tpu.vector_load %arg8[%get3A_467, %get3A_468, %get3A_469, %get3A_470] {strides = array<i32>} : memref<2x2x4x128xf32, #tpu.memory_space<vmem>>, vector<1x1x1x16xf32>,
      %get3A_472 = vector.shape_cast %get3A_471 : vector<1x1x1x16xf32> to vector<16xf32>
      %add3A_473 = arith.addf %get3A_463, %get3A_472 : vector<16xf32>
      %swap3A_474 = arith.constant 112 : index
      %swap3A_475 = tpu.vector_load %arg9[%swap3A_474] {strides = array<i32>} : memref<512xf32, #tpu.memory_space<vmem>>, vector<16xf32>,
      %swap3A_476 = vector.shape_cast %swap3A_475 : vector<16xf32> to vector<16xf32>
      %swap3A_477 = vector.shape_cast %add3A_473 : vector<16xf32> to vector<16xf32>
      tpu.vector_store %arg9[%swap3A_474], %swap3A_477 {strides = array<i32>} : memref<512xf32, #tpu.memory_space<vmem>>, vector<16xf32>,
      %get3A_478 = arith.constant 112 : index
      %get3A_479 = tpu.vector_load %arg10[%get3A_478] {strides = array<i32>} : memref<512xf32, #tpu.memory_space<vmem>>, vector<16xf32>,
      %get3A_480 = vector.shape_cast %get3A_479 : vector<16xf32> to vector<16xf32>
      %get3A_481 = arith.constant 0 : i32
      %get3A_482 = arith.constant 1 : i32
      %get3A_483 = arith.constant 0 : i32
      %get3A_484 = arith.index_cast %get3A_481 : i32 to index
      %get3A_485 = arith.index_cast %get3A_482 : i32 to index
      %get3A_486 = arith.index_cast %get3A_483 : i32 to index
      %get3A_487 = arith.constant 112 : index
      %get3A_488 = tpu.vector_load %arg8[%get3A_484, %get3A_485, %get3A_486, %get3A_487] {strides = array<i32>} : memref<2x2x4x128xf32, #tpu.memory_space<vmem>>, vector<1x1x1x16xf32>,
      %get3A_489 = vector.shape_cast %get3A_488 : vector<1x1x1x16xf32> to vector<16xf32>
      %add3A_490 = arith.addf %get3A_480, %get3A_489 : vector<16xf32>
      %swap3A_491 = arith.constant 112 : index
      %swap3A_492 = tpu.vector_load %arg10[%swap3A_491] {strides = array<i32>} : memref<512xf32, #tpu.memory_space<vmem>>, vector<16xf32>,
      %swap3A_493 = vector.shape_cast %swap3A_492 : vector<16xf32> to vector<16xf32>
      %swap3A_494 = vector.shape_cast %add3A_490 : vector<16xf32> to vector<16xf32>
      tpu.vector_store %arg10[%swap3A_491], %swap3A_494 {strides = array<i32>} : memref<512xf32, #tpu.memory_space<vmem>>, vector<16xf32>,
      %get3A_495 = arith.constant 128 : index
      %get3A_496 = tpu.vector_load %arg9[%get3A_495] {strides = array<i32>} : memref<512xf32, #tpu.memory_space<vmem>>, vector<16xf32>,
      %get3A_497 = vector.shape_cast %get3A_496 : vector<16xf32> to vector<16xf32>
      %get3A_498 = arith.constant 0 : i32
      %get3A_499 = arith.constant 0 : i32
      %get3A_500 = arith.constant 1 : i32
      %get3A_501 = arith.index_cast %get3A_498 : i32 to index
      %get3A_502 = arith.index_cast %get3A_499 : i32 to index
      %get3A_503 = arith.index_cast %get3A_500 : i32 to index
      %get3A_504 = arith.constant 0 : index
      %get3A_505 = tpu.vector_load %arg8[%get3A_501, %get3A_502, %get3A_503, %get3A_504] {strides = array<i32>} : memref<2x2x4x128xf32, #tpu.memory_space<vmem>>, vector<1x1x1x16xf32>,
      %get3A_506 = vector.shape_cast %get3A_505 : vector<1x1x1x16xf32> to vector<16xf32>
      %add3A_507 = arith.addf %get3A_497, %get3A_506 : vector<16xf32>
      %swap3A_508 = arith.constant 128 : index
      %swap3A_509 = tpu.vector_load %arg9[%swap3A_508] {strides = array<i32>} : memref<512xf32, #tpu.memory_space<vmem>>, vector<16xf32>,
      %swap3A_510 = vector.shape_cast %swap3A_509 : vector<16xf32> to vector<16xf32>
      %swap3A_511 = vector.shape_cast %add3A_507 : vector<16xf32> to vector<16xf32>
      tpu.vector_store %arg9[%swap3A_508], %swap3A_511 {strides = array<i32>} : memref<512xf32, #tpu.memory_space<vmem>>, vector<16xf32>,
      %get3A_512 = arith.constant 128 : index
      %get3A_513 = tpu.vector_load %arg10[%get3A_512] {strides = array<i32>} : memref<512xf32, #tpu.memory_space<vmem>>, vector<16xf32>,
      %get3A_514 = vector.shape_cast %get3A_513 : vector<16xf32> to vector<16xf32>
      %get3A_515 = arith.constant 0 : i32
      %get3A_516 = arith.constant 1 : i32
      %get3A_517 = arith.constant 1 : i32
      %get3A_518 = arith.index_cast %get3A_515 : i32 to index
      %get3A_519 = arith.index_cast %get3A_516 : i32 to index
      %get3A_520 = arith.index_cast %get3A_517 : i32 to index
      %get3A_521 = arith.constant 0 : index
      %get3A_522 = tpu.vector_load %arg8[%get3A_518, %get3A_519, %get3A_520, %get3A_521] {strides = array<i32>} : memref<2x2x4x128xf32, #tpu.memory_space<vmem>>, vector<1x1x1x16xf32>,
      %get3A_523 = vector.shape_cast %get3A_522 : vector<1x1x1x16xf32> to vector<16xf32>
      %add3A_524 = arith.addf %get3A_514, %get3A_523 : vector<16xf32>
      %swap3A_525 = arith.constant 128 : index
      %swap3A_526 = tpu.vector_load %arg10[%swap3A_525] {strides = array<i32>} : memref<512xf32, #tpu.memory_space<vmem>>, vector<16xf32>,
      %swap3A_527 = vector.shape_cast %swap3A_526 : vector<16xf32> to vector<16xf32>
      %swap3A_528 = vector.shape_cast %add3A_524 : vector<16xf32> to vector<16xf32>
      tpu.vector_store %arg10[%swap3A_525], %swap3A_528 {strides = array<i32>} : memref<512xf32, #tpu.memory_space<vmem>>, vector<16xf32>,
      %get3A_529 = arith.constant 144 : index
      %get3A_530 = tpu.vector_load %arg9[%get3A_529] {strides = array<i32>} : memref<512xf32, #tpu.memory_space<vmem>>, vector<16xf32>,
      %get3A_531 = vector.shape_cast %get3A_530 : vector<16xf32> to vector<16xf32>
      %get3A_532 = arith.constant 0 : i32
      %get3A_533 = arith.constant 0 : i32
      %get3A_534 = arith.constant 1 : i32
      %get3A_535 = arith.index_cast %get3A_532 : i32 to index
      %get3A_536 = arith.index_cast %get3A_533 : i32 to index
      %get3A_537 = arith.index_cast %get3A_534 : i32 to index
      %get3A_538 = arith.constant 16 : index
      %get3A_539 = tpu.vector_load %arg8[%get3A_535, %get3A_536, %get3A_537, %get3A_538] {strides = array<i32>} : memref<2x2x4x128xf32, #tpu.memory_space<vmem>>, vector<1x1x1x16xf32>,
      %get3A_540 = vector.shape_cast %get3A_539 : vector<1x1x1x16xf32> to vector<16xf32>
      %add3A_541 = arith.addf %get3A_531, %get3A_540 : vector<16xf32>
      %swap3A_542 = arith.constant 144 : index
      %swap3A_543 = tpu.vector_load %arg9[%swap3A_542] {strides = array<i32>} : memref<512xf32, #tpu.memory_space<vmem>>, vector<16xf32>,
      %swap3A_544 = vector.shape_cast %swap3A_543 : vector<16xf32> to vector<16xf32>
      %swap3A_545 = vector.shape_cast %add3A_541 : vector<16xf32> to vector<16xf32>
      tpu.vector_store %arg9[%swap3A_542], %swap3A_545 {strides = array<i32>} : memref<512xf32, #tpu.memory_space<vmem>>, vector<16xf32>,
      %get3A_546 = arith.constant 144 : index
      %get3A_547 = tpu.vector_load %arg10[%get3A_546] {strides = array<i32>} : memref<512xf32, #tpu.memory_space<vmem>>, vector<16xf32>,
      %get3A_548 = vector.shape_cast %get3A_547 : vector<16xf32> to vector<16xf32>
      %get3A_549 = arith.constant 0 : i32
      %get3A_550 = arith.constant 1 : i32
      %get3A_551 = arith.constant 1 : i32
      %get3A_552 = arith.index_cast %get3A_549 : i32 to index
      %get3A_553 = arith.index_cast %get3A_550 : i32 to index
      %get3A_554 = arith.index_cast %get3A_551 : i32 to index
      %get3A_555 = arith.constant 16 : index
      %get3A_556 = tpu.vector_load %arg8[%get3A_552, %get3A_553, %get3A_554, %get3A_555] {strides = array<i32>} : memref<2x2x4x128xf32, #tpu.memory_space<vmem>>, vector<1x1x1x16xf32>,
      %get3A_557 = vector.shape_cast %get3A_556 : vector<1x1x1x16xf32> to vector<16xf32>
      %add3A_558 = arith.addf %get3A_548, %get3A_557 : vector<16xf32>
      %swap3A_559 = arith.constant 144 : index
      %swap3A_560 = tpu.vector_load %arg10[%swap3A_559] {strides = array<i32>} : memref<512xf32, #tpu.memory_space<vmem>>, vector<16xf32>,
      %swap3A_561 = vector.shape_cast %swap3A_560 : vector<16xf32> to vector<16xf32>
      %swap3A_562 = vector.shape_cast %add3A_558 : vector<16xf32> to vector<16xf32>
      tpu.vector_store %arg10[%swap3A_559], %swap3A_562 {strides = array<i32>} : memref<512xf32, #tpu.memory_space<vmem>>, vector<16xf32>,
      %get3A_563 = arith.constant 160 : index
      %get3A_564 = tpu.vector_load %arg9[%get3A_563] {strides = array<i32>} : memref<512xf32, #tpu.memory_space<vmem>>, vector<16xf32>,
      %get3A_565 = vector.shape_cast %get3A_564 : vector<16xf32> to vector<16xf32>
      %get3A_566 = arith.constant 0 : i32
      %get3A_567 = arith.constant 0 : i32
      %get3A_568 = arith.constant 1 : i32
      %get3A_569 = arith.index_cast %get3A_566 : i32 to index
      %get3A_570 = arith.index_cast %get3A_567 : i32 to index
      %get3A_571 = arith.index_cast %get3A_568 : i32 to index
      %get3A_572 = arith.constant 32 : index
      %get3A_573 = tpu.vector_load %arg8[%get3A_569, %get3A_570, %get3A_571, %get3A_572] {strides = array<i32>} : memref<2x2x4x128xf32, #tpu.memory_space<vmem>>, vector<1x1x1x16xf32>,
      %get3A_574 = vector.shape_cast %get3A_573 : vector<1x1x1x16xf32> to vector<16xf32>
      %add3A_575 = arith.addf %get3A_565, %get3A_574 : vector<16xf32>
      %swap3A_576 = arith.constant 160 : index
      %swap3A_577 = tpu.vector_load %arg9[%swap3A_576] {strides = array<i32>} : memref<512xf32, #tpu.memory_space<vmem>>, vector<16xf32>,
      %swap3A_578 = vector.shape_cast %swap3A_577 : vector<16xf32> to vector<16xf32>
      %swap3A_579 = vector.shape_cast %add3A_575 : vector<16xf32> to vector<16xf32>
      tpu.vector_store %arg9[%swap3A_576], %swap3A_579 {strides = array<i32>} : memref<512xf32, #tpu.memory_space<vmem>>, vector<16xf32>,
      %get3A_580 = arith.constant 160 : index
      %get3A_581 = tpu.vector_load %arg10[%get3A_580] {strides = array<i32>} : memref<512xf32, #tpu.memory_space<vmem>>, vector<16xf32>,
      %get3A_582 = vector.shape_cast %get3A_581 : vector<16xf32> to vector<16xf32>
      %get3A_583 = arith.constant 0 : i32
      %get3A_584 = arith.constant 1 : i32
      %get3A_585 = arith.constant 1 : i32
      %get3A_586 = arith.index_cast %get3A_583 : i32 to index
      %get3A_587 = arith.index_cast %get3A_584 : i32 to index
      %get3A_588 = arith.index_cast %get3A_585 : i32 to index
      %get3A_589 = arith.constant 32 : index
      %get3A_590 = tpu.vector_load %arg8[%get3A_586, %get3A_587, %get3A_588, %get3A_589] {strides = array<i32>} : memref<2x2x4x128xf32, #tpu.memory_space<vmem>>, vector<1x1x1x16xf32>,
      %get3A_591 = vector.shape_cast %get3A_590 : vector<1x1x1x16xf32> to vector<16xf32>
      %add3A_592 = arith.addf %get3A_582, %get3A_591 : vector<16xf32>
      %swap3A_593 = arith.constant 160 : index
      %swap3A_594 = tpu.vector_load %arg10[%swap3A_593] {strides = array<i32>} : memref<512xf32, #tpu.memory_space<vmem>>, vector<16xf32>,
      %swap3A_595 = vector.shape_cast %swap3A_594 : vector<16xf32> to vector<16xf32>
      %swap3A_596 = vector.shape_cast %add3A_592 : vector<16xf32> to vector<16xf32>
      tpu.vector_store %arg10[%swap3A_593], %swap3A_596 {strides = array<i32>} : memref<512xf32, #tpu.memory_space<vmem>>, vector<16xf32>,
      %get3A_597 = arith.constant 176 : index
      %get3A_598 = tpu.vector_load %arg9[%get3A_597] {strides = array<i32>} : memref<512xf32, #tpu.memory_space<vmem>>, vector<16xf32>,
      %get3A_599 = vector.shape_cast %get3A_598 : vector<16xf32> to vector<16xf32>
      %get3A_600 = arith.constant 0 : i32
      %get3A_601 = arith.constant 0 : i32
      %get3A_602 = arith.constant 1 : i32
      %get3A_603 = arith.index_cast %get3A_600 : i32 to index
      %get3A_604 = arith.index_cast %get3A_601 : i32 to index
      %get3A_605 = arith.index_cast %get3A_602 : i32 to index
      %get3A_606 = arith.constant 48 : index
      %get3A_607 = tpu.vector_load %arg8[%get3A_603, %get3A_604, %get3A_605, %get3A_606] {strides = array<i32>} : memref<2x2x4x128xf32, #tpu.memory_space<vmem>>, vector<1x1x1x16xf32>,
      %get3A_608 = vector.shape_cast %get3A_607 : vector<1x1x1x16xf32> to vector<16xf32>
      %add3A_609 = arith.addf %get3A_599, %get3A_608 : vector<16xf32>
      %swap3A_610 = arith.constant 176 : index
      %swap3A_611 = tpu.vector_load %arg9[%swap3A_610] {strides = array<i32>} : memref<512xf32, #tpu.memory_space<vmem>>, vector<16xf32>,
      %swap3A_612 = vector.shape_cast %swap3A_611 : vector<16xf32> to vector<16xf32>
      %swap3A_613 = vector.shape_cast %add3A_609 : vector<16xf32> to vector<16xf32>
      tpu.vector_store %arg9[%swap3A_610], %swap3A_613 {strides = array<i32>} : memref<512xf32, #tpu.memory_space<vmem>>, vector<16xf32>,
      %get3A_614 = arith.constant 176 : index
      %get3A_615 = tpu.vector_load %arg10[%get3A_614] {strides = array<i32>} : memref<512xf32, #tpu.memory_space<vmem>>, vector<16xf32>,
      %get3A_616 = vector.shape_cast %get3A_615 : vector<16xf32> to vector<16xf32>
      %get3A_617 = arith.constant 0 : i32
      %get3A_618 = arith.constant 1 : i32
      %get3A_619 = arith.constant 1 : i32
      %get3A_620 = arith.index_cast %get3A_617 : i32 to index
      %get3A_621 = arith.index_cast %get3A_618 : i32 to index
      %get3A_622 = arith.index_cast %get3A_619 : i32 to index
      %get3A_623 = arith.constant 48 : index
      %get3A_624 = tpu.vector_load %arg8[%get3A_620, %get3A_621, %get3A_622, %get3A_623] {strides = array<i32>} : memref<2x2x4x128xf32, #tpu.memory_space<vmem>>, vector<1x1x1x16xf32>,
      %get3A_625 = vector.shape_cast %get3A_624 : vector<1x1x1x16xf32> to vector<16xf32>
      %add3A_626 = arith.addf %get3A_616, %get3A_625 : vector<16xf32>
      %swap3A_627 = arith.constant 176 : index
      %swap3A_628 = tpu.vector_load %arg10[%swap3A_627] {strides = array<i32>} : memref<512xf32, #tpu.memory_space<vmem>>, vector<16xf32>,
      %swap3A_629 = vector.shape_cast %swap3A_628 : vector<16xf32> to vector<16xf32>
      %swap3A_630 = vector.shape_cast %add3A_626 : vector<16xf32> to vector<16xf32>
      tpu.vector_store %arg10[%swap3A_627], %swap3A_630 {strides = array<i32>} : memref<512xf32, #tpu.memory_space<vmem>>, vector<16xf32>,
      %get3A_631 = arith.constant 192 : index
      %get3A_632 = tpu.vector_load %arg9[%get3A_631] {strides = array<i32>} : memref<512xf32, #tpu.memory_space<vmem>>, vector<16xf32>,
      %get3A_633 = vector.shape_cast %get3A_632 : vector<16xf32> to vector<16xf32>
      %get3A_634 = arith.constant 0 : i32
      %get3A_635 = arith.constant 0 : i32
      %get3A_636 = arith.constant 1 : i32
      %get3A_637 = arith.index_cast %get3A_634 : i32 to index
      %get3A_638 = arith.index_cast %get3A_635 : i32 to index
      %get3A_639 = arith.index_cast %get3A_636 : i32 to index
      %get3A_640 = arith.constant 64 : index
      %get3A_641 = tpu.vector_load %arg8[%get3A_637, %get3A_638, %get3A_639, %get3A_640] {strides = array<i32>} : memref<2x2x4x128xf32, #tpu.memory_space<vmem>>, vector<1x1x1x16xf32>,
      %get3A_642 = vector.shape_cast %get3A_641 : vector<1x1x1x16xf32> to vector<16xf32>
      %add3A_643 = arith.addf %get3A_633, %get3A_642 : vector<16xf32>
      %swap3A_644 = arith.constant 192 : index
      %swap3A_645 = tpu.vector_load %arg9[%swap3A_644] {strides = array<i32>} : memref<512xf32, #tpu.memory_space<vmem>>, vector<16xf32>,
      %swap3A_646 = vector.shape_cast %swap3A_645 : vector<16xf32> to vector<16xf32>
      %swap3A_647 = vector.shape_cast %add3A_643 : vector<16xf32> to vector<16xf32>
      tpu.vector_store %arg9[%swap3A_644], %swap3A_647 {strides = array<i32>} : memref<512xf32, #tpu.memory_space<vmem>>, vector<16xf32>,
      %get3A_648 = arith.constant 192 : index
      %get3A_649 = tpu.vector_load %arg10[%get3A_648] {strides = array<i32>} : memref<512xf32, #tpu.memory_space<vmem>>, vector<16xf32>,
      %get3A_650 = vector.shape_cast %get3A_649 : vector<16xf32> to vector<16xf32>
      %get3A_651 = arith.constant 0 : i32
      %get3A_652 = arith.constant 1 : i32
      %get3A_653 = arith.constant 1 : i32
      %get3A_654 = arith.index_cast %get3A_651 : i32 to index
      %get3A_655 = arith.index_cast %get3A_652 : i32 to index
      %get3A_656 = arith.index_cast %get3A_653 : i32 to index
      %get3A_657 = arith.constant 64 : index
      %get3A_658 = tpu.vector_load %arg8[%get3A_654, %get3A_655, %get3A_656, %get3A_657] {strides = array<i32>} : memref<2x2x4x128xf32, #tpu.memory_space<vmem>>, vector<1x1x1x16xf32>,
      %get3A_659 = vector.shape_cast %get3A_658 : vector<1x1x1x16xf32> to vector<16xf32>
      %add3A_660 = arith.addf %get3A_650, %get3A_659 : vector<16xf32>
      %swap3A_661 = arith.constant 192 : index
      %swap3A_662 = tpu.vector_load %arg10[%swap3A_661] {strides = array<i32>} : memref<512xf32, #tpu.memory_space<vmem>>, vector<16xf32>,
      %swap3A_663 = vector.shape_cast %swap3A_662 : vector<16xf32> to vector<16xf32>
      %swap3A_664 = vector.shape_cast %add3A_660 : vector<16xf32> to vector<16xf32>
      tpu.vector_store %arg10[%swap3A_661], %swap3A_664 {strides = array<i32>} : memref<512xf32, #tpu.memory_space<vmem>>, vector<16xf32>,
      %get3A_665 = arith.constant 208 : index
      %get3A_666 = tpu.vector_load %arg9[%get3A_665] {strides = array<i32>} : memref<512xf32, #tpu.memory_space<vmem>>, vector<16xf32>,
      %get3A_667 = vector.shape_cast %get3A_666 : vector<16xf32> to vector<16xf32>
      %get3A_668 = arith.constant 0 : i32
      %get3A_669 = arith.constant 0 : i32
      %get3A_670 = arith.constant 1 : i32
      %get3A_671 = arith.index_cast %get3A_668 : i32 to index
      %get3A_672 = arith.index_cast %get3A_669 : i32 to index
      %get3A_673 = arith.index_cast %get3A_670 : i32 to index
      %get3A_674 = arith.constant 80 : index
      %get3A_675 = tpu.vector_load %arg8[%get3A_671, %get3A_672, %get3A_673, %get3A_674] {strides = array<i32>} : memref<2x2x4x128xf32, #tpu.memory_space<vmem>>, vector<1x1x1x16xf32>,
      %get3A_676 = vector.shape_cast %get3A_675 : vector<1x1x1x16xf32> to vector<16xf32>
      %add3A_677 = arith.addf %get3A_667, %get3A_676 : vector<16xf32>
      %swap3A_678 = arith.constant 208 : index
      %swap3A_679 = tpu.vector_load %arg9[%swap3A_678] {strides = array<i32>} : memref<512xf32, #tpu.memory_space<vmem>>, vector<16xf32>,
      %swap3A_680 = vector.shape_cast %swap3A_679 : vector<16xf32> to vector<16xf32>
      %swap3A_681 = vector.shape_cast %add3A_677 : vector<16xf32> to vector<16xf32>
      tpu.vector_store %arg9[%swap3A_678], %swap3A_681 {strides = array<i32>} : memref<512xf32, #tpu.memory_space<vmem>>, vector<16xf32>,
      %get3A_682 = arith.constant 208 : index
      %get3A_683 = tpu.vector_load %arg10[%get3A_682] {strides = array<i32>} : memref<512xf32, #tpu.memory_space<vmem>>, vector<16xf32>,
      %get3A_684 = vector.shape_cast %get3A_683 : vector<16xf32> to vector<16xf32>
      %get3A_685 = arith.constant 0 : i32
      %get3A_686 = arith.constant 1 : i32
      %get3A_687 = arith.constant 1 : i32
      %get3A_688 = arith.index_cast %get3A_685 : i32 to index
      %get3A_689 = arith.index_cast %get3A_686 : i32 to index
      %get3A_690 = arith.index_cast %get3A_687 : i32 to index
      %get3A_691 = arith.constant 80 : index
      %get3A_692 = tpu.vector_load %arg8[%get3A_688, %get3A_689, %get3A_690, %get3A_691] {strides = array<i32>} : memref<2x2x4x128xf32, #tpu.memory_space<vmem>>, vector<1x1x1x16xf32>,
      %get3A_693 = vector.shape_cast %get3A_692 : vector<1x1x1x16xf32> to vector<16xf32>
      %add3A_694 = arith.addf %get3A_684, %get3A_693 : vector<16xf32>
      %swap3A_695 = arith.constant 208 : index
      %swap3A_696 = tpu.vector_load %arg10[%swap3A_695] {strides = array<i32>} : memref<512xf32, #tpu.memory_space<vmem>>, vector<16xf32>,
      %swap3A_697 = vector.shape_cast %swap3A_696 : vector<16xf32> to vector<16xf32>
      %swap3A_698 = vector.shape_cast %add3A_694 : vector<16xf32> to vector<16xf32>
      tpu.vector_store %arg10[%swap3A_695], %swap3A_698 {strides = array<i32>} : memref<512xf32, #tpu.memory_space<vmem>>, vector<16xf32>,
      %get3A_699 = arith.constant 224 : index
      %get3A_700 = tpu.vector_load %arg9[%get3A_699] {strides = array<i32>} : memref<512xf32, #tpu.memory_space<vmem>>, vector<16xf32>,
      %get3A_701 = vector.shape_cast %get3A_700 : vector<16xf32> to vector<16xf32>
      %get3A_702 = arith.constant 0 : i32
      %get3A_703 = arith.constant 0 : i32
      %get3A_704 = arith.constant 1 : i32
      %get3A_705 = arith.index_cast %get3A_702 : i32 to index
      %get3A_706 = arith.index_cast %get3A_703 : i32 to index
      %get3A_707 = arith.index_cast %get3A_704 : i32 to index
      %get3A_708 = arith.constant 96 : index
      %get3A_709 = tpu.vector_load %arg8[%get3A_705, %get3A_706, %get3A_707, %get3A_708] {strides = array<i32>} : memref<2x2x4x128xf32, #tpu.memory_space<vmem>>, vector<1x1x1x16xf32>,
      %get3A_710 = vector.shape_cast %get3A_709 : vector<1x1x1x16xf32> to vector<16xf32>
      %add3A_711 = arith.addf %get3A_701, %get3A_710 : vector<16xf32>
      %swap3A_712 = arith.constant 224 : index
      %swap3A_713 = tpu.vector_load %arg9[%swap3A_712] {strides = array<i32>} : memref<512xf32, #tpu.memory_space<vmem>>, vector<16xf32>,
      %swap3A_714 = vector.shape_cast %swap3A_713 : vector<16xf32> to vector<16xf32>
      %swap3A_715 = vector.shape_cast %add3A_711 : vector<16xf32> to vector<16xf32>
      tpu.vector_store %arg9[%swap3A_712], %swap3A_715 {strides = array<i32>} : memref<512xf32, #tpu.memory_space<vmem>>, vector<16xf32>,
      %get3A_716 = arith.constant 224 : index
      %get3A_717 = tpu.vector_load %arg10[%get3A_716] {strides = array<i32>} : memref<512xf32, #tpu.memory_space<vmem>>, vector<16xf32>,
      %get3A_718 = vector.shape_cast %get3A_717 : vector<16xf32> to vector<16xf32>
      %get3A_719 = arith.constant 0 : i32
      %get3A_720 = arith.constant 1 : i32
      %get3A_721 = arith.constant 1 : i32
      %get3A_722 = arith.index_cast %get3A_719 : i32 to index
      %get3A_723 = arith.index_cast %get3A_720 : i32 to index
      %get3A_724 = arith.index_cast %get3A_721 : i32 to index
      %get3A_725 = arith.constant 96 : index
      %get3A_726 = tpu.vector_load %arg8[%get3A_722, %get3A_723, %get3A_724, %get3A_725] {strides = array<i32>} : memref<2x2x4x128xf32, #tpu.memory_space<vmem>>, vector<1x1x1x16xf32>,
      %get3A_727 = vector.shape_cast %get3A_726 : vector<1x1x1x16xf32> to vector<16xf32>
      %add3A_728 = arith.addf %get3A_718, %get3A_727 : vector<16xf32>
      %swap3A_729 = arith.constant 224 : index
      %swap3A_730 = tpu.vector_load %arg10[%swap3A_729] {strides = array<i32>} : memref<512xf32, #tpu.memory_space<vmem>>, vector<16xf32>,
      %swap3A_731 = vector.shape_cast %swap3A_730 : vector<16xf32> to vector<16xf32>
      %swap3A_732 = vector.shape_cast %add3A_728 : vector<16xf32> to vector<16xf32>
      tpu.vector_store %arg10[%swap3A_729], %swap3A_732 {strides = array<i32>} : memref<512xf32, #tpu.memory_space<vmem>>, vector<16xf32>,
      %get3A_733 = arith.constant 240 : index
      %get3A_734 = tpu.vector_load %arg9[%get3A_733] {strides = array<i32>} : memref<512xf32, #tpu.memory_space<vmem>>, vector<16xf32>,
      %get3A_735 = vector.shape_cast %get3A_734 : vector<16xf32> to vector<16xf32>
      %get3A_736 = arith.constant 0 : i32
      %get3A_737 = arith.constant 0 : i32
      %get3A_738 = arith.constant 1 : i32
      %get3A_739 = arith.index_cast %get3A_736 : i32 to index
      %get3A_740 = arith.index_cast %get3A_737 : i32 to index
      %get3A_741 = arith.index_cast %get3A_738 : i32 to index
      %get3A_742 = arith.constant 112 : index
      %get3A_743 = tpu.vector_load %arg8[%get3A_739, %get3A_740, %get3A_741, %get3A_742] {strides = array<i32>} : memref<2x2x4x128xf32, #tpu.memory_space<vmem>>, vector<1x1x1x16xf32>,
      %get3A_744 = vector.shape_cast %get3A_743 : vector<1x1x1x16xf32> to vector<16xf32>
      %add3A_745 = arith.addf %get3A_735, %get3A_744 : vector<16xf32>
      %swap3A_746 = arith.constant 240 : index
      %swap3A_747 = tpu.vector_load %arg9[%swap3A_746] {strides = array<i32>} : memref<512xf32, #tpu.memory_space<vmem>>, vector<16xf32>,
      %swap3A_748 = vector.shape_cast %swap3A_747 : vector<16xf32> to vector<16xf32>
      %swap3A_749 = vector.shape_cast %add3A_745 : vector<16xf32> to vector<16xf32>
      tpu.vector_store %arg9[%swap3A_746], %swap3A_749 {strides = array<i32>} : memref<512xf32, #tpu.memory_space<vmem>>, vector<16xf32>,
      %get3A_750 = arith.constant 240 : index
      %get3A_751 = tpu.vector_load %arg10[%get3A_750] {strides = array<i32>} : memref<512xf32, #tpu.memory_space<vmem>>, vector<16xf32>,
      %get3A_752 = vector.shape_cast %get3A_751 : vector<16xf32> to vector<16xf32>
      %get3A_753 = arith.constant 0 : i32
      %get3A_754 = arith.constant 1 : i32
      %get3A_755 = arith.constant 1 : i32
      %get3A_756 = arith.index_cast %get3A_753 : i32 to index
      %get3A_757 = arith.index_cast %get3A_754 : i32 to index
      %get3A_758 = arith.index_cast %get3A_755 : i32 to index
      %get3A_759 = arith.constant 112 : index
      %get3A_760 = tpu.vector_load %arg8[%get3A_756, %get3A_757, %get3A_758, %get3A_759] {strides = array<i32>} : memref<2x2x4x128xf32, #tpu.memory_space<vmem>>, vector<1x1x1x16xf32>,
      %get3A_761 = vector.shape_cast %get3A_760 : vector<1x1x1x16xf32> to vector<16xf32>
      %add3A_762 = arith.addf %get3A_752, %get3A_761 : vector<16xf32>
      %swap3A_763 = arith.constant 240 : index
      %swap3A_764 = tpu.vector_load %arg10[%swap3A_763] {strides = array<i32>} : memref<512xf32, #tpu.memory_space<vmem>>, vector<16xf32>,
      %swap3A_765 = vector.shape_cast %swap3A_764 : vector<16xf32> to vector<16xf32>
      %swap3A_766 = vector.shape_cast %add3A_762 : vector<16xf32> to vector<16xf32>
      tpu.vector_store %arg10[%swap3A_763], %swap3A_766 {strides = array<i32>} : memref<512xf32, #tpu.memory_space<vmem>>, vector<16xf32>,
      %get3A_767 = arith.constant 256 : index
      %get3A_768 = tpu.vector_load %arg9[%get3A_767] {strides = array<i32>} : memref<512xf32, #tpu.memory_space<vmem>>, vector<16xf32>,
      %get3A_769 = vector.shape_cast %get3A_768 : vector<16xf32> to vector<16xf32>
      %get3A_770 = arith.constant 0 : i32
      %get3A_771 = arith.constant 0 : i32
      %get3A_772 = arith.constant 2 : i32
      %get3A_773 = arith.index_cast %get3A_770 : i32 to index
      %get3A_774 = arith.index_cast %get3A_771 : i32 to index
      %get3A_775 = arith.index_cast %get3A_772 : i32 to index
      %get3A_776 = arith.constant 0 : index
      %get3A_777 = tpu.vector_load %arg8[%get3A_773, %get3A_774, %get3A_775, %get3A_776] {strides = array<i32>} : memref<2x2x4x128xf32, #tpu.memory_space<vmem>>, vector<1x1x1x16xf32>,
      %get3A_778 = vector.shape_cast %get3A_777 : vector<1x1x1x16xf32> to vector<16xf32>
      %add3A_779 = arith.addf %get3A_769, %get3A_778 : vector<16xf32>
      %swap3A_780 = arith.constant 256 : index
      %swap3A_781 = tpu.vector_load %arg9[%swap3A_780] {strides = array<i32>} : memref<512xf32, #tpu.memory_space<vmem>>, vector<16xf32>,
      %swap3A_782 = vector.shape_cast %swap3A_781 : vector<16xf32> to vector<16xf32>
      %swap3A_783 = vector.shape_cast %add3A_779 : vector<16xf32> to vector<16xf32>
      tpu.vector_store %arg9[%swap3A_780], %swap3A_783 {strides = array<i32>} : memref<512xf32, #tpu.memory_space<vmem>>, vector<16xf32>,
      %get3A_784 = arith.constant 256 : index
      %get3A_785 = tpu.vector_load %arg10[%get3A_784] {strides = array<i32>} : memref<512xf32, #tpu.memory_space<vmem>>, vector<16xf32>,
      %get3A_786 = vector.shape_cast %get3A_785 : vector<16xf32> to vector<16xf32>
      %get3A_787 = arith.constant 0 : i32
      %get3A_788 = arith.constant 1 : i32
      %get3A_789 = arith.constant 2 : i32
      %get3A_790 = arith.index_cast %get3A_787 : i32 to index
      %get3A_791 = arith.index_cast %get3A_788 : i32 to index
      %get3A_792 = arith.index_cast %get3A_789 : i32 to index
      %get3A_793 = arith.constant 0 : index
      %get3A_794 = tpu.vector_load %arg8[%get3A_790, %get3A_791, %get3A_792, %get3A_793] {strides = array<i32>} : memref<2x2x4x128xf32, #tpu.memory_space<vmem>>, vector<1x1x1x16xf32>,
      %get3A_795 = vector.shape_cast %get3A_794 : vector<1x1x1x16xf32> to vector<16xf32>
      %add3A_796 = arith.addf %get3A_786, %get3A_795 : vector<16xf32>
      %swap3A_797 = arith.constant 256 : index
      %swap3A_798 = tpu.vector_load %arg10[%swap3A_797] {strides = array<i32>} : memref<512xf32, #tpu.memory_space<vmem>>, vector<16xf32>,
      %swap3A_799 = vector.shape_cast %swap3A_798 : vector<16xf32> to vector<16xf32>
      %swap3A_800 = vector.shape_cast %add3A_796 : vector<16xf32> to vector<16xf32>
      tpu.vector_store %arg10[%swap3A_797], %swap3A_800 {strides = array<i32>} : memref<512xf32, #tpu.memory_space<vmem>>, vector<16xf32>,
      %get3A_801 = arith.constant 272 : index
      %get3A_802 = tpu.vector_load %arg9[%get3A_801] {strides = array<i32>} : memref<512xf32, #tpu.memory_space<vmem>>, vector<16xf32>,
      %get3A_803 = vector.shape_cast %get3A_802 : vector<16xf32> to vector<16xf32>
      %get3A_804 = arith.constant 0 : i32
      %get3A_805 = arith.constant 0 : i32
      %get3A_806 = arith.constant 2 : i32
      %get3A_807 = arith.index_cast %get3A_804 : i32 to index
      %get3A_808 = arith.index_cast %get3A_805 : i32 to index
      %get3A_809 = arith.index_cast %get3A_806 : i32 to index
      %get3A_810 = arith.constant 16 : index
      %get3A_811 = tpu.vector_load %arg8[%get3A_807, %get3A_808, %get3A_809, %get3A_810] {strides = array<i32>} : memref<2x2x4x128xf32, #tpu.memory_space<vmem>>, vector<1x1x1x16xf32>,
      %get3A_812 = vector.shape_cast %get3A_811 : vector<1x1x1x16xf32> to vector<16xf32>
      %add3A_813 = arith.addf %get3A_803, %get3A_812 : vector<16xf32>
      %swap3A_814 = arith.constant 272 : index
      %swap3A_815 = tpu.vector_load %arg9[%swap3A_814] {strides = array<i32>} : memref<512xf32, #tpu.memory_space<vmem>>, vector<16xf32>,
      %swap3A_816 = vector.shape_cast %swap3A_815 : vector<16xf32> to vector<16xf32>
      %swap3A_817 = vector.shape_cast %add3A_813 : vector<16xf32> to vector<16xf32>
      tpu.vector_store %arg9[%swap3A_814], %swap3A_817 {strides = array<i32>} : memref<512xf32, #tpu.memory_space<vmem>>, vector<16xf32>,
      %get3A_818 = arith.constant 272 : index
      %get3A_819 = tpu.vector_load %arg10[%get3A_818] {strides = array<i32>} : memref<512xf32, #tpu.memory_space<vmem>>, vector<16xf32>,
      %get3A_820 = vector.shape_cast %get3A_819 : vector<16xf32> to vector<16xf32>
      %get3A_821 = arith.constant 0 : i32
      %get3A_822 = arith.constant 1 : i32
      %get3A_823 = arith.constant 2 : i32
      %get3A_824 = arith.index_cast %get3A_821 : i32 to index
      %get3A_825 = arith.index_cast %get3A_822 : i32 to index
      %get3A_826 = arith.index_cast %get3A_823 : i32 to index
      %get3A_827 = arith.constant 16 : index
      %get3A_828 = tpu.vector_load %arg8[%get3A_824, %get3A_825, %get3A_826, %get3A_827] {strides = array<i32>} : memref<2x2x4x128xf32, #tpu.memory_space<vmem>>, vector<1x1x1x16xf32>,
      %get3A_829 = vector.shape_cast %get3A_828 : vector<1x1x1x16xf32> to vector<16xf32>
      %add3A_830 = arith.addf %get3A_820, %get3A_829 : vector<16xf32>
      %swap3A_831 = arith.constant 272 : index
      %swap3A_832 = tpu.vector_load %arg10[%swap3A_831] {strides = array<i32>} : memref<512xf32, #tpu.memory_space<vmem>>, vector<16xf32>,
      %swap3A_833 = vector.shape_cast %swap3A_832 : vector<16xf32> to vector<16xf32>
      %swap3A_834 = vector.shape_cast %add3A_830 : vector<16xf32> to vector<16xf32>
      tpu.vector_store %arg10[%swap3A_831], %swap3A_834 {strides = array<i32>} : memref<512xf32, #tpu.memory_space<vmem>>, vector<16xf32>,
      %get3A_835 = arith.constant 288 : index
      %get3A_836 = tpu.vector_load %arg9[%get3A_835] {strides = array<i32>} : memref<512xf32, #tpu.memory_space<vmem>>, vector<16xf32>,
      %get3A_837 = vector.shape_cast %get3A_836 : vector<16xf32> to vector<16xf32>
      %get3A_838 = arith.constant 0 : i32
      %get3A_839 = arith.constant 0 : i32
      %get3A_840 = arith.constant 2 : i32
      %get3A_841 = arith.index_cast %get3A_838 : i32 to index
      %get3A_842 = arith.index_cast %get3A_839 : i32 to index
      %get3A_843 = arith.index_cast %get3A_840 : i32 to index
      %get3A_844 = arith.constant 32 : index
      %get3A_845 = tpu.vector_load %arg8[%get3A_841, %get3A_842, %get3A_843, %get3A_844] {strides = array<i32>} : memref<2x2x4x128xf32, #tpu.memory_space<vmem>>, vector<1x1x1x16xf32>,
      %get3A_846 = vector.shape_cast %get3A_845 : vector<1x1x1x16xf32> to vector<16xf32>
      %add3A_847 = arith.addf %get3A_837, %get3A_846 : vector<16xf32>
      %swap3A_848 = arith.constant 288 : index
      %swap3A_849 = tpu.vector_load %arg9[%swap3A_848] {strides = array<i32>} : memref<512xf32, #tpu.memory_space<vmem>>, vector<16xf32>,
      %swap3A_850 = vector.shape_cast %swap3A_849 : vector<16xf32> to vector<16xf32>
      %swap3A_851 = vector.shape_cast %add3A_847 : vector<16xf32> to vector<16xf32>
      tpu.vector_store %arg9[%swap3A_848], %swap3A_851 {strides = array<i32>} : memref<512xf32, #tpu.memory_space<vmem>>, vector<16xf32>,
      %get3A_852 = arith.constant 288 : index
      %get3A_853 = tpu.vector_load %arg10[%get3A_852] {strides = array<i32>} : memref<512xf32, #tpu.memory_space<vmem>>, vector<16xf32>,
      %get3A_854 = vector.shape_cast %get3A_853 : vector<16xf32> to vector<16xf32>
      %get3A_855 = arith.constant 0 : i32
      %get3A_856 = arith.constant 1 : i32
      %get3A_857 = arith.constant 2 : i32
      %get3A_858 = arith.index_cast %get3A_855 : i32 to index
      %get3A_859 = arith.index_cast %get3A_856 : i32 to index
      %get3A_860 = arith.index_cast %get3A_857 : i32 to index
      %get3A_861 = arith.constant 32 : index
      %get3A_862 = tpu.vector_load %arg8[%get3A_858, %get3A_859, %get3A_860, %get3A_861] {strides = array<i32>} : memref<2x2x4x128xf32, #tpu.memory_space<vmem>>, vector<1x1x1x16xf32>,
      %get3A_863 = vector.shape_cast %get3A_862 : vector<1x1x1x16xf32> to vector<16xf32>
      %add3A_864 = arith.addf %get3A_854, %get3A_863 : vector<16xf32>
      %swap3A_865 = arith.constant 288 : index
      %swap3A_866 = tpu.vector_load %arg10[%swap3A_865] {strides = array<i32>} : memref<512xf32, #tpu.memory_space<vmem>>, vector<16xf32>,
      %swap3A_867 = vector.shape_cast %swap3A_866 : vector<16xf32> to vector<16xf32>
      %swap3A_868 = vector.shape_cast %add3A_864 : vector<16xf32> to vector<16xf32>
      tpu.vector_store %arg10[%swap3A_865], %swap3A_868 {strides = array<i32>} : memref<512xf32, #tpu.memory_space<vmem>>, vector<16xf32>,
      %get3A_869 = arith.constant 304 : index
      %get3A_870 = tpu.vector_load %arg9[%get3A_869] {strides = array<i32>} : memref<512xf32, #tpu.memory_space<vmem>>, vector<16xf32>,
      %get3A_871 = vector.shape_cast %get3A_870 : vector<16xf32> to vector<16xf32>
      %get3A_872 = arith.constant 0 : i32
      %get3A_873 = arith.constant 0 : i32
      %get3A_874 = arith.constant 2 : i32
      %get3A_875 = arith.index_cast %get3A_872 : i32 to index
      %get3A_876 = arith.index_cast %get3A_873 : i32 to index
      %get3A_877 = arith.index_cast %get3A_874 : i32 to index
      %get3A_878 = arith.constant 48 : index
      %get3A_879 = tpu.vector_load %arg8[%get3A_875, %get3A_876, %get3A_877, %get3A_878] {strides = array<i32>} : memref<2x2x4x128xf32, #tpu.memory_space<vmem>>, vector<1x1x1x16xf32>,
      %get3A_880 = vector.shape_cast %get3A_879 : vector<1x1x1x16xf32> to vector<16xf32>
      %add3A_881 = arith.addf %get3A_871, %get3A_880 : vector<16xf32>
      %swap3A_882 = arith.constant 304 : index
      %swap3A_883 = tpu.vector_load %arg9[%swap3A_882] {strides = array<i32>} : memref<512xf32, #tpu.memory_space<vmem>>, vector<16xf32>,
      %swap3A_884 = vector.shape_cast %swap3A_883 : vector<16xf32> to vector<16xf32>
      %swap3A_885 = vector.shape_cast %add3A_881 : vector<16xf32> to vector<16xf32>
      tpu.vector_store %arg9[%swap3A_882], %swap3A_885 {strides = array<i32>} : memref<512xf32, #tpu.memory_space<vmem>>, vector<16xf32>,
      %get3A_886 = arith.constant 304 : index
      %get3A_887 = tpu.vector_load %arg10[%get3A_886] {strides = array<i32>} : memref<512xf32, #tpu.memory_space<vmem>>, vector<16xf32>,
      %get3A_888 = vector.shape_cast %get3A_887 : vector<16xf32> to vector<16xf32>
      %get3A_889 = arith.constant 0 : i32
      %get3A_890 = arith.constant 1 : i32
      %get3A_891 = arith.constant 2 : i32
      %get3A_892 = arith.index_cast %get3A_889 : i32 to index
      %get3A_893 = arith.index_cast %get3A_890 : i32 to index
      %get3A_894 = arith.index_cast %get3A_891 : i32 to index
      %get3A_895 = arith.constant 48 : index
      %get3A_896 = tpu.vector_load %arg8[%get3A_892, %get3A_893, %get3A_894, %get3A_895] {strides = array<i32>} : memref<2x2x4x128xf32, #tpu.memory_space<vmem>>, vector<1x1x1x16xf32>,
      %get3A_897 = vector.shape_cast %get3A_896 : vector<1x1x1x16xf32> to vector<16xf32>
      %add3A_898 = arith.addf %get3A_888, %get3A_897 : vector<16xf32>
      %swap3A_899 = arith.constant 304 : index
      %swap3A_900 = tpu.vector_load %arg10[%swap3A_899] {strides = array<i32>} : memref<512xf32, #tpu.memory_space<vmem>>, vector<16xf32>,
      %swap3A_901 = vector.shape_cast %swap3A_900 : vector<16xf32> to vector<16xf32>
      %swap3A_902 = vector.shape_cast %add3A_898 : vector<16xf32> to vector<16xf32>
      tpu.vector_store %arg10[%swap3A_899], %swap3A_902 {strides = array<i32>} : memref<512xf32, #tpu.memory_space<vmem>>, vector<16xf32>,
      %get3A_903 = arith.constant 320 : index
      %get3A_904 = tpu.vector_load %arg9[%get3A_903] {strides = array<i32>} : memref<512xf32, #tpu.memory_space<vmem>>, vector<16xf32>,
      %get3A_905 = vector.shape_cast %get3A_904 : vector<16xf32> to vector<16xf32>
      %get3A_906 = arith.constant 0 : i32
      %get3A_907 = arith.constant 0 : i32
      %get3A_908 = arith.constant 2 : i32
      %get3A_909 = arith.index_cast %get3A_906 : i32 to index
      %get3A_910 = arith.index_cast %get3A_907 : i32 to index
      %get3A_911 = arith.index_cast %get3A_908 : i32 to index
      %get3A_912 = arith.constant 64 : index
      %get3A_913 = tpu.vector_load %arg8[%get3A_909, %get3A_910, %get3A_911, %get3A_912] {strides = array<i32>} : memref<2x2x4x128xf32, #tpu.memory_space<vmem>>, vector<1x1x1x16xf32>,
      %get3A_914 = vector.shape_cast %get3A_913 : vector<1x1x1x16xf32> to vector<16xf32>
      %add3A_915 = arith.addf %get3A_905, %get3A_914 : vector<16xf32>
      %swap3A_916 = arith.constant 320 : index
      %swap3A_917 = tpu.vector_load %arg9[%swap3A_916] {strides = array<i32>} : memref<512xf32, #tpu.memory_space<vmem>>, vector<16xf32>,
      %swap3A_918 = vector.shape_cast %swap3A_917 : vector<16xf32> to vector<16xf32>
      %swap3A_919 = vector.shape_cast %add3A_915 : vector<16xf32> to vector<16xf32>
      tpu.vector_store %arg9[%swap3A_916], %swap3A_919 {strides = array<i32>} : memref<512xf32, #tpu.memory_space<vmem>>, vector<16xf32>,
      %get3A_920 = arith.constant 320 : index
      %get3A_921 = tpu.vector_load %arg10[%get3A_920] {strides = array<i32>} : memref<512xf32, #tpu.memory_space<vmem>>, vector<16xf32>,
      %get3A_922 = vector.shape_cast %get3A_921 : vector<16xf32> to vector<16xf32>
      %get3A_923 = arith.constant 0 : i32
      %get3A_924 = arith.constant 1 : i32
      %get3A_925 = arith.constant 2 : i32
      %get3A_926 = arith.index_cast %get3A_923 : i32 to index
      %get3A_927 = arith.index_cast %get3A_924 : i32 to index
      %get3A_928 = arith.index_cast %get3A_925 : i32 to index
      %get3A_929 = arith.constant 64 : index
      %get3A_930 = tpu.vector_load %arg8[%get3A_926, %get3A_927, %get3A_928, %get3A_929] {strides = array<i32>} : memref<2x2x4x128xf32, #tpu.memory_space<vmem>>, vector<1x1x1x16xf32>,
      %get3A_931 = vector.shape_cast %get3A_930 : vector<1x1x1x16xf32> to vector<16xf32>
      %add3A_932 = arith.addf %get3A_922, %get3A_931 : vector<16xf32>
      %swap3A_933 = arith.constant 320 : index
      %swap3A_934 = tpu.vector_load %arg10[%swap3A_933] {strides = array<i32>} : memref<512xf32, #tpu.memory_space<vmem>>, vector<16xf32>,
      %swap3A_935 = vector.shape_cast %swap3A_934 : vector<16xf32> to vector<16xf32>
      %swap3A_936 = vector.shape_cast %add3A_932 : vector<16xf32> to vector<16xf32>
      tpu.vector_store %arg10[%swap3A_933], %swap3A_936 {strides = array<i32>} : memref<512xf32, #tpu.memory_space<vmem>>, vector<16xf32>,
      %get3A_937 = arith.constant 336 : index
      %get3A_938 = tpu.vector_load %arg9[%get3A_937] {strides = array<i32>} : memref<512xf32, #tpu.memory_space<vmem>>, vector<16xf32>,
      %get3A_939 = vector.shape_cast %get3A_938 : vector<16xf32> to vector<16xf32>
      %get3A_940 = arith.constant 0 : i32
      %get3A_941 = arith.constant 0 : i32
      %get3A_942 = arith.constant 2 : i32
      %get3A_943 = arith.index_cast %get3A_940 : i32 to index
      %get3A_944 = arith.index_cast %get3A_941 : i32 to index
      %get3A_945 = arith.index_cast %get3A_942 : i32 to index
      %get3A_946 = arith.constant 80 : index
      %get3A_947 = tpu.vector_load %arg8[%get3A_943, %get3A_944, %get3A_945, %get3A_946] {strides = array<i32>} : memref<2x2x4x128xf32, #tpu.memory_space<vmem>>, vector<1x1x1x16xf32>,
      %get3A_948 = vector.shape_cast %get3A_947 : vector<1x1x1x16xf32> to vector<16xf32>
      %add3A_949 = arith.addf %get3A_939, %get3A_948 : vector<16xf32>
      %swap3A_950 = arith.constant 336 : index
      %swap3A_951 = tpu.vector_load %arg9[%swap3A_950] {strides = array<i32>} : memref<512xf32, #tpu.memory_space<vmem>>, vector<16xf32>,
      %swap3A_952 = vector.shape_cast %swap3A_951 : vector<16xf32> to vector<16xf32>
      %swap3A_953 = vector.shape_cast %add3A_949 : vector<16xf32> to vector<16xf32>
      tpu.vector_store %arg9[%swap3A_950], %swap3A_953 {strides = array<i32>} : memref<512xf32, #tpu.memory_space<vmem>>, vector<16xf32>,
      %get3A_954 = arith.constant 336 : index
      %get3A_955 = tpu.vector_load %arg10[%get3A_954] {strides = array<i32>} : memref<512xf32, #tpu.memory_space<vmem>>, vector<16xf32>,
      %get3A_956 = vector.shape_cast %get3A_955 : vector<16xf32> to vector<16xf32>
      %get3A_957 = arith.constant 0 : i32
      %get3A_958 = arith.constant 1 : i32
      %get3A_959 = arith.constant 2 : i32
      %get3A_960 = arith.index_cast %get3A_957 : i32 to index
      %get3A_961 = arith.index_cast %get3A_958 : i32 to index
      %get3A_962 = arith.index_cast %get3A_959 : i32 to index
      %get3A_963 = arith.constant 80 : index
      %get3A_964 = tpu.vector_load %arg8[%get3A_960, %get3A_961, %get3A_962, %get3A_963] {strides = array<i32>} : memref<2x2x4x128xf32, #tpu.memory_space<vmem>>, vector<1x1x1x16xf32>,
      %get3A_965 = vector.shape_cast %get3A_964 : vector<1x1x1x16xf32> to vector<16xf32>
      %add3A_966 = arith.addf %get3A_956, %get3A_965 : vector<16xf32>
      %swap3A_967 = arith.constant 336 : index
      %swap3A_968 = tpu.vector_load %arg10[%swap3A_967] {strides = array<i32>} : memref<512xf32, #tpu.memory_space<vmem>>, vector<16xf32>,
      %swap3A_969 = vector.shape_cast %swap3A_968 : vector<16xf32> to vector<16xf32>
      %swap3A_970 = vector.shape_cast %add3A_966 : vector<16xf32> to vector<16xf32>
      tpu.vector_store %arg10[%swap3A_967], %swap3A_970 {strides = array<i32>} : memref<512xf32, #tpu.memory_space<vmem>>, vector<16xf32>,
      %get3A_971 = arith.constant 352 : index
      %get3A_972 = tpu.vector_load %arg9[%get3A_971] {strides = array<i32>} : memref<512xf32, #tpu.memory_space<vmem>>, vector<16xf32>,
      %get3A_973 = vector.shape_cast %get3A_972 : vector<16xf32> to vector<16xf32>
      %get3A_974 = arith.constant 0 : i32
      %get3A_975 = arith.constant 0 : i32
      %get3A_976 = arith.constant 2 : i32
      %get3A_977 = arith.index_cast %get3A_974 : i32 to index
      %get3A_978 = arith.index_cast %get3A_975 : i32 to index
      %get3A_979 = arith.index_cast %get3A_976 : i32 to index
      %get3A_980 = arith.constant 96 : index
      %get3A_981 = tpu.vector_load %arg8[%get3A_977, %get3A_978, %get3A_979, %get3A_980] {strides = array<i32>} : memref<2x2x4x128xf32, #tpu.memory_space<vmem>>, vector<1x1x1x16xf32>,
      %get3A_982 = vector.shape_cast %get3A_981 : vector<1x1x1x16xf32> to vector<16xf32>
      %add3A_983 = arith.addf %get3A_973, %get3A_982 : vector<16xf32>
      %swap3A_984 = arith.constant 352 : index
      %swap3A_985 = tpu.vector_load %arg9[%swap3A_984] {strides = array<i32>} : memref<512xf32, #tpu.memory_space<vmem>>, vector<16xf32>,
      %swap3A_986 = vector.shape_cast %swap3A_985 : vector<16xf32> to vector<16xf32>
      %swap3A_987 = vector.shape_cast %add3A_983 : vector<16xf32> to vector<16xf32>
      tpu.vector_store %arg9[%swap3A_984], %swap3A_987 {strides = array<i32>} : memref<512xf32, #tpu.memory_space<vmem>>, vector<16xf32>,
      %get3A_988 = arith.constant 352 : index
      %get3A_989 = tpu.vector_load %arg10[%get3A_988] {strides = array<i32>} : memref<512xf32, #tpu.memory_space<vmem>>, vector<16xf32>,
      %get3A_990 = vector.shape_cast %get3A_989 : vector<16xf32> to vector<16xf32>
      %get3A_991 = arith.constant 0 : i32
      %get3A_992 = arith.constant 1 : i32
      %get3A_993 = arith.constant 2 : i32
      %get3A_994 = arith.index_cast %get3A_991 : i32 to index
      %get3A_995 = arith.index_cast %get3A_992 : i32 to index
      %get3A_996 = arith.index_cast %get3A_993 : i32 to index
      %get3A_997 = arith.constant 96 : index
      %get3A_998 = tpu.vector_load %arg8[%get3A_994, %get3A_995, %get3A_996, %get3A_997] {strides = array<i32>} : memref<2x2x4x128xf32, #tpu.memory_space<vmem>>, vector<1x1x1x16xf32>,
      %get3A_999 = vector.shape_cast %get3A_998 : vector<1x1x1x16xf32> to vector<16xf32>
      %add3A_1000 = arith.addf %get3A_990, %get3A_999 : vector<16xf32>
      %swap3A_1001 = arith.constant 352 : index
      %swap3A_1002 = tpu.vector_load %arg10[%swap3A_1001] {strides = array<i32>} : memref<512xf32, #tpu.memory_space<vmem>>, vector<16xf32>,
      %swap3A_1003 = vector.shape_cast %swap3A_1002 : vector<16xf32> to vector<16xf32>
      %swap3A_1004 = vector.shape_cast %add3A_1000 : vector<16xf32> to vector<16xf32>
      tpu.vector_store %arg10[%swap3A_1001], %swap3A_1004 {strides = array<i32>} : memref<512xf32, #tpu.memory_space<vmem>>, vector<16xf32>,
      %get3A_1005 = arith.constant 368 : index
      %get3A_1006 = tpu.vector_load %arg9[%get3A_1005] {strides = array<i32>} : memref<512xf32, #tpu.memory_space<vmem>>, vector<16xf32>,
      %get3A_1007 = vector.shape_cast %get3A_1006 : vector<16xf32> to vector<16xf32>
      %get3A_1008 = arith.constant 0 : i32
      %get3A_1009 = arith.constant 0 : i32
      %get3A_1010 = arith.constant 2 : i32
      %get3A_1011 = arith.index_cast %get3A_1008 : i32 to index
      %get3A_1012 = arith.index_cast %get3A_1009 : i32 to index
      %get3A_1013 = arith.index_cast %get3A_1010 : i32 to index
      %get3A_1014 = arith.constant 112 : index
      %get3A_1015 = tpu.vector_load %arg8[%get3A_1011, %get3A_1012, %get3A_1013, %get3A_1014] {strides = array<i32>} : memref<2x2x4x128xf32, #tpu.memory_space<vmem>>, vector<1x1x1x16xf32>,
      %get3A_1016 = vector.shape_cast %get3A_1015 : vector<1x1x1x16xf32> to vector<16xf32>
      %add3A_1017 = arith.addf %get3A_1007, %get3A_1016 : vector<16xf32>
      %swap3A_1018 = arith.constant 368 : index
      %swap3A_1019 = tpu.vector_load %arg9[%swap3A_1018] {strides = array<i32>} : memref<512xf32, #tpu.memory_space<vmem>>, vector<16xf32>,
      %swap3A_1020 = vector.shape_cast %swap3A_1019 : vector<16xf32> to vector<16xf32>
      %swap3A_1021 = vector.shape_cast %add3A_1017 : vector<16xf32> to vector<16xf32>
      tpu.vector_store %arg9[%swap3A_1018], %swap3A_1021 {strides = array<i32>} : memref<512xf32, #tpu.memory_space<vmem>>, vector<16xf32>,
      %get3A_1022 = arith.constant 368 : index
      %get3A_1023 = tpu.vector_load %arg10[%get3A_1022] {strides = array<i32>} : memref<512xf32, #tpu.memory_space<vmem>>, vector<16xf32>,
      %get3A_1024 = vector.shape_cast %get3A_1023 : vector<16xf32> to vector<16xf32>
      %get3A_1025 = arith.constant 0 : i32
      %get3A_1026 = arith.constant 1 : i32
      %get3A_1027 = arith.constant 2 : i32
      %get3A_1028 = arith.index_cast %get3A_1025 : i32 to index
      %get3A_1029 = arith.index_cast %get3A_1026 : i32 to index
      %get3A_1030 = arith.index_cast %get3A_1027 : i32 to index
      %get3A_1031 = arith.constant 112 : index
      %get3A_1032 = tpu.vector_load %arg8[%get3A_1028, %get3A_1029, %get3A_1030, %get3A_1031] {strides = array<i32>} : memref<2x2x4x128xf32, #tpu.memory_space<vmem>>, vector<1x1x1x16xf32>,
      %get3A_1033 = vector.shape_cast %get3A_1032 : vector<1x1x1x16xf32> to vector<16xf32>
      %add3A_1034 = arith.addf %get3A_1024, %get3A_1033 : vector<16xf32>
      %swap3A_1035 = arith.constant 368 : index
      %swap3A_1036 = tpu.vector_load %arg10[%swap3A_1035] {strides = array<i32>} : memref<512xf32, #tpu.memory_space<vmem>>, vector<16xf32>,
      %swap3A_1037 = vector.shape_cast %swap3A_1036 : vector<16xf32> to vector<16xf32>
      %swap3A_1038 = vector.shape_cast %add3A_1034 : vector<16xf32> to vector<16xf32>
      tpu.vector_store %arg10[%swap3A_1035], %swap3A_1038 {strides = array<i32>} : memref<512xf32, #tpu.memory_space<vmem>>, vector<16xf32>,
      %get3A_1039 = arith.constant 384 : index
      %get3A_1040 = tpu.vector_load %arg9[%get3A_1039] {strides = array<i32>} : memref<512xf32, #tpu.memory_space<vmem>>, vector<16xf32>,
      %get3A_1041 = vector.shape_cast %get3A_1040 : vector<16xf32> to vector<16xf32>
      %get3A_1042 = arith.constant 0 : i32
      %get3A_1043 = arith.constant 0 : i32
      %get3A_1044 = arith.constant 3 : i32
      %get3A_1045 = arith.index_cast %get3A_1042 : i32 to index
      %get3A_1046 = arith.index_cast %get3A_1043 : i32 to index
      %get3A_1047 = arith.index_cast %get3A_1044 : i32 to index
      %get3A_1048 = arith.constant 0 : index
      %get3A_1049 = tpu.vector_load %arg8[%get3A_1045, %get3A_1046, %get3A_1047, %get3A_1048] {strides = array<i32>} : memref<2x2x4x128xf32, #tpu.memory_space<vmem>>, vector<1x1x1x16xf32>,
      %get3A_1050 = vector.shape_cast %get3A_1049 : vector<1x1x1x16xf32> to vector<16xf32>
      %add3A_1051 = arith.addf %get3A_1041, %get3A_1050 : vector<16xf32>
      %swap3A_1052 = arith.constant 384 : index
      %swap3A_1053 = tpu.vector_load %arg9[%swap3A_1052] {strides = array<i32>} : memref<512xf32, #tpu.memory_space<vmem>>, vector<16xf32>,
      %swap3A_1054 = vector.shape_cast %swap3A_1053 : vector<16xf32> to vector<16xf32>
      %swap3A_1055 = vector.shape_cast %add3A_1051 : vector<16xf32> to vector<16xf32>
      tpu.vector_store %arg9[%swap3A_1052], %swap3A_1055 {strides = array<i32>} : memref<512xf32, #tpu.memory_space<vmem>>, vector<16xf32>,
      %get3A_1056 = arith.constant 384 : index
      %get3A_1057 = tpu.vector_load %arg10[%get3A_1056] {strides = array<i32>} : memref<512xf32, #tpu.memory_space<vmem>>, vector<16xf32>,
      %get3A_1058 = vector.shape_cast %get3A_1057 : vector<16xf32> to vector<16xf32>
      %get3A_1059 = arith.constant 0 : i32
      %get3A_1060 = arith.constant 1 : i32
      %get3A_1061 = arith.constant 3 : i32
      %get3A_1062 = arith.index_cast %get3A_1059 : i32 to index
      %get3A_1063 = arith.index_cast %get3A_1060 : i32 to index
      %get3A_1064 = arith.index_cast %get3A_1061 : i32 to index
      %get3A_1065 = arith.constant 0 : index
      %get3A_1066 = tpu.vector_load %arg8[%get3A_1062, %get3A_1063, %get3A_1064, %get3A_1065] {strides = array<i32>} : memref<2x2x4x128xf32, #tpu.memory_space<vmem>>, vector<1x1x1x16xf32>,
      %get3A_1067 = vector.shape_cast %get3A_1066 : vector<1x1x1x16xf32> to vector<16xf32>
      %add3A_1068 = arith.addf %get3A_1058, %get3A_1067 : vector<16xf32>
      %swap3A_1069 = arith.constant 384 : index
      %swap3A_1070 = tpu.vector_load %arg10[%swap3A_1069] {strides = array<i32>} : memref<512xf32, #tpu.memory_space<vmem>>, vector<16xf32>,
      %swap3A_1071 = vector.shape_cast %swap3A_1070 : vector<16xf32> to vector<16xf32>
      %swap3A_1072 = vector.shape_cast %add3A_1068 : vector<16xf32> to vector<16xf32>
      tpu.vector_store %arg10[%swap3A_1069], %swap3A_1072 {strides = array<i32>} : memref<512xf32, #tpu.memory_space<vmem>>, vector<16xf32>,
      %get3A_1073 = arith.constant 400 : index
      %get3A_1074 = tpu.vector_load %arg9[%get3A_1073] {strides = array<i32>} : memref<512xf32, #tpu.memory_space<vmem>>, vector<16xf32>,
      %get3A_1075 = vector.shape_cast %get3A_1074 : vector<16xf32> to vector<16xf32>
      %get3A_1076 = arith.constant 0 : i32
      %get3A_1077 = arith.constant 0 : i32
      %get3A_1078 = arith.constant 3 : i32
      %get3A_1079 = arith.index_cast %get3A_1076 : i32 to index
      %get3A_1080 = arith.index_cast %get3A_1077 : i32 to index
      %get3A_1081 = arith.index_cast %get3A_1078 : i32 to index
      %get3A_1082 = arith.constant 16 : index
      %get3A_1083 = tpu.vector_load %arg8[%get3A_1079, %get3A_1080, %get3A_1081, %get3A_1082] {strides = array<i32>} : memref<2x2x4x128xf32, #tpu.memory_space<vmem>>, vector<1x1x1x16xf32>,
      %get3A_1084 = vector.shape_cast %get3A_1083 : vector<1x1x1x16xf32> to vector<16xf32>
      %add3A_1085 = arith.addf %get3A_1075, %get3A_1084 : vector<16xf32>
      %swap3A_1086 = arith.constant 400 : index
      %swap3A_1087 = tpu.vector_load %arg9[%swap3A_1086] {strides = array<i32>} : memref<512xf32, #tpu.memory_space<vmem>>, vector<16xf32>,
      %swap3A_1088 = vector.shape_cast %swap3A_1087 : vector<16xf32> to vector<16xf32>
      %swap3A_1089 = vector.shape_cast %add3A_1085 : vector<16xf32> to vector<16xf32>
      tpu.vector_store %arg9[%swap3A_1086], %swap3A_1089 {strides = array<i32>} : memref<512xf32, #tpu.memory_space<vmem>>, vector<16xf32>,
      %get3A_1090 = arith.constant 400 : index
      %get3A_1091 = tpu.vector_load %arg10[%get3A_1090] {strides = array<i32>} : memref<512xf32, #tpu.memory_space<vmem>>, vector<16xf32>,
      %get3A_1092 = vector.shape_cast %get3A_1091 : vector<16xf32> to vector<16xf32>
      %get3A_1093 = arith.constant 0 : i32
      %get3A_1094 = arith.constant 1 : i32
      %get3A_1095 = arith.constant 3 : i32
      %get3A_1096 = arith.index_cast %get3A_1093 : i32 to index
      %get3A_1097 = arith.index_cast %get3A_1094 : i32 to index
      %get3A_1098 = arith.index_cast %get3A_1095 : i32 to index
      %get3A_1099 = arith.constant 16 : index
      %get3A_1100 = tpu.vector_load %arg8[%get3A_1096, %get3A_1097, %get3A_1098, %get3A_1099] {strides = array<i32>} : memref<2x2x4x128xf32, #tpu.memory_space<vmem>>, vector<1x1x1x16xf32>,
      %get3A_1101 = vector.shape_cast %get3A_1100 : vector<1x1x1x16xf32> to vector<16xf32>
      %add3A_1102 = arith.addf %get3A_1092, %get3A_1101 : vector<16xf32>
      %swap3A_1103 = arith.constant 400 : index
      %swap3A_1104 = tpu.vector_load %arg10[%swap3A_1103] {strides = array<i32>} : memref<512xf32, #tpu.memory_space<vmem>>, vector<16xf32>,
      %swap3A_1105 = vector.shape_cast %swap3A_1104 : vector<16xf32> to vector<16xf32>
      %swap3A_1106 = vector.shape_cast %add3A_1102 : vector<16xf32> to vector<16xf32>
      tpu.vector_store %arg10[%swap3A_1103], %swap3A_1106 {strides = array<i32>} : memref<512xf32, #tpu.memory_space<vmem>>, vector<16xf32>,
      %get3A_1107 = arith.constant 416 : index
      %get3A_1108 = tpu.vector_load %arg9[%get3A_1107] {strides = array<i32>} : memref<512xf32, #tpu.memory_space<vmem>>, vector<16xf32>,
      %get3A_1109 = vector.shape_cast %get3A_1108 : vector<16xf32> to vector<16xf32>
      %get3A_1110 = arith.constant 0 : i32
      %get3A_1111 = arith.constant 0 : i32
      %get3A_1112 = arith.constant 3 : i32
      %get3A_1113 = arith.index_cast %get3A_1110 : i32 to index
      %get3A_1114 = arith.index_cast %get3A_1111 : i32 to index
      %get3A_1115 = arith.index_cast %get3A_1112 : i32 to index
      %get3A_1116 = arith.constant 32 : index
      %get3A_1117 = tpu.vector_load %arg8[%get3A_1113, %get3A_1114, %get3A_1115, %get3A_1116] {strides = array<i32>} : memref<2x2x4x128xf32, #tpu.memory_space<vmem>>, vector<1x1x1x16xf32>,
      %get3A_1118 = vector.shape_cast %get3A_1117 : vector<1x1x1x16xf32> to vector<16xf32>
      %add3A_1119 = arith.addf %get3A_1109, %get3A_1118 : vector<16xf32>
      %swap3A_1120 = arith.constant 416 : index
      %swap3A_1121 = tpu.vector_load %arg9[%swap3A_1120] {strides = array<i32>} : memref<512xf32, #tpu.memory_space<vmem>>, vector<16xf32>,
      %swap3A_1122 = vector.shape_cast %swap3A_1121 : vector<16xf32> to vector<16xf32>
      %swap3A_1123 = vector.shape_cast %add3A_1119 : vector<16xf32> to vector<16xf32>
      tpu.vector_store %arg9[%swap3A_1120], %swap3A_1123 {strides = array<i32>} : memref<512xf32, #tpu.memory_space<vmem>>, vector<16xf32>,
      %get3A_1124 = arith.constant 416 : index
      %get3A_1125 = tpu.vector_load %arg10[%get3A_1124] {strides = array<i32>} : memref<512xf32, #tpu.memory_space<vmem>>, vector<16xf32>,
      %get3A_1126 = vector.shape_cast %get3A_1125 : vector<16xf32> to vector<16xf32>
      %get3A_1127 = arith.constant 0 : i32
      %get3A_1128 = arith.constant 1 : i32
      %get3A_1129 = arith.constant 3 : i32
      %get3A_1130 = arith.index_cast %get3A_1127 : i32 to index
      %get3A_1131 = arith.index_cast %get3A_1128 : i32 to index
      %get3A_1132 = arith.index_cast %get3A_1129 : i32 to index
      %get3A_1133 = arith.constant 32 : index
      %get3A_1134 = tpu.vector_load %arg8[%get3A_1130, %get3A_1131, %get3A_1132, %get3A_1133] {strides = array<i32>} : memref<2x2x4x128xf32, #tpu.memory_space<vmem>>, vector<1x1x1x16xf32>,
      %get3A_1135 = vector.shape_cast %get3A_1134 : vector<1x1x1x16xf32> to vector<16xf32>
      %add3A_1136 = arith.addf %get3A_1126, %get3A_1135 : vector<16xf32>
      %swap3A_1137 = arith.constant 416 : index
      %swap3A_1138 = tpu.vector_load %arg10[%swap3A_1137] {strides = array<i32>} : memref<512xf32, #tpu.memory_space<vmem>>, vector<16xf32>,
      %swap3A_1139 = vector.shape_cast %swap3A_1138 : vector<16xf32> to vector<16xf32>
      %swap3A_1140 = vector.shape_cast %add3A_1136 : vector<16xf32> to vector<16xf32>
      tpu.vector_store %arg10[%swap3A_1137], %swap3A_1140 {strides = array<i32>} : memref<512xf32, #tpu.memory_space<vmem>>, vector<16xf32>,
      %get3A_1141 = arith.constant 432 : index
      %get3A_1142 = tpu.vector_load %arg9[%get3A_1141] {strides = array<i32>} : memref<512xf32, #tpu.memory_space<vmem>>, vector<16xf32>,
      %get3A_1143 = vector.shape_cast %get3A_1142 : vector<16xf32> to vector<16xf32>
      %get3A_1144 = arith.constant 0 : i32
      %get3A_1145 = arith.constant 0 : i32
      %get3A_1146 = arith.constant 3 : i32
      %get3A_1147 = arith.index_cast %get3A_1144 : i32 to index
      %get3A_1148 = arith.index_cast %get3A_1145 : i32 to index
      %get3A_1149 = arith.index_cast %get3A_1146 : i32 to index
      %get3A_1150 = arith.constant 48 : index
      %get3A_1151 = tpu.vector_load %arg8[%get3A_1147, %get3A_1148, %get3A_1149, %get3A_1150] {strides = array<i32>} : memref<2x2x4x128xf32, #tpu.memory_space<vmem>>, vector<1x1x1x16xf32>,
      %get3A_1152 = vector.shape_cast %get3A_1151 : vector<1x1x1x16xf32> to vector<16xf32>
      %add3A_1153 = arith.addf %get3A_1143, %get3A_1152 : vector<16xf32>
      %swap3A_1154 = arith.constant 432 : index
      %swap3A_1155 = tpu.vector_load %arg9[%swap3A_1154] {strides = array<i32>} : memref<512xf32, #tpu.memory_space<vmem>>, vector<16xf32>,
      %swap3A_1156 = vector.shape_cast %swap3A_1155 : vector<16xf32> to vector<16xf32>
      %swap3A_1157 = vector.shape_cast %add3A_1153 : vector<16xf32> to vector<16xf32>
      tpu.vector_store %arg9[%swap3A_1154], %swap3A_1157 {strides = array<i32>} : memref<512xf32, #tpu.memory_space<vmem>>, vector<16xf32>,
      %get3A_1158 = arith.constant 432 : index
      %get3A_1159 = tpu.vector_load %arg10[%get3A_1158] {strides = array<i32>} : memref<512xf32, #tpu.memory_space<vmem>>, vector<16xf32>,
      %get3A_1160 = vector.shape_cast %get3A_1159 : vector<16xf32> to vector<16xf32>
      %get3A_1161 = arith.constant 0 : i32
      %get3A_1162 = arith.constant 1 : i32
      %get3A_1163 = arith.constant 3 : i32
      %get3A_1164 = arith.index_cast %get3A_1161 : i32 to index
      %get3A_1165 = arith.index_cast %get3A_1162 : i32 to index
      %get3A_1166 = arith.index_cast %get3A_1163 : i32 to index
      %get3A_1167 = arith.constant 48 : index
      %get3A_1168 = tpu.vector_load %arg8[%get3A_1164, %get3A_1165, %get3A_1166, %get3A_1167] {strides = array<i32>} : memref<2x2x4x128xf32, #tpu.memory_space<vmem>>, vector<1x1x1x16xf32>,
      %get3A_1169 = vector.shape_cast %get3A_1168 : vector<1x1x1x16xf32> to vector<16xf32>
      %add3A_1170 = arith.addf %get3A_1160, %get3A_1169 : vector<16xf32>
      %swap3A_1171 = arith.constant 432 : index
      %swap3A_1172 = tpu.vector_load %arg10[%swap3A_1171] {strides = array<i32>} : memref<512xf32, #tpu.memory_space<vmem>>, vector<16xf32>,
      %swap3A_1173 = vector.shape_cast %swap3A_1172 : vector<16xf32> to vector<16xf32>
      %swap3A_1174 = vector.shape_cast %add3A_1170 : vector<16xf32> to vector<16xf32>
      tpu.vector_store %arg10[%swap3A_1171], %swap3A_1174 {strides = array<i32>} : memref<512xf32, #tpu.memory_space<vmem>>, vector<16xf32>,
      %get3A_1175 = arith.constant 448 : index
      %get3A_1176 = tpu.vector_load %arg9[%get3A_1175] {strides = array<i32>} : memref<512xf32, #tpu.memory_space<vmem>>, vector<16xf32>,
      %get3A_1177 = vector.shape_cast %get3A_1176 : vector<16xf32> to vector<16xf32>
      %get3A_1178 = arith.constant 0 : i32
      %get3A_1179 = arith.constant 0 : i32
      %get3A_1180 = arith.constant 3 : i32
      %get3A_1181 = arith.index_cast %get3A_1178 : i32 to index
      %get3A_1182 = arith.index_cast %get3A_1179 : i32 to index
      %get3A_1183 = arith.index_cast %get3A_1180 : i32 to index
      %get3A_1184 = arith.constant 64 : index
      %get3A_1185 = tpu.vector_load %arg8[%get3A_1181, %get3A_1182, %get3A_1183, %get3A_1184] {strides = array<i32>} : memref<2x2x4x128xf32, #tpu.memory_space<vmem>>, vector<1x1x1x16xf32>,
      %get3A_1186 = vector.shape_cast %get3A_1185 : vector<1x1x1x16xf32> to vector<16xf32>
      %add3A_1187 = arith.addf %get3A_1177, %get3A_1186 : vector<16xf32>
      %swap3A_1188 = arith.constant 448 : index
      %swap3A_1189 = tpu.vector_load %arg9[%swap3A_1188] {strides = array<i32>} : memref<512xf32, #tpu.memory_space<vmem>>, vector<16xf32>,
      %swap3A_1190 = vector.shape_cast %swap3A_1189 : vector<16xf32> to vector<16xf32>
      %swap3A_1191 = vector.shape_cast %add3A_1187 : vector<16xf32> to vector<16xf32>
      tpu.vector_store %arg9[%swap3A_1188], %swap3A_1191 {strides = array<i32>} : memref<512xf32, #tpu.memory_space<vmem>>, vector<16xf32>,
      %get3A_1192 = arith.constant 448 : index
      %get3A_1193 = tpu.vector_load %arg10[%get3A_1192] {strides = array<i32>} : memref<512xf32, #tpu.memory_space<vmem>>, vector<16xf32>,
      %get3A_1194 = vector.shape_cast %get3A_1193 : vector<16xf32> to vector<16xf32>
      %get3A_1195 = arith.constant 0 : i32
      %get3A_1196 = arith.constant 1 : i32
      %get3A_1197 = arith.constant 3 : i32
      %get3A_1198 = arith.index_cast %get3A_1195 : i32 to index
      %get3A_1199 = arith.index_cast %get3A_1196 : i32 to index
      %get3A_1200 = arith.index_cast %get3A_1197 : i32 to index
      %get3A_1201 = arith.constant 64 : index
      %get3A_1202 = tpu.vector_load %arg8[%get3A_1198, %get3A_1199, %get3A_1200, %get3A_1201] {strides = array<i32>} : memref<2x2x4x128xf32, #tpu.memory_space<vmem>>, vector<1x1x1x16xf32>,
      %get3A_1203 = vector.shape_cast %get3A_1202 : vector<1x1x1x16xf32> to vector<16xf32>
      %add3A_1204 = arith.addf %get3A_1194, %get3A_1203 : vector<16xf32>
      %swap3A_1205 = arith.constant 448 : index
      %swap3A_1206 = tpu.vector_load %arg10[%swap3A_1205] {strides = array<i32>} : memref<512xf32, #tpu.memory_space<vmem>>, vector<16xf32>,
      %swap3A_1207 = vector.shape_cast %swap3A_1206 : vector<16xf32> to vector<16xf32>
      %swap3A_1208 = vector.shape_cast %add3A_1204 : vector<16xf32> to vector<16xf32>
      tpu.vector_store %arg10[%swap3A_1205], %swap3A_1208 {strides = array<i32>} : memref<512xf32, #tpu.memory_space<vmem>>, vector<16xf32>,
      %get3A_1209 = arith.constant 464 : index
      %get3A_1210 = tpu.vector_load %arg9[%get3A_1209] {strides = array<i32>} : memref<512xf32, #tpu.memory_space<vmem>>, vector<16xf32>,
      %get3A_1211 = vector.shape_cast %get3A_1210 : vector<16xf32> to vector<16xf32>
      %get3A_1212 = arith.constant 0 : i32
      %get3A_1213 = arith.constant 0 : i32
      %get3A_1214 = arith.constant 3 : i32
      %get3A_1215 = arith.index_cast %get3A_1212 : i32 to index
      %get3A_1216 = arith.index_cast %get3A_1213 : i32 to index
      %get3A_1217 = arith.index_cast %get3A_1214 : i32 to index
      %get3A_1218 = arith.constant 80 : index
      %get3A_1219 = tpu.vector_load %arg8[%get3A_1215, %get3A_1216, %get3A_1217, %get3A_1218] {strides = array<i32>} : memref<2x2x4x128xf32, #tpu.memory_space<vmem>>, vector<1x1x1x16xf32>,
      %get3A_1220 = vector.shape_cast %get3A_1219 : vector<1x1x1x16xf32> to vector<16xf32>
      %add3A_1221 = arith.addf %get3A_1211, %get3A_1220 : vector<16xf32>
      %swap3A_1222 = arith.constant 464 : index
      %swap3A_1223 = tpu.vector_load %arg9[%swap3A_1222] {strides = array<i32>} : memref<512xf32, #tpu.memory_space<vmem>>, vector<16xf32>,
      %swap3A_1224 = vector.shape_cast %swap3A_1223 : vector<16xf32> to vector<16xf32>
      %swap3A_1225 = vector.shape_cast %add3A_1221 : vector<16xf32> to vector<16xf32>
      tpu.vector_store %arg9[%swap3A_1222], %swap3A_1225 {strides = array<i32>} : memref<512xf32, #tpu.memory_space<vmem>>, vector<16xf32>,
      %get3A_1226 = arith.constant 464 : index
      %get3A_1227 = tpu.vector_load %arg10[%get3A_1226] {strides = array<i32>} : memref<512xf32, #tpu.memory_space<vmem>>, vector<16xf32>,
      %get3A_1228 = vector.shape_cast %get3A_1227 : vector<16xf32> to vector<16xf32>
      %get3A_1229 = arith.constant 0 : i32
      %get3A_1230 = arith.constant 1 : i32
      %get3A_1231 = arith.constant 3 : i32
      %get3A_1232 = arith.index_cast %get3A_1229 : i32 to index
      %get3A_1233 = arith.index_cast %get3A_1230 : i32 to index
      %get3A_1234 = arith.index_cast %get3A_1231 : i32 to index
      %get3A_1235 = arith.constant 80 : index
      %get3A_1236 = tpu.vector_load %arg8[%get3A_1232, %get3A_1233, %get3A_1234, %get3A_1235] {strides = array<i32>} : memref<2x2x4x128xf32, #tpu.memory_space<vmem>>, vector<1x1x1x16xf32>,
      %get3A_1237 = vector.shape_cast %get3A_1236 : vector<1x1x1x16xf32> to vector<16xf32>
      %add3A_1238 = arith.addf %get3A_1228, %get3A_1237 : vector<16xf32>
      %swap3A_1239 = arith.constant 464 : index
      %swap3A_1240 = tpu.vector_load %arg10[%swap3A_1239] {strides = array<i32>} : memref<512xf32, #tpu.memory_space<vmem>>, vector<16xf32>,
      %swap3A_1241 = vector.shape_cast %swap3A_1240 : vector<16xf32> to vector<16xf32>
      %swap3A_1242 = vector.shape_cast %add3A_1238 : vector<16xf32> to vector<16xf32>
      tpu.vector_store %arg10[%swap3A_1239], %swap3A_1242 {strides = array<i32>} : memref<512xf32, #tpu.memory_space<vmem>>, vector<16xf32>,
      %get3A_1243 = arith.constant 480 : index
      %get3A_1244 = tpu.vector_load %arg9[%get3A_1243] {strides = array<i32>} : memref<512xf32, #tpu.memory_space<vmem>>, vector<16xf32>,
      %get3A_1245 = vector.shape_cast %get3A_1244 : vector<16xf32> to vector<16xf32>
      %get3A_1246 = arith.constant 0 : i32
      %get3A_1247 = arith.constant 0 : i32
      %get3A_1248 = arith.constant 3 : i32
      %get3A_1249 = arith.index_cast %get3A_1246 : i32 to index
      %get3A_1250 = arith.index_cast %get3A_1247 : i32 to index
      %get3A_1251 = arith.index_cast %get3A_1248 : i32 to index
      %get3A_1252 = arith.constant 96 : index
      %get3A_1253 = tpu.vector_load %arg8[%get3A_1249, %get3A_1250, %get3A_1251, %get3A_1252] {strides = array<i32>} : memref<2x2x4x128xf32, #tpu.memory_space<vmem>>, vector<1x1x1x16xf32>,
      %get3A_1254 = vector.shape_cast %get3A_1253 : vector<1x1x1x16xf32> to vector<16xf32>
      %add3A_1255 = arith.addf %get3A_1245, %get3A_1254 : vector<16xf32>
      %swap3A_1256 = arith.constant 480 : index
      %swap3A_1257 = tpu.vector_load %arg9[%swap3A_1256] {strides = array<i32>} : memref<512xf32, #tpu.memory_space<vmem>>, vector<16xf32>,
      %swap3A_1258 = vector.shape_cast %swap3A_1257 : vector<16xf32> to vector<16xf32>
      %swap3A_1259 = vector.shape_cast %add3A_1255 : vector<16xf32> to vector<16xf32>
      tpu.vector_store %arg9[%swap3A_1256], %swap3A_1259 {strides = array<i32>} : memref<512xf32, #tpu.memory_space<vmem>>, vector<16xf32>,
      %get3A_1260 = arith.constant 480 : index
      %get3A_1261 = tpu.vector_load %arg10[%get3A_1260] {strides = array<i32>} : memref<512xf32, #tpu.memory_space<vmem>>, vector<16xf32>,
      %get3A_1262 = vector.shape_cast %get3A_1261 : vector<16xf32> to vector<16xf32>
      %get3A_1263 = arith.constant 0 : i32
      %get3A_1264 = arith.constant 1 : i32
      %get3A_1265 = arith.constant 3 : i32
      %get3A_1266 = arith.index_cast %get3A_1263 : i32 to index
      %get3A_1267 = arith.index_cast %get3A_1264 : i32 to index
      %get3A_1268 = arith.index_cast %get3A_1265 : i32 to index
      %get3A_1269 = arith.constant 96 : index
      %get3A_1270 = tpu.vector_load %arg8[%get3A_1266, %get3A_1267, %get3A_1268, %get3A_1269] {strides = array<i32>} : memref<2x2x4x128xf32, #tpu.memory_space<vmem>>, vector<1x1x1x16xf32>,
      %get3A_1271 = vector.shape_cast %get3A_1270 : vector<1x1x1x16xf32> to vector<16xf32>
      %add3A_1272 = arith.addf %get3A_1262, %get3A_1271 : vector<16xf32>
      %swap3A_1273 = arith.constant 480 : index
      %swap3A_1274 = tpu.vector_load %arg10[%swap3A_1273] {strides = array<i32>} : memref<512xf32, #tpu.memory_space<vmem>>, vector<16xf32>,
      %swap3A_1275 = vector.shape_cast %swap3A_1274 : vector<16xf32> to vector<16xf32>
      %swap3A_1276 = vector.shape_cast %add3A_1272 : vector<16xf32> to vector<16xf32>
      tpu.vector_store %arg10[%swap3A_1273], %swap3A_1276 {strides = array<i32>} : memref<512xf32, #tpu.memory_space<vmem>>, vector<16xf32>,
      %get3A_1277 = arith.constant 496 : index
      %get3A_1278 = tpu.vector_load %arg9[%get3A_1277] {strides = array<i32>} : memref<512xf32, #tpu.memory_space<vmem>>, vector<16xf32>,
      %get3A_1279 = vector.shape_cast %get3A_1278 : vector<16xf32> to vector<16xf32>
      %get3A_1280 = arith.constant 0 : i32
      %get3A_1281 = arith.constant 0 : i32
      %get3A_1282 = arith.constant 3 : i32
      %get3A_1283 = arith.index_cast %get3A_1280 : i32 to index
      %get3A_1284 = arith.index_cast %get3A_1281 : i32 to index
      %get3A_1285 = arith.index_cast %get3A_1282 : i32 to index
      %get3A_1286 = arith.constant 112 : index
      %get3A_1287 = tpu.vector_load %arg8[%get3A_1283, %get3A_1284, %get3A_1285, %get3A_1286] {strides = array<i32>} : memref<2x2x4x128xf32, #tpu.memory_space<vmem>>, vector<1x1x1x16xf32>,
      %get3A_1288 = vector.shape_cast %get3A_1287 : vector<1x1x1x16xf32> to vector<16xf32>
      %add3A_1289 = arith.addf %get3A_1279, %get3A_1288 : vector<16xf32>
      %swap3A_1290 = arith.constant 496 : index
      %swap3A_1291 = tpu.vector_load %arg9[%swap3A_1290] {strides = array<i32>} : memref<512xf32, #tpu.memory_space<vmem>>, vector<16xf32>,
      %swap3A_1292 = vector.shape_cast %swap3A_1291 : vector<16xf32> to vector<16xf32>
      %swap3A_1293 = vector.shape_cast %add3A_1289 : vector<16xf32> to vector<16xf32>
      tpu.vector_store %arg9[%swap3A_1290], %swap3A_1293 {strides = array<i32>} : memref<512xf32, #tpu.memory_space<vmem>>, vector<16xf32>,
      %get3A_1294 = arith.constant 496 : index
      %get3A_1295 = tpu.vector_load %arg10[%get3A_1294] {strides = array<i32>} : memref<512xf32, #tpu.memory_space<vmem>>, vector<16xf32>,
      %get3A_1296 = vector.shape_cast %get3A_1295 : vector<16xf32> to vector<16xf32>
      %get3A_1297 = arith.constant 0 : i32
      %get3A_1298 = arith.constant 1 : i32
      %get3A_1299 = arith.constant 3 : i32
      %get3A_1300 = arith.index_cast %get3A_1297 : i32 to index
      %get3A_1301 = arith.index_cast %get3A_1298 : i32 to index
      %get3A_1302 = arith.index_cast %get3A_1299 : i32 to index
      %get3A_1303 = arith.constant 112 : index
      %get3A_1304 = tpu.vector_load %arg8[%get3A_1300, %get3A_1301, %get3A_1302, %get3A_1303] {strides = array<i32>} : memref<2x2x4x128xf32, #tpu.memory_space<vmem>>, vector<1x1x1x16xf32>,
      %get3A_1305 = vector.shape_cast %get3A_1304 : vector<1x1x1x16xf32> to vector<16xf32>
      %add3A_1306 = arith.addf %get3A_1296, %get3A_1305 : vector<16xf32>
      %swap3A_1307 = arith.constant 496 : index
      %swap3A_1308 = tpu.vector_load %arg10[%swap3A_1307] {strides = array<i32>} : memref<512xf32, #tpu.memory_space<vmem>>, vector<16xf32>,
      %swap3A_1309 = vector.shape_cast %swap3A_1308 : vector<16xf32> to vector<16xf32>
      %swap3A_1310 = vector.shape_cast %add3A_1306 : vector<16xf32> to vector<16xf32>
      tpu.vector_store %arg10[%swap3A_1307], %swap3A_1310 {strides = array<i32>} : memref<512xf32, #tpu.memory_space<vmem>>, vector<16xf32>,
      %mul3A_1311 = arith.constant 2 : i32
      %mul3A_1312 = arith.muli %mul3A_1311, %scan3A_120 : i32
      %add3A_1313 = arith.constant 1 : i32
      %add3A_1314 = arith.addi %mul3A_1312, %add3A_1313 : i32
      %add3A_1315 = arith.constant 1 : i32
      %add3A_1316 = arith.addi %add3A_1314, %add3A_1315 : i32
      %lt3A_1317 = arith.constant 50 : i32
      %lt3A_1318 = arith.cmpi slt, %add3A_1316, %lt3A_1317 : i32
      %convert_element_type3A_1319 = arith.extui %lt3A_1318 : i1 to i32
      %cond3A_1320 = arith.constant 0 : i32
      %cond3A_1321 = arith.cmpi ne, %convert_element_type3A_1319, %cond3A_1320 : i32
      scf.if %cond3A_1321 {
        %add3A_2507 = arith.constant 1 : i32
        %add3A_2508 = arith.addi %add3A_1314, %add3A_2507 : i32
        %dma_start3A_2509 = arith.constant 0 : i32
        %dma_start3A_2510 = arith.constant 0 : i32
        %dma_start3A_2511 = arith.constant 0 : i32
        %dma_start3A_2512 = arith.constant 0 : i32
        %dma_start3A_2513 = arith.constant 0 : i32
        %dma_start3A_2514 = tpu.memref_slice %arg8[%dma_start3A_2510, %dma_start3A_2511, %dma_start3A_2512, %dma_start3A_2513] : memref<2x2x4x128xf32, #tpu.memory_space<vmem>> -> memref<1x1x1x128xf32, #tpu.memory_space<vmem>>
        %dma_start3A_2515 = tpu.memref_squeeze %dma_start3A_2514 : memref<1x1x1x128xf32, #tpu.memory_space<vmem>> -> memref<128xf32, #tpu.memory_space<vmem>>
        %dma_start3A_2516 = arith.constant 0 : i32
        %dma_start3A_2517 = tpu.memref_slice %arg7[%add3A_2508, %dma_start3A_2509, %dma_start3A_2516] : memref<50x4x128xi32, #tpu.memory_space<vmem>> -> memref<1x1x128xi32, #tpu.memory_space<vmem>>
        %dma_start3A_2518 = tpu.memref_squeeze %dma_start3A_2517 : memref<1x1x128xi32, #tpu.memory_space<vmem>> -> memref<128xi32, #tpu.memory_space<vmem>>
        %dma_start3A_2519 = arith.constant 0 : i32
        %dma_start3A_2520 = tpu.memref_slice %arg3[%dma_start3A_2519] : memref<1000000xf32, #tpu.memory_space<hbm>> -> memref<1000000xf32, #tpu.memory_space<hbm>>
        tpu.enqueue_indirect_dma source(%dma_start3A_2520 : memref<1000000xf32, #tpu.memory_space<hbm>>) target(%dma_start3A_2515 : memref<128xf32, #tpu.memory_space<vmem>>) offsets(%dma_start3A_2518 : memref<128xi32, #tpu.memory_space<vmem>>) semaphore(%arg11 : memref<!tpu.dma_semaphore, #tpu.memory_space<semaphore_mem>>)
        %dma_start3A_2521 = arith.constant 0 : i32
        %dma_start3A_2522 = arith.constant 0 : i32
        %dma_start3A_2523 = arith.constant 1 : i32
        %dma_start3A_2524 = arith.constant 0 : i32
        %dma_start3A_2525 = arith.constant 0 : i32
        %dma_start3A_2526 = tpu.memref_slice %arg8[%dma_start3A_2522, %dma_start3A_2523, %dma_start3A_2524, %dma_start3A_2525] : memref<2x2x4x128xf32, #tpu.memory_space<vmem>> -> memref<1x1x1x128xf32, #tpu.memory_space<vmem>>
        %dma_start3A_2527 = tpu.memref_squeeze %dma_start3A_2526 : memref<1x1x1x128xf32, #tpu.memory_space<vmem>> -> memref<128xf32, #tpu.memory_space<vmem>>
        %dma_start3A_2528 = arith.constant 0 : i32
        %dma_start3A_2529 = tpu.memref_slice %arg7[%add3A_2508, %dma_start3A_2521, %dma_start3A_2528] : memref<50x4x128xi32, #tpu.memory_space<vmem>> -> memref<1x1x128xi32, #tpu.memory_space<vmem>>
        %dma_start3A_2530 = tpu.memref_squeeze %dma_start3A_2529 : memref<1x1x128xi32, #tpu.memory_space<vmem>> -> memref<128xi32, #tpu.memory_space<vmem>>
        %dma_start3A_2531 = arith.constant 0 : i32
        %dma_start3A_2532 = tpu.memref_slice %arg4[%dma_start3A_2531] : memref<1000000xf32, #tpu.memory_space<hbm>> -> memref<1000000xf32, #tpu.memory_space<hbm>>
        tpu.enqueue_indirect_dma source(%dma_start3A_2532 : memref<1000000xf32, #tpu.memory_space<hbm>>) target(%dma_start3A_2527 : memref<128xf32, #tpu.memory_space<vmem>>) offsets(%dma_start3A_2530 : memref<128xi32, #tpu.memory_space<vmem>>) semaphore(%arg11 : memref<!tpu.dma_semaphore, #tpu.memory_space<semaphore_mem>>)
        %dma_start3A_2533 = arith.constant 1 : i32
        %dma_start3A_2534 = arith.constant 0 : i32
        %dma_start3A_2535 = arith.constant 0 : i32
        %dma_start3A_2536 = arith.constant 1 : i32
        %dma_start3A_2537 = arith.constant 0 : i32
        %dma_start3A_2538 = tpu.memref_slice %arg8[%dma_start3A_2534, %dma_start3A_2535, %dma_start3A_2536, %dma_start3A_2537] : memref<2x2x4x128xf32, #tpu.memory_space<vmem>> -> memref<1x1x1x128xf32, #tpu.memory_space<vmem>>
        %dma_start3A_2539 = tpu.memref_squeeze %dma_start3A_2538 : memref<1x1x1x128xf32, #tpu.memory_space<vmem>> -> memref<128xf32, #tpu.memory_space<vmem>>
        %dma_start3A_2540 = arith.constant 0 : i32
        %dma_start3A_2541 = tpu.memref_slice %arg7[%add3A_2508, %dma_start3A_2533, %dma_start3A_2540] : memref<50x4x128xi32, #tpu.memory_space<vmem>> -> memref<1x1x128xi32, #tpu.memory_space<vmem>>
        %dma_start3A_2542 = tpu.memref_squeeze %dma_start3A_2541 : memref<1x1x128xi32, #tpu.memory_space<vmem>> -> memref<128xi32, #tpu.memory_space<vmem>>
        %dma_start3A_2543 = arith.constant 0 : i32
        %dma_start3A_2544 = tpu.memref_slice %arg3[%dma_start3A_2543] : memref<1000000xf32, #tpu.memory_space<hbm>> -> memref<1000000xf32, #tpu.memory_space<hbm>>
        tpu.enqueue_indirect_dma source(%dma_start3A_2544 : memref<1000000xf32, #tpu.memory_space<hbm>>) target(%dma_start3A_2539 : memref<128xf32, #tpu.memory_space<vmem>>) offsets(%dma_start3A_2542 : memref<128xi32, #tpu.memory_space<vmem>>) semaphore(%arg11 : memref<!tpu.dma_semaphore, #tpu.memory_space<semaphore_mem>>)
        %dma_start3A_2545 = arith.constant 1 : i32
        %dma_start3A_2546 = arith.constant 0 : i32
        %dma_start3A_2547 = arith.constant 1 : i32
        %dma_start3A_2548 = arith.constant 1 : i32
        %dma_start3A_2549 = arith.constant 0 : i32
        %dma_start3A_2550 = tpu.memref_slice %arg8[%dma_start3A_2546, %dma_start3A_2547, %dma_start3A_2548, %dma_start3A_2549] : memref<2x2x4x128xf32, #tpu.memory_space<vmem>> -> memref<1x1x1x128xf32, #tpu.memory_space<vmem>>
        %dma_start3A_2551 = tpu.memref_squeeze %dma_start3A_2550 : memref<1x1x1x128xf32, #tpu.memory_space<vmem>> -> memref<128xf32, #tpu.memory_space<vmem>>
        %dma_start3A_2552 = arith.constant 0 : i32
        %dma_start3A_2553 = tpu.memref_slice %arg7[%add3A_2508, %dma_start3A_2545, %dma_start3A_2552] : memref<50x4x128xi32, #tpu.memory_space<vmem>> -> memref<1x1x128xi32, #tpu.memory_space<vmem>>
        %dma_start3A_2554 = tpu.memref_squeeze %dma_start3A_2553 : memref<1x1x128xi32, #tpu.memory_space<vmem>> -> memref<128xi32, #tpu.memory_space<vmem>>
        %dma_start3A_2555 = arith.constant 0 : i32
        %dma_start3A_2556 = tpu.memref_slice %arg4[%dma_start3A_2555] : memref<1000000xf32, #tpu.memory_space<hbm>> -> memref<1000000xf32, #tpu.memory_space<hbm>>
        tpu.enqueue_indirect_dma source(%dma_start3A_2556 : memref<1000000xf32, #tpu.memory_space<hbm>>) target(%dma_start3A_2551 : memref<128xf32, #tpu.memory_space<vmem>>) offsets(%dma_start3A_2554 : memref<128xi32, #tpu.memory_space<vmem>>) semaphore(%arg11 : memref<!tpu.dma_semaphore, #tpu.memory_space<semaphore_mem>>)
        %dma_start3A_2557 = arith.constant 2 : i32
        %dma_start3A_2558 = arith.constant 0 : i32
        %dma_start3A_2559 = arith.constant 0 : i32
        %dma_start3A_2560 = arith.constant 2 : i32
        %dma_start3A_2561 = arith.constant 0 : i32
        %dma_start3A_2562 = tpu.memref_slice %arg8[%dma_start3A_2558, %dma_start3A_2559, %dma_start3A_2560, %dma_start3A_2561] : memref<2x2x4x128xf32, #tpu.memory_space<vmem>> -> memref<1x1x1x128xf32, #tpu.memory_space<vmem>>
        %dma_start3A_2563 = tpu.memref_squeeze %dma_start3A_2562 : memref<1x1x1x128xf32, #tpu.memory_space<vmem>> -> memref<128xf32, #tpu.memory_space<vmem>>
        %dma_start3A_2564 = arith.constant 0 : i32
        %dma_start3A_2565 = tpu.memref_slice %arg7[%add3A_2508, %dma_start3A_2557, %dma_start3A_2564] : memref<50x4x128xi32, #tpu.memory_space<vmem>> -> memref<1x1x128xi32, #tpu.memory_space<vmem>>
        %dma_start3A_2566 = tpu.memref_squeeze %dma_start3A_2565 : memref<1x1x128xi32, #tpu.memory_space<vmem>> -> memref<128xi32, #tpu.memory_space<vmem>>
        %dma_start3A_2567 = arith.constant 0 : i32
        %dma_start3A_2568 = tpu.memref_slice %arg3[%dma_start3A_2567] : memref<1000000xf32, #tpu.memory_space<hbm>> -> memref<1000000xf32, #tpu.memory_space<hbm>>
        tpu.enqueue_indirect_dma source(%dma_start3A_2568 : memref<1000000xf32, #tpu.memory_space<hbm>>) target(%dma_start3A_2563 : memref<128xf32, #tpu.memory_space<vmem>>) offsets(%dma_start3A_2566 : memref<128xi32, #tpu.memory_space<vmem>>) semaphore(%arg11 : memref<!tpu.dma_semaphore, #tpu.memory_space<semaphore_mem>>)
        %dma_start3A_2569 = arith.constant 2 : i32
        %dma_start3A_2570 = arith.constant 0 : i32
        %dma_start3A_2571 = arith.constant 1 : i32
        %dma_start3A_2572 = arith.constant 2 : i32
        %dma_start3A_2573 = arith.constant 0 : i32
        %dma_start3A_2574 = tpu.memref_slice %arg8[%dma_start3A_2570, %dma_start3A_2571, %dma_start3A_2572, %dma_start3A_2573] : memref<2x2x4x128xf32, #tpu.memory_space<vmem>> -> memref<1x1x1x128xf32, #tpu.memory_space<vmem>>
        %dma_start3A_2575 = tpu.memref_squeeze %dma_start3A_2574 : memref<1x1x1x128xf32, #tpu.memory_space<vmem>> -> memref<128xf32, #tpu.memory_space<vmem>>
        %dma_start3A_2576 = arith.constant 0 : i32
        %dma_start3A_2577 = tpu.memref_slice %arg7[%add3A_2508, %dma_start3A_2569, %dma_start3A_2576] : memref<50x4x128xi32, #tpu.memory_space<vmem>> -> memref<1x1x128xi32, #tpu.memory_space<vmem>>
        %dma_start3A_2578 = tpu.memref_squeeze %dma_start3A_2577 : memref<1x1x128xi32, #tpu.memory_space<vmem>> -> memref<128xi32, #tpu.memory_space<vmem>>
        %dma_start3A_2579 = arith.constant 0 : i32
        %dma_start3A_2580 = tpu.memref_slice %arg4[%dma_start3A_2579] : memref<1000000xf32, #tpu.memory_space<hbm>> -> memref<1000000xf32, #tpu.memory_space<hbm>>
        tpu.enqueue_indirect_dma source(%dma_start3A_2580 : memref<1000000xf32, #tpu.memory_space<hbm>>) target(%dma_start3A_2575 : memref<128xf32, #tpu.memory_space<vmem>>) offsets(%dma_start3A_2578 : memref<128xi32, #tpu.memory_space<vmem>>) semaphore(%arg11 : memref<!tpu.dma_semaphore, #tpu.memory_space<semaphore_mem>>)
        %dma_start3A_2581 = arith.constant 3 : i32
        %dma_start3A_2582 = arith.constant 0 : i32
        %dma_start3A_2583 = arith.constant 0 : i32
        %dma_start3A_2584 = arith.constant 3 : i32
        %dma_start3A_2585 = arith.constant 0 : i32
        %dma_start3A_2586 = tpu.memref_slice %arg8[%dma_start3A_2582, %dma_start3A_2583, %dma_start3A_2584, %dma_start3A_2585] : memref<2x2x4x128xf32, #tpu.memory_space<vmem>> -> memref<1x1x1x128xf32, #tpu.memory_space<vmem>>
        %dma_start3A_2587 = tpu.memref_squeeze %dma_start3A_2586 : memref<1x1x1x128xf32, #tpu.memory_space<vmem>> -> memref<128xf32, #tpu.memory_space<vmem>>
        %dma_start3A_2588 = arith.constant 0 : i32
        %dma_start3A_2589 = tpu.memref_slice %arg7[%add3A_2508, %dma_start3A_2581, %dma_start3A_2588] : memref<50x4x128xi32, #tpu.memory_space<vmem>> -> memref<1x1x128xi32, #tpu.memory_space<vmem>>
        %dma_start3A_2590 = tpu.memref_squeeze %dma_start3A_2589 : memref<1x1x128xi32, #tpu.memory_space<vmem>> -> memref<128xi32, #tpu.memory_space<vmem>>
        %dma_start3A_2591 = arith.constant 0 : i32
        %dma_start3A_2592 = tpu.memref_slice %arg3[%dma_start3A_2591] : memref<1000000xf32, #tpu.memory_space<hbm>> -> memref<1000000xf32, #tpu.memory_space<hbm>>
        tpu.enqueue_indirect_dma source(%dma_start3A_2592 : memref<1000000xf32, #tpu.memory_space<hbm>>) target(%dma_start3A_2587 : memref<128xf32, #tpu.memory_space<vmem>>) offsets(%dma_start3A_2590 : memref<128xi32, #tpu.memory_space<vmem>>) semaphore(%arg11 : memref<!tpu.dma_semaphore, #tpu.memory_space<semaphore_mem>>)
        %dma_start3A_2593 = arith.constant 3 : i32
        %dma_start3A_2594 = arith.constant 0 : i32
        %dma_start3A_2595 = arith.constant 1 : i32
        %dma_start3A_2596 = arith.constant 3 : i32
        %dma_start3A_2597 = arith.constant 0 : i32
        %dma_start3A_2598 = tpu.memref_slice %arg8[%dma_start3A_2594, %dma_start3A_2595, %dma_start3A_2596, %dma_start3A_2597] : memref<2x2x4x128xf32, #tpu.memory_space<vmem>> -> memref<1x1x1x128xf32, #tpu.memory_space<vmem>>
        %dma_start3A_2599 = tpu.memref_squeeze %dma_start3A_2598 : memref<1x1x1x128xf32, #tpu.memory_space<vmem>> -> memref<128xf32, #tpu.memory_space<vmem>>
        %dma_start3A_2600 = arith.constant 0 : i32
        %dma_start3A_2601 = tpu.memref_slice %arg7[%add3A_2508, %dma_start3A_2593, %dma_start3A_2600] : memref<50x4x128xi32, #tpu.memory_space<vmem>> -> memref<1x1x128xi32, #tpu.memory_space<vmem>>
        %dma_start3A_2602 = tpu.memref_squeeze %dma_start3A_2601 : memref<1x1x128xi32, #tpu.memory_space<vmem>> -> memref<128xi32, #tpu.memory_space<vmem>>
        %dma_start3A_2603 = arith.constant 0 : i32
        %dma_start3A_2604 = tpu.memref_slice %arg4[%dma_start3A_2603] : memref<1000000xf32, #tpu.memory_space<hbm>> -> memref<1000000xf32, #tpu.memory_space<hbm>>
        tpu.enqueue_indirect_dma source(%dma_start3A_2604 : memref<1000000xf32, #tpu.memory_space<hbm>>) target(%dma_start3A_2599 : memref<128xf32, #tpu.memory_space<vmem>>) offsets(%dma_start3A_2602 : memref<128xi32, #tpu.memory_space<vmem>>) semaphore(%arg11 : memref<!tpu.dma_semaphore, #tpu.memory_space<semaphore_mem>>)
      } else {
      }
      %dma_wait3A_1322 = arith.constant 0 : i32
      %dma_wait3A_1323 = arith.constant 1 : i32
      %dma_wait3A_1324 = arith.constant 0 : i32
      %dma_wait3A_1325 = arith.constant 0 : i32
      %dma_wait3A_1326 = arith.constant 0 : i32
      %dma_wait3A_1327 = tpu.memref_slice %arg8[%dma_wait3A_1323, %dma_wait3A_1324, %dma_wait3A_1325, %dma_wait3A_1326] : memref<2x2x4x128xf32, #tpu.memory_space<vmem>> -> memref<1x1x1x128xf32, #tpu.memory_space<vmem>>
      %dma_wait3A_1328 = tpu.memref_squeeze %dma_wait3A_1327 : memref<1x1x1x128xf32, #tpu.memory_space<vmem>> -> memref<128xf32, #tpu.memory_space<vmem>>
      %dma_wait3A_1329 = arith.constant 0 : i32
      %dma_wait3A_1330 = tpu.memref_slice %arg7[%add3A_1314, %dma_wait3A_1322, %dma_wait3A_1329] : memref<50x4x128xi32, #tpu.memory_space<vmem>> -> memref<1x1x128xi32, #tpu.memory_space<vmem>>
      %dma_wait3A_1331 = tpu.memref_squeeze %dma_wait3A_1330 : memref<1x1x128xi32, #tpu.memory_space<vmem>> -> memref<128xi32, #tpu.memory_space<vmem>>
      %dma_wait3A_1332 = arith.constant 0 : i32
      %dma_wait3A_1333 = tpu.memref_slice %arg3[%dma_wait3A_1332] : memref<1000000xf32, #tpu.memory_space<hbm>> -> memref<1000000xf32, #tpu.memory_space<hbm>>
      tpu.wait_indirect_dma semaphore(%arg12 : memref<!tpu.dma_semaphore, #tpu.memory_space<semaphore_mem>>) src(%dma_wait3A_1333 : memref<1000000xf32, #tpu.memory_space<hbm>>) dst(%dma_wait3A_1328 : memref<128xf32, #tpu.memory_space<vmem>>)
      %dma_wait3A_1334 = arith.constant 0 : i32
      %dma_wait3A_1335 = arith.constant 1 : i32
      %dma_wait3A_1336 = arith.constant 1 : i32
      %dma_wait3A_1337 = arith.constant 0 : i32
      %dma_wait3A_1338 = arith.constant 0 : i32
      %dma_wait3A_1339 = tpu.memref_slice %arg8[%dma_wait3A_1335, %dma_wait3A_1336, %dma_wait3A_1337, %dma_wait3A_1338] : memref<2x2x4x128xf32, #tpu.memory_space<vmem>> -> memref<1x1x1x128xf32, #tpu.memory_space<vmem>>
      %dma_wait3A_1340 = tpu.memref_squeeze %dma_wait3A_1339 : memref<1x1x1x128xf32, #tpu.memory_space<vmem>> -> memref<128xf32, #tpu.memory_space<vmem>>
      %dma_wait3A_1341 = arith.constant 0 : i32
      %dma_wait3A_1342 = tpu.memref_slice %arg7[%add3A_1314, %dma_wait3A_1334, %dma_wait3A_1341] : memref<50x4x128xi32, #tpu.memory_space<vmem>> -> memref<1x1x128xi32, #tpu.memory_space<vmem>>
      %dma_wait3A_1343 = tpu.memref_squeeze %dma_wait3A_1342 : memref<1x1x128xi32, #tpu.memory_space<vmem>> -> memref<128xi32, #tpu.memory_space<vmem>>
      %dma_wait3A_1344 = arith.constant 0 : i32
      %dma_wait3A_1345 = tpu.memref_slice %arg4[%dma_wait3A_1344] : memref<1000000xf32, #tpu.memory_space<hbm>> -> memref<1000000xf32, #tpu.memory_space<hbm>>
      tpu.wait_indirect_dma semaphore(%arg12 : memref<!tpu.dma_semaphore, #tpu.memory_space<semaphore_mem>>) src(%dma_wait3A_1345 : memref<1000000xf32, #tpu.memory_space<hbm>>) dst(%dma_wait3A_1340 : memref<128xf32, #tpu.memory_space<vmem>>)
      %dma_wait3A_1346 = arith.constant 1 : i32
      %dma_wait3A_1347 = arith.constant 1 : i32
      %dma_wait3A_1348 = arith.constant 0 : i32
      %dma_wait3A_1349 = arith.constant 1 : i32
      %dma_wait3A_1350 = arith.constant 0 : i32
      %dma_wait3A_1351 = tpu.memref_slice %arg8[%dma_wait3A_1347, %dma_wait3A_1348, %dma_wait3A_1349, %dma_wait3A_1350] : memref<2x2x4x128xf32, #tpu.memory_space<vmem>> -> memref<1x1x1x128xf32, #tpu.memory_space<vmem>>
      %dma_wait3A_1352 = tpu.memref_squeeze %dma_wait3A_1351 : memref<1x1x1x128xf32, #tpu.memory_space<vmem>> -> memref<128xf32, #tpu.memory_space<vmem>>
      %dma_wait3A_1353 = arith.constant 0 : i32
      %dma_wait3A_1354 = tpu.memref_slice %arg7[%add3A_1314, %dma_wait3A_1346, %dma_wait3A_1353] : memref<50x4x128xi32, #tpu.memory_space<vmem>> -> memref<1x1x128xi32, #tpu.memory_space<vmem>>
      %dma_wait3A_1355 = tpu.memref_squeeze %dma_wait3A_1354 : memref<1x1x128xi32, #tpu.memory_space<vmem>> -> memref<128xi32, #tpu.memory_space<vmem>>
      %dma_wait3A_1356 = arith.constant 0 : i32
      %dma_wait3A_1357 = tpu.memref_slice %arg3[%dma_wait3A_1356] : memref<1000000xf32, #tpu.memory_space<hbm>> -> memref<1000000xf32, #tpu.memory_space<hbm>>
      tpu.wait_indirect_dma semaphore(%arg12 : memref<!tpu.dma_semaphore, #tpu.memory_space<semaphore_mem>>) src(%dma_wait3A_1357 : memref<1000000xf32, #tpu.memory_space<hbm>>) dst(%dma_wait3A_1352 : memref<128xf32, #tpu.memory_space<vmem>>)
      %dma_wait3A_1358 = arith.constant 1 : i32
      %dma_wait3A_1359 = arith.constant 1 : i32
      %dma_wait3A_1360 = arith.constant 1 : i32
      %dma_wait3A_1361 = arith.constant 1 : i32
      %dma_wait3A_1362 = arith.constant 0 : i32
      %dma_wait3A_1363 = tpu.memref_slice %arg8[%dma_wait3A_1359, %dma_wait3A_1360, %dma_wait3A_1361, %dma_wait3A_1362] : memref<2x2x4x128xf32, #tpu.memory_space<vmem>> -> memref<1x1x1x128xf32, #tpu.memory_space<vmem>>
      %dma_wait3A_1364 = tpu.memref_squeeze %dma_wait3A_1363 : memref<1x1x1x128xf32, #tpu.memory_space<vmem>> -> memref<128xf32, #tpu.memory_space<vmem>>
      %dma_wait3A_1365 = arith.constant 0 : i32
      %dma_wait3A_1366 = tpu.memref_slice %arg7[%add3A_1314, %dma_wait3A_1358, %dma_wait3A_1365] : memref<50x4x128xi32, #tpu.memory_space<vmem>> -> memref<1x1x128xi32, #tpu.memory_space<vmem>>
      %dma_wait3A_1367 = tpu.memref_squeeze %dma_wait3A_1366 : memref<1x1x128xi32, #tpu.memory_space<vmem>> -> memref<128xi32, #tpu.memory_space<vmem>>
      %dma_wait3A_1368 = arith.constant 0 : i32
      %dma_wait3A_1369 = tpu.memref_slice %arg4[%dma_wait3A_1368] : memref<1000000xf32, #tpu.memory_space<hbm>> -> memref<1000000xf32, #tpu.memory_space<hbm>>
      tpu.wait_indirect_dma semaphore(%arg12 : memref<!tpu.dma_semaphore, #tpu.memory_space<semaphore_mem>>) src(%dma_wait3A_1369 : memref<1000000xf32, #tpu.memory_space<hbm>>) dst(%dma_wait3A_1364 : memref<128xf32, #tpu.memory_space<vmem>>)
      %dma_wait3A_1370 = arith.constant 2 : i32
      %dma_wait3A_1371 = arith.constant 1 : i32
      %dma_wait3A_1372 = arith.constant 0 : i32
      %dma_wait3A_1373 = arith.constant 2 : i32
      %dma_wait3A_1374 = arith.constant 0 : i32
      %dma_wait3A_1375 = tpu.memref_slice %arg8[%dma_wait3A_1371, %dma_wait3A_1372, %dma_wait3A_1373, %dma_wait3A_1374] : memref<2x2x4x128xf32, #tpu.memory_space<vmem>> -> memref<1x1x1x128xf32, #tpu.memory_space<vmem>>
      %dma_wait3A_1376 = tpu.memref_squeeze %dma_wait3A_1375 : memref<1x1x1x128xf32, #tpu.memory_space<vmem>> -> memref<128xf32, #tpu.memory_space<vmem>>
      %dma_wait3A_1377 = arith.constant 0 : i32
      %dma_wait3A_1378 = tpu.memref_slice %arg7[%add3A_1314, %dma_wait3A_1370, %dma_wait3A_1377] : memref<50x4x128xi32, #tpu.memory_space<vmem>> -> memref<1x1x128xi32, #tpu.memory_space<vmem>>
      %dma_wait3A_1379 = tpu.memref_squeeze %dma_wait3A_1378 : memref<1x1x128xi32, #tpu.memory_space<vmem>> -> memref<128xi32, #tpu.memory_space<vmem>>
      %dma_wait3A_1380 = arith.constant 0 : i32
      %dma_wait3A_1381 = tpu.memref_slice %arg3[%dma_wait3A_1380] : memref<1000000xf32, #tpu.memory_space<hbm>> -> memref<1000000xf32, #tpu.memory_space<hbm>>
      tpu.wait_indirect_dma semaphore(%arg12 : memref<!tpu.dma_semaphore, #tpu.memory_space<semaphore_mem>>) src(%dma_wait3A_1381 : memref<1000000xf32, #tpu.memory_space<hbm>>) dst(%dma_wait3A_1376 : memref<128xf32, #tpu.memory_space<vmem>>)
      %dma_wait3A_1382 = arith.constant 2 : i32
      %dma_wait3A_1383 = arith.constant 1 : i32
      %dma_wait3A_1384 = arith.constant 1 : i32
      %dma_wait3A_1385 = arith.constant 2 : i32
      %dma_wait3A_1386 = arith.constant 0 : i32
      %dma_wait3A_1387 = tpu.memref_slice %arg8[%dma_wait3A_1383, %dma_wait3A_1384, %dma_wait3A_1385, %dma_wait3A_1386] : memref<2x2x4x128xf32, #tpu.memory_space<vmem>> -> memref<1x1x1x128xf32, #tpu.memory_space<vmem>>
      %dma_wait3A_1388 = tpu.memref_squeeze %dma_wait3A_1387 : memref<1x1x1x128xf32, #tpu.memory_space<vmem>> -> memref<128xf32, #tpu.memory_space<vmem>>
      %dma_wait3A_1389 = arith.constant 0 : i32
      %dma_wait3A_1390 = tpu.memref_slice %arg7[%add3A_1314, %dma_wait3A_1382, %dma_wait3A_1389] : memref<50x4x128xi32, #tpu.memory_space<vmem>> -> memref<1x1x128xi32, #tpu.memory_space<vmem>>
      %dma_wait3A_1391 = tpu.memref_squeeze %dma_wait3A_1390 : memref<1x1x128xi32, #tpu.memory_space<vmem>> -> memref<128xi32, #tpu.memory_space<vmem>>
      %dma_wait3A_1392 = arith.constant 0 : i32
      %dma_wait3A_1393 = tpu.memref_slice %arg4[%dma_wait3A_1392] : memref<1000000xf32, #tpu.memory_space<hbm>> -> memref<1000000xf32, #tpu.memory_space<hbm>>
      tpu.wait_indirect_dma semaphore(%arg12 : memref<!tpu.dma_semaphore, #tpu.memory_space<semaphore_mem>>) src(%dma_wait3A_1393 : memref<1000000xf32, #tpu.memory_space<hbm>>) dst(%dma_wait3A_1388 : memref<128xf32, #tpu.memory_space<vmem>>)
      %dma_wait3A_1394 = arith.constant 3 : i32
      %dma_wait3A_1395 = arith.constant 1 : i32
      %dma_wait3A_1396 = arith.constant 0 : i32
      %dma_wait3A_1397 = arith.constant 3 : i32
      %dma_wait3A_1398 = arith.constant 0 : i32
      %dma_wait3A_1399 = tpu.memref_slice %arg8[%dma_wait3A_1395, %dma_wait3A_1396, %dma_wait3A_1397, %dma_wait3A_1398] : memref<2x2x4x128xf32, #tpu.memory_space<vmem>> -> memref<1x1x1x128xf32, #tpu.memory_space<vmem>>
      %dma_wait3A_1400 = tpu.memref_squeeze %dma_wait3A_1399 : memref<1x1x1x128xf32, #tpu.memory_space<vmem>> -> memref<128xf32, #tpu.memory_space<vmem>>
      %dma_wait3A_1401 = arith.constant 0 : i32
      %dma_wait3A_1402 = tpu.memref_slice %arg7[%add3A_1314, %dma_wait3A_1394, %dma_wait3A_1401] : memref<50x4x128xi32, #tpu.memory_space<vmem>> -> memref<1x1x128xi32, #tpu.memory_space<vmem>>
      %dma_wait3A_1403 = tpu.memref_squeeze %dma_wait3A_1402 : memref<1x1x128xi32, #tpu.memory_space<vmem>> -> memref<128xi32, #tpu.memory_space<vmem>>
      %dma_wait3A_1404 = arith.constant 0 : i32
      %dma_wait3A_1405 = tpu.memref_slice %arg3[%dma_wait3A_1404] : memref<1000000xf32, #tpu.memory_space<hbm>> -> memref<1000000xf32, #tpu.memory_space<hbm>>
      tpu.wait_indirect_dma semaphore(%arg12 : memref<!tpu.dma_semaphore, #tpu.memory_space<semaphore_mem>>) src(%dma_wait3A_1405 : memref<1000000xf32, #tpu.memory_space<hbm>>) dst(%dma_wait3A_1400 : memref<128xf32, #tpu.memory_space<vmem>>)
      %dma_wait3A_1406 = arith.constant 3 : i32
      %dma_wait3A_1407 = arith.constant 1 : i32
      %dma_wait3A_1408 = arith.constant 1 : i32
      %dma_wait3A_1409 = arith.constant 3 : i32
      %dma_wait3A_1410 = arith.constant 0 : i32
      %dma_wait3A_1411 = tpu.memref_slice %arg8[%dma_wait3A_1407, %dma_wait3A_1408, %dma_wait3A_1409, %dma_wait3A_1410] : memref<2x2x4x128xf32, #tpu.memory_space<vmem>> -> memref<1x1x1x128xf32, #tpu.memory_space<vmem>>
      %dma_wait3A_1412 = tpu.memref_squeeze %dma_wait3A_1411 : memref<1x1x1x128xf32, #tpu.memory_space<vmem>> -> memref<128xf32, #tpu.memory_space<vmem>>
      %dma_wait3A_1413 = arith.constant 0 : i32
      %dma_wait3A_1414 = tpu.memref_slice %arg7[%add3A_1314, %dma_wait3A_1406, %dma_wait3A_1413] : memref<50x4x128xi32, #tpu.memory_space<vmem>> -> memref<1x1x128xi32, #tpu.memory_space<vmem>>
      %dma_wait3A_1415 = tpu.memref_squeeze %dma_wait3A_1414 : memref<1x1x128xi32, #tpu.memory_space<vmem>> -> memref<128xi32, #tpu.memory_space<vmem>>
      %dma_wait3A_1416 = arith.constant 0 : i32
      %dma_wait3A_1417 = tpu.memref_slice %arg4[%dma_wait3A_1416] : memref<1000000xf32, #tpu.memory_space<hbm>> -> memref<1000000xf32, #tpu.memory_space<hbm>>
      tpu.wait_indirect_dma semaphore(%arg12 : memref<!tpu.dma_semaphore, #tpu.memory_space<semaphore_mem>>) src(%dma_wait3A_1417 : memref<1000000xf32, #tpu.memory_space<hbm>>) dst(%dma_wait3A_1412 : memref<128xf32, #tpu.memory_space<vmem>>)
      %get3A_1418 = arith.constant 0 : index
      %get3A_1419 = tpu.vector_load %arg9[%get3A_1418] {strides = array<i32>} : memref<512xf32, #tpu.memory_space<vmem>>, vector<16xf32>,
      %get3A_1420 = vector.shape_cast %get3A_1419 : vector<16xf32> to vector<16xf32>
      %get3A_1421 = arith.constant 1 : i32
      %get3A_1422 = arith.constant 0 : i32
      %get3A_1423 = arith.constant 0 : i32
      %get3A_1424 = arith.index_cast %get3A_1421 : i32 to index
      %get3A_1425 = arith.index_cast %get3A_1422 : i32 to index
      %get3A_1426 = arith.index_cast %get3A_1423 : i32 to index
      %get3A_1427 = arith.constant 0 : index
      %get3A_1428 = tpu.vector_load %arg8[%get3A_1424, %get3A_1425, %get3A_1426, %get3A_1427] {strides = array<i32>} : memref<2x2x4x128xf32, #tpu.memory_space<vmem>>, vector<1x1x1x16xf32>,
      %get3A_1429 = vector.shape_cast %get3A_1428 : vector<1x1x1x16xf32> to vector<16xf32>
      %add3A_1430 = arith.addf %get3A_1420, %get3A_1429 : vector<16xf32>
      %swap3A_1431 = arith.constant 0 : index
      %swap3A_1432 = tpu.vector_load %arg9[%swap3A_1431] {strides = array<i32>} : memref<512xf32, #tpu.memory_space<vmem>>, vector<16xf32>,
      %swap3A_1433 = vector.shape_cast %swap3A_1432 : vector<16xf32> to vector<16xf32>
      %swap3A_1434 = vector.shape_cast %add3A_1430 : vector<16xf32> to vector<16xf32>
      tpu.vector_store %arg9[%swap3A_1431], %swap3A_1434 {strides = array<i32>} : memref<512xf32, #tpu.memory_space<vmem>>, vector<16xf32>,
      %get3A_1435 = arith.constant 0 : index
      %get3A_1436 = tpu.vector_load %arg10[%get3A_1435] {strides = array<i32>} : memref<512xf32, #tpu.memory_space<vmem>>, vector<16xf32>,
      %get3A_1437 = vector.shape_cast %get3A_1436 : vector<16xf32> to vector<16xf32>
      %get3A_1438 = arith.constant 1 : i32
      %get3A_1439 = arith.constant 1 : i32
      %get3A_1440 = arith.constant 0 : i32
      %get3A_1441 = arith.index_cast %get3A_1438 : i32 to index
      %get3A_1442 = arith.index_cast %get3A_1439 : i32 to index
      %get3A_1443 = arith.index_cast %get3A_1440 : i32 to index
      %get3A_1444 = arith.constant 0 : index
      %get3A_1445 = tpu.vector_load %arg8[%get3A_1441, %get3A_1442, %get3A_1443, %get3A_1444] {strides = array<i32>} : memref<2x2x4x128xf32, #tpu.memory_space<vmem>>, vector<1x1x1x16xf32>,
      %get3A_1446 = vector.shape_cast %get3A_1445 : vector<1x1x1x16xf32> to vector<16xf32>
      %add3A_1447 = arith.addf %get3A_1437, %get3A_1446 : vector<16xf32>
      %swap3A_1448 = arith.constant 0 : index
      %swap3A_1449 = tpu.vector_load %arg10[%swap3A_1448] {strides = array<i32>} : memref<512xf32, #tpu.memory_space<vmem>>, vector<16xf32>,
      %swap3A_1450 = vector.shape_cast %swap3A_1449 : vector<16xf32> to vector<16xf32>
      %swap3A_1451 = vector.shape_cast %add3A_1447 : vector<16xf32> to vector<16xf32>
      tpu.vector_store %arg10[%swap3A_1448], %swap3A_1451 {strides = array<i32>} : memref<512xf32, #tpu.memory_space<vmem>>, vector<16xf32>,
      %get3A_1452 = arith.constant 16 : index
      %get3A_1453 = tpu.vector_load %arg9[%get3A_1452] {strides = array<i32>} : memref<512xf32, #tpu.memory_space<vmem>>, vector<16xf32>,
      %get3A_1454 = vector.shape_cast %get3A_1453 : vector<16xf32> to vector<16xf32>
      %get3A_1455 = arith.constant 1 : i32
      %get3A_1456 = arith.constant 0 : i32
      %get3A_1457 = arith.constant 0 : i32
      %get3A_1458 = arith.index_cast %get3A_1455 : i32 to index
      %get3A_1459 = arith.index_cast %get3A_1456 : i32 to index
      %get3A_1460 = arith.index_cast %get3A_1457 : i32 to index
      %get3A_1461 = arith.constant 16 : index
      %get3A_1462 = tpu.vector_load %arg8[%get3A_1458, %get3A_1459, %get3A_1460, %get3A_1461] {strides = array<i32>} : memref<2x2x4x128xf32, #tpu.memory_space<vmem>>, vector<1x1x1x16xf32>,
      %get3A_1463 = vector.shape_cast %get3A_1462 : vector<1x1x1x16xf32> to vector<16xf32>
      %add3A_1464 = arith.addf %get3A_1454, %get3A_1463 : vector<16xf32>
      %swap3A_1465 = arith.constant 16 : index
      %swap3A_1466 = tpu.vector_load %arg9[%swap3A_1465] {strides = array<i32>} : memref<512xf32, #tpu.memory_space<vmem>>, vector<16xf32>,
      %swap3A_1467 = vector.shape_cast %swap3A_1466 : vector<16xf32> to vector<16xf32>
      %swap3A_1468 = vector.shape_cast %add3A_1464 : vector<16xf32> to vector<16xf32>
      tpu.vector_store %arg9[%swap3A_1465], %swap3A_1468 {strides = array<i32>} : memref<512xf32, #tpu.memory_space<vmem>>, vector<16xf32>,
      %get3A_1469 = arith.constant 16 : index
      %get3A_1470 = tpu.vector_load %arg10[%get3A_1469] {strides = array<i32>} : memref<512xf32, #tpu.memory_space<vmem>>, vector<16xf32>,
      %get3A_1471 = vector.shape_cast %get3A_1470 : vector<16xf32> to vector<16xf32>
      %get3A_1472 = arith.constant 1 : i32
      %get3A_1473 = arith.constant 1 : i32
      %get3A_1474 = arith.constant 0 : i32
      %get3A_1475 = arith.index_cast %get3A_1472 : i32 to index
      %get3A_1476 = arith.index_cast %get3A_1473 : i32 to index
      %get3A_1477 = arith.index_cast %get3A_1474 : i32 to index
      %get3A_1478 = arith.constant 16 : index
      %get3A_1479 = tpu.vector_load %arg8[%get3A_1475, %get3A_1476, %get3A_1477, %get3A_1478] {strides = array<i32>} : memref<2x2x4x128xf32, #tpu.memory_space<vmem>>, vector<1x1x1x16xf32>,
      %get3A_1480 = vector.shape_cast %get3A_1479 : vector<1x1x1x16xf32> to vector<16xf32>
      %add3A_1481 = arith.addf %get3A_1471, %get3A_1480 : vector<16xf32>
      %swap3A_1482 = arith.constant 16 : index
      %swap3A_1483 = tpu.vector_load %arg10[%swap3A_1482] {strides = array<i32>} : memref<512xf32, #tpu.memory_space<vmem>>, vector<16xf32>,
      %swap3A_1484 = vector.shape_cast %swap3A_1483 : vector<16xf32> to vector<16xf32>
      %swap3A_1485 = vector.shape_cast %add3A_1481 : vector<16xf32> to vector<16xf32>
      tpu.vector_store %arg10[%swap3A_1482], %swap3A_1485 {strides = array<i32>} : memref<512xf32, #tpu.memory_space<vmem>>, vector<16xf32>,
      %get3A_1486 = arith.constant 32 : index
      %get3A_1487 = tpu.vector_load %arg9[%get3A_1486] {strides = array<i32>} : memref<512xf32, #tpu.memory_space<vmem>>, vector<16xf32>,
      %get3A_1488 = vector.shape_cast %get3A_1487 : vector<16xf32> to vector<16xf32>
      %get3A_1489 = arith.constant 1 : i32
      %get3A_1490 = arith.constant 0 : i32
      %get3A_1491 = arith.constant 0 : i32
      %get3A_1492 = arith.index_cast %get3A_1489 : i32 to index
      %get3A_1493 = arith.index_cast %get3A_1490 : i32 to index
      %get3A_1494 = arith.index_cast %get3A_1491 : i32 to index
      %get3A_1495 = arith.constant 32 : index
      %get3A_1496 = tpu.vector_load %arg8[%get3A_1492, %get3A_1493, %get3A_1494, %get3A_1495] {strides = array<i32>} : memref<2x2x4x128xf32, #tpu.memory_space<vmem>>, vector<1x1x1x16xf32>,
      %get3A_1497 = vector.shape_cast %get3A_1496 : vector<1x1x1x16xf32> to vector<16xf32>
      %add3A_1498 = arith.addf %get3A_1488, %get3A_1497 : vector<16xf32>
      %swap3A_1499 = arith.constant 32 : index
      %swap3A_1500 = tpu.vector_load %arg9[%swap3A_1499] {strides = array<i32>} : memref<512xf32, #tpu.memory_space<vmem>>, vector<16xf32>,
      %swap3A_1501 = vector.shape_cast %swap3A_1500 : vector<16xf32> to vector<16xf32>
      %swap3A_1502 = vector.shape_cast %add3A_1498 : vector<16xf32> to vector<16xf32>
      tpu.vector_store %arg9[%swap3A_1499], %swap3A_1502 {strides = array<i32>} : memref<512xf32, #tpu.memory_space<vmem>>, vector<16xf32>,
      %get3A_1503 = arith.constant 32 : index
      %get3A_1504 = tpu.vector_load %arg10[%get3A_1503] {strides = array<i32>} : memref<512xf32, #tpu.memory_space<vmem>>, vector<16xf32>,
      %get3A_1505 = vector.shape_cast %get3A_1504 : vector<16xf32> to vector<16xf32>
      %get3A_1506 = arith.constant 1 : i32
      %get3A_1507 = arith.constant 1 : i32
      %get3A_1508 = arith.constant 0 : i32
      %get3A_1509 = arith.index_cast %get3A_1506 : i32 to index
      %get3A_1510 = arith.index_cast %get3A_1507 : i32 to index
      %get3A_1511 = arith.index_cast %get3A_1508 : i32 to index
      %get3A_1512 = arith.constant 32 : index
      %get3A_1513 = tpu.vector_load %arg8[%get3A_1509, %get3A_1510, %get3A_1511, %get3A_1512] {strides = array<i32>} : memref<2x2x4x128xf32, #tpu.memory_space<vmem>>, vector<1x1x1x16xf32>,
      %get3A_1514 = vector.shape_cast %get3A_1513 : vector<1x1x1x16xf32> to vector<16xf32>
      %add3A_1515 = arith.addf %get3A_1505, %get3A_1514 : vector<16xf32>
      %swap3A_1516 = arith.constant 32 : index
      %swap3A_1517 = tpu.vector_load %arg10[%swap3A_1516] {strides = array<i32>} : memref<512xf32, #tpu.memory_space<vmem>>, vector<16xf32>,
      %swap3A_1518 = vector.shape_cast %swap3A_1517 : vector<16xf32> to vector<16xf32>
      %swap3A_1519 = vector.shape_cast %add3A_1515 : vector<16xf32> to vector<16xf32>
      tpu.vector_store %arg10[%swap3A_1516], %swap3A_1519 {strides = array<i32>} : memref<512xf32, #tpu.memory_space<vmem>>, vector<16xf32>,
      %get3A_1520 = arith.constant 48 : index
      %get3A_1521 = tpu.vector_load %arg9[%get3A_1520] {strides = array<i32>} : memref<512xf32, #tpu.memory_space<vmem>>, vector<16xf32>,
      %get3A_1522 = vector.shape_cast %get3A_1521 : vector<16xf32> to vector<16xf32>
      %get3A_1523 = arith.constant 1 : i32
      %get3A_1524 = arith.constant 0 : i32
      %get3A_1525 = arith.constant 0 : i32
      %get3A_1526 = arith.index_cast %get3A_1523 : i32 to index
      %get3A_1527 = arith.index_cast %get3A_1524 : i32 to index
      %get3A_1528 = arith.index_cast %get3A_1525 : i32 to index
      %get3A_1529 = arith.constant 48 : index
      %get3A_1530 = tpu.vector_load %arg8[%get3A_1526, %get3A_1527, %get3A_1528, %get3A_1529] {strides = array<i32>} : memref<2x2x4x128xf32, #tpu.memory_space<vmem>>, vector<1x1x1x16xf32>,
      %get3A_1531 = vector.shape_cast %get3A_1530 : vector<1x1x1x16xf32> to vector<16xf32>
      %add3A_1532 = arith.addf %get3A_1522, %get3A_1531 : vector<16xf32>
      %swap3A_1533 = arith.constant 48 : index
      %swap3A_1534 = tpu.vector_load %arg9[%swap3A_1533] {strides = array<i32>} : memref<512xf32, #tpu.memory_space<vmem>>, vector<16xf32>,
      %swap3A_1535 = vector.shape_cast %swap3A_1534 : vector<16xf32> to vector<16xf32>
      %swap3A_1536 = vector.shape_cast %add3A_1532 : vector<16xf32> to vector<16xf32>
      tpu.vector_store %arg9[%swap3A_1533], %swap3A_1536 {strides = array<i32>} : memref<512xf32, #tpu.memory_space<vmem>>, vector<16xf32>,
      %get3A_1537 = arith.constant 48 : index
      %get3A_1538 = tpu.vector_load %arg10[%get3A_1537] {strides = array<i32>} : memref<512xf32, #tpu.memory_space<vmem>>, vector<16xf32>,
      %get3A_1539 = vector.shape_cast %get3A_1538 : vector<16xf32> to vector<16xf32>
      %get3A_1540 = arith.constant 1 : i32
      %get3A_1541 = arith.constant 1 : i32
      %get3A_1542 = arith.constant 0 : i32
      %get3A_1543 = arith.index_cast %get3A_1540 : i32 to index
      %get3A_1544 = arith.index_cast %get3A_1541 : i32 to index
      %get3A_1545 = arith.index_cast %get3A_1542 : i32 to index
      %get3A_1546 = arith.constant 48 : index
      %get3A_1547 = tpu.vector_load %arg8[%get3A_1543, %get3A_1544, %get3A_1545, %get3A_1546] {strides = array<i32>} : memref<2x2x4x128xf32, #tpu.memory_space<vmem>>, vector<1x1x1x16xf32>,
      %get3A_1548 = vector.shape_cast %get3A_1547 : vector<1x1x1x16xf32> to vector<16xf32>
      %add3A_1549 = arith.addf %get3A_1539, %get3A_1548 : vector<16xf32>
      %swap3A_1550 = arith.constant 48 : index
      %swap3A_1551 = tpu.vector_load %arg10[%swap3A_1550] {strides = array<i32>} : memref<512xf32, #tpu.memory_space<vmem>>, vector<16xf32>,
      %swap3A_1552 = vector.shape_cast %swap3A_1551 : vector<16xf32> to vector<16xf32>
      %swap3A_1553 = vector.shape_cast %add3A_1549 : vector<16xf32> to vector<16xf32>
      tpu.vector_store %arg10[%swap3A_1550], %swap3A_1553 {strides = array<i32>} : memref<512xf32, #tpu.memory_space<vmem>>, vector<16xf32>,
      %get3A_1554 = arith.constant 64 : index
      %get3A_1555 = tpu.vector_load %arg9[%get3A_1554] {strides = array<i32>} : memref<512xf32, #tpu.memory_space<vmem>>, vector<16xf32>,
      %get3A_1556 = vector.shape_cast %get3A_1555 : vector<16xf32> to vector<16xf32>
      %get3A_1557 = arith.constant 1 : i32
      %get3A_1558 = arith.constant 0 : i32
      %get3A_1559 = arith.constant 0 : i32
      %get3A_1560 = arith.index_cast %get3A_1557 : i32 to index
      %get3A_1561 = arith.index_cast %get3A_1558 : i32 to index
      %get3A_1562 = arith.index_cast %get3A_1559 : i32 to index
      %get3A_1563 = arith.constant 64 : index
      %get3A_1564 = tpu.vector_load %arg8[%get3A_1560, %get3A_1561, %get3A_1562, %get3A_1563] {strides = array<i32>} : memref<2x2x4x128xf32, #tpu.memory_space<vmem>>, vector<1x1x1x16xf32>,
      %get3A_1565 = vector.shape_cast %get3A_1564 : vector<1x1x1x16xf32> to vector<16xf32>
      %add3A_1566 = arith.addf %get3A_1556, %get3A_1565 : vector<16xf32>
      %swap3A_1567 = arith.constant 64 : index
      %swap3A_1568 = tpu.vector_load %arg9[%swap3A_1567] {strides = array<i32>} : memref<512xf32, #tpu.memory_space<vmem>>, vector<16xf32>,
      %swap3A_1569 = vector.shape_cast %swap3A_1568 : vector<16xf32> to vector<16xf32>
      %swap3A_1570 = vector.shape_cast %add3A_1566 : vector<16xf32> to vector<16xf32>
      tpu.vector_store %arg9[%swap3A_1567], %swap3A_1570 {strides = array<i32>} : memref<512xf32, #tpu.memory_space<vmem>>, vector<16xf32>,
      %get3A_1571 = arith.constant 64 : index
      %get3A_1572 = tpu.vector_load %arg10[%get3A_1571] {strides = array<i32>} : memref<512xf32, #tpu.memory_space<vmem>>, vector<16xf32>,
      %get3A_1573 = vector.shape_cast %get3A_1572 : vector<16xf32> to vector<16xf32>
      %get3A_1574 = arith.constant 1 : i32
      %get3A_1575 = arith.constant 1 : i32
      %get3A_1576 = arith.constant 0 : i32
      %get3A_1577 = arith.index_cast %get3A_1574 : i32 to index
      %get3A_1578 = arith.index_cast %get3A_1575 : i32 to index
      %get3A_1579 = arith.index_cast %get3A_1576 : i32 to index
      %get3A_1580 = arith.constant 64 : index
      %get3A_1581 = tpu.vector_load %arg8[%get3A_1577, %get3A_1578, %get3A_1579, %get3A_1580] {strides = array<i32>} : memref<2x2x4x128xf32, #tpu.memory_space<vmem>>, vector<1x1x1x16xf32>,
      %get3A_1582 = vector.shape_cast %get3A_1581 : vector<1x1x1x16xf32> to vector<16xf32>
      %add3A_1583 = arith.addf %get3A_1573, %get3A_1582 : vector<16xf32>
      %swap3A_1584 = arith.constant 64 : index
      %swap3A_1585 = tpu.vector_load %arg10[%swap3A_1584] {strides = array<i32>} : memref<512xf32, #tpu.memory_space<vmem>>, vector<16xf32>,
      %swap3A_1586 = vector.shape_cast %swap3A_1585 : vector<16xf32> to vector<16xf32>
      %swap3A_1587 = vector.shape_cast %add3A_1583 : vector<16xf32> to vector<16xf32>
      tpu.vector_store %arg10[%swap3A_1584], %swap3A_1587 {strides = array<i32>} : memref<512xf32, #tpu.memory_space<vmem>>, vector<16xf32>,
      %get3A_1588 = arith.constant 80 : index
      %get3A_1589 = tpu.vector_load %arg9[%get3A_1588] {strides = array<i32>} : memref<512xf32, #tpu.memory_space<vmem>>, vector<16xf32>,
      %get3A_1590 = vector.shape_cast %get3A_1589 : vector<16xf32> to vector<16xf32>
      %get3A_1591 = arith.constant 1 : i32
      %get3A_1592 = arith.constant 0 : i32
      %get3A_1593 = arith.constant 0 : i32
      %get3A_1594 = arith.index_cast %get3A_1591 : i32 to index
      %get3A_1595 = arith.index_cast %get3A_1592 : i32 to index
      %get3A_1596 = arith.index_cast %get3A_1593 : i32 to index
      %get3A_1597 = arith.constant 80 : index
      %get3A_1598 = tpu.vector_load %arg8[%get3A_1594, %get3A_1595, %get3A_1596, %get3A_1597] {strides = array<i32>} : memref<2x2x4x128xf32, #tpu.memory_space<vmem>>, vector<1x1x1x16xf32>,
      %get3A_1599 = vector.shape_cast %get3A_1598 : vector<1x1x1x16xf32> to vector<16xf32>
      %add3A_1600 = arith.addf %get3A_1590, %get3A_1599 : vector<16xf32>
      %swap3A_1601 = arith.constant 80 : index
      %swap3A_1602 = tpu.vector_load %arg9[%swap3A_1601] {strides = array<i32>} : memref<512xf32, #tpu.memory_space<vmem>>, vector<16xf32>,
      %swap3A_1603 = vector.shape_cast %swap3A_1602 : vector<16xf32> to vector<16xf32>
      %swap3A_1604 = vector.shape_cast %add3A_1600 : vector<16xf32> to vector<16xf32>
      tpu.vector_store %arg9[%swap3A_1601], %swap3A_1604 {strides = array<i32>} : memref<512xf32, #tpu.memory_space<vmem>>, vector<16xf32>,
      %get3A_1605 = arith.constant 80 : index
      %get3A_1606 = tpu.vector_load %arg10[%get3A_1605] {strides = array<i32>} : memref<512xf32, #tpu.memory_space<vmem>>, vector<16xf32>,
      %get3A_1607 = vector.shape_cast %get3A_1606 : vector<16xf32> to vector<16xf32>
      %get3A_1608 = arith.constant 1 : i32
      %get3A_1609 = arith.constant 1 : i32
      %get3A_1610 = arith.constant 0 : i32
      %get3A_1611 = arith.index_cast %get3A_1608 : i32 to index
      %get3A_1612 = arith.index_cast %get3A_1609 : i32 to index
      %get3A_1613 = arith.index_cast %get3A_1610 : i32 to index
      %get3A_1614 = arith.constant 80 : index
      %get3A_1615 = tpu.vector_load %arg8[%get3A_1611, %get3A_1612, %get3A_1613, %get3A_1614] {strides = array<i32>} : memref<2x2x4x128xf32, #tpu.memory_space<vmem>>, vector<1x1x1x16xf32>,
      %get3A_1616 = vector.shape_cast %get3A_1615 : vector<1x1x1x16xf32> to vector<16xf32>
      %add3A_1617 = arith.addf %get3A_1607, %get3A_1616 : vector<16xf32>
      %swap3A_1618 = arith.constant 80 : index
      %swap3A_1619 = tpu.vector_load %arg10[%swap3A_1618] {strides = array<i32>} : memref<512xf32, #tpu.memory_space<vmem>>, vector<16xf32>,
      %swap3A_1620 = vector.shape_cast %swap3A_1619 : vector<16xf32> to vector<16xf32>
      %swap3A_1621 = vector.shape_cast %add3A_1617 : vector<16xf32> to vector<16xf32>
      tpu.vector_store %arg10[%swap3A_1618], %swap3A_1621 {strides = array<i32>} : memref<512xf32, #tpu.memory_space<vmem>>, vector<16xf32>,
      %get3A_1622 = arith.constant 96 : index
      %get3A_1623 = tpu.vector_load %arg9[%get3A_1622] {strides = array<i32>} : memref<512xf32, #tpu.memory_space<vmem>>, vector<16xf32>,
      %get3A_1624 = vector.shape_cast %get3A_1623 : vector<16xf32> to vector<16xf32>
      %get3A_1625 = arith.constant 1 : i32
      %get3A_1626 = arith.constant 0 : i32
      %get3A_1627 = arith.constant 0 : i32
      %get3A_1628 = arith.index_cast %get3A_1625 : i32 to index
      %get3A_1629 = arith.index_cast %get3A_1626 : i32 to index
      %get3A_1630 = arith.index_cast %get3A_1627 : i32 to index
      %get3A_1631 = arith.constant 96 : index
      %get3A_1632 = tpu.vector_load %arg8[%get3A_1628, %get3A_1629, %get3A_1630, %get3A_1631] {strides = array<i32>} : memref<2x2x4x128xf32, #tpu.memory_space<vmem>>, vector<1x1x1x16xf32>,
      %get3A_1633 = vector.shape_cast %get3A_1632 : vector<1x1x1x16xf32> to vector<16xf32>
      %add3A_1634 = arith.addf %get3A_1624, %get3A_1633 : vector<16xf32>
      %swap3A_1635 = arith.constant 96 : index
      %swap3A_1636 = tpu.vector_load %arg9[%swap3A_1635] {strides = array<i32>} : memref<512xf32, #tpu.memory_space<vmem>>, vector<16xf32>,
      %swap3A_1637 = vector.shape_cast %swap3A_1636 : vector<16xf32> to vector<16xf32>
      %swap3A_1638 = vector.shape_cast %add3A_1634 : vector<16xf32> to vector<16xf32>
      tpu.vector_store %arg9[%swap3A_1635], %swap3A_1638 {strides = array<i32>} : memref<512xf32, #tpu.memory_space<vmem>>, vector<16xf32>,
      %get3A_1639 = arith.constant 96 : index
      %get3A_1640 = tpu.vector_load %arg10[%get3A_1639] {strides = array<i32>} : memref<512xf32, #tpu.memory_space<vmem>>, vector<16xf32>,
      %get3A_1641 = vector.shape_cast %get3A_1640 : vector<16xf32> to vector<16xf32>
      %get3A_1642 = arith.constant 1 : i32
      %get3A_1643 = arith.constant 1 : i32
      %get3A_1644 = arith.constant 0 : i32
      %get3A_1645 = arith.index_cast %get3A_1642 : i32 to index
      %get3A_1646 = arith.index_cast %get3A_1643 : i32 to index
      %get3A_1647 = arith.index_cast %get3A_1644 : i32 to index
      %get3A_1648 = arith.constant 96 : index
      %get3A_1649 = tpu.vector_load %arg8[%get3A_1645, %get3A_1646, %get3A_1647, %get3A_1648] {strides = array<i32>} : memref<2x2x4x128xf32, #tpu.memory_space<vmem>>, vector<1x1x1x16xf32>,
      %get3A_1650 = vector.shape_cast %get3A_1649 : vector<1x1x1x16xf32> to vector<16xf32>
      %add3A_1651 = arith.addf %get3A_1641, %get3A_1650 : vector<16xf32>
      %swap3A_1652 = arith.constant 96 : index
      %swap3A_1653 = tpu.vector_load %arg10[%swap3A_1652] {strides = array<i32>} : memref<512xf32, #tpu.memory_space<vmem>>, vector<16xf32>,
      %swap3A_1654 = vector.shape_cast %swap3A_1653 : vector<16xf32> to vector<16xf32>
      %swap3A_1655 = vector.shape_cast %add3A_1651 : vector<16xf32> to vector<16xf32>
      tpu.vector_store %arg10[%swap3A_1652], %swap3A_1655 {strides = array<i32>} : memref<512xf32, #tpu.memory_space<vmem>>, vector<16xf32>,
      %get3A_1656 = arith.constant 112 : index
      %get3A_1657 = tpu.vector_load %arg9[%get3A_1656] {strides = array<i32>} : memref<512xf32, #tpu.memory_space<vmem>>, vector<16xf32>,
      %get3A_1658 = vector.shape_cast %get3A_1657 : vector<16xf32> to vector<16xf32>
      %get3A_1659 = arith.constant 1 : i32
      %get3A_1660 = arith.constant 0 : i32
      %get3A_1661 = arith.constant 0 : i32
      %get3A_1662 = arith.index_cast %get3A_1659 : i32 to index
      %get3A_1663 = arith.index_cast %get3A_1660 : i32 to index
      %get3A_1664 = arith.index_cast %get3A_1661 : i32 to index
      %get3A_1665 = arith.constant 112 : index
      %get3A_1666 = tpu.vector_load %arg8[%get3A_1662, %get3A_1663, %get3A_1664, %get3A_1665] {strides = array<i32>} : memref<2x2x4x128xf32, #tpu.memory_space<vmem>>, vector<1x1x1x16xf32>,
      %get3A_1667 = vector.shape_cast %get3A_1666 : vector<1x1x1x16xf32> to vector<16xf32>
      %add3A_1668 = arith.addf %get3A_1658, %get3A_1667 : vector<16xf32>
      %swap3A_1669 = arith.constant 112 : index
      %swap3A_1670 = tpu.vector_load %arg9[%swap3A_1669] {strides = array<i32>} : memref<512xf32, #tpu.memory_space<vmem>>, vector<16xf32>,
      %swap3A_1671 = vector.shape_cast %swap3A_1670 : vector<16xf32> to vector<16xf32>
      %swap3A_1672 = vector.shape_cast %add3A_1668 : vector<16xf32> to vector<16xf32>
      tpu.vector_store %arg9[%swap3A_1669], %swap3A_1672 {strides = array<i32>} : memref<512xf32, #tpu.memory_space<vmem>>, vector<16xf32>,
      %get3A_1673 = arith.constant 112 : index
      %get3A_1674 = tpu.vector_load %arg10[%get3A_1673] {strides = array<i32>} : memref<512xf32, #tpu.memory_space<vmem>>, vector<16xf32>,
      %get3A_1675 = vector.shape_cast %get3A_1674 : vector<16xf32> to vector<16xf32>
      %get3A_1676 = arith.constant 1 : i32
      %get3A_1677 = arith.constant 1 : i32
      %get3A_1678 = arith.constant 0 : i32
      %get3A_1679 = arith.index_cast %get3A_1676 : i32 to index
      %get3A_1680 = arith.index_cast %get3A_1677 : i32 to index
      %get3A_1681 = arith.index_cast %get3A_1678 : i32 to index
      %get3A_1682 = arith.constant 112 : index
      %get3A_1683 = tpu.vector_load %arg8[%get3A_1679, %get3A_1680, %get3A_1681, %get3A_1682] {strides = array<i32>} : memref<2x2x4x128xf32, #tpu.memory_space<vmem>>, vector<1x1x1x16xf32>,
      %get3A_1684 = vector.shape_cast %get3A_1683 : vector<1x1x1x16xf32> to vector<16xf32>
      %add3A_1685 = arith.addf %get3A_1675, %get3A_1684 : vector<16xf32>
      %swap3A_1686 = arith.constant 112 : index
      %swap3A_1687 = tpu.vector_load %arg10[%swap3A_1686] {strides = array<i32>} : memref<512xf32, #tpu.memory_space<vmem>>, vector<16xf32>,
      %swap3A_1688 = vector.shape_cast %swap3A_1687 : vector<16xf32> to vector<16xf32>
      %swap3A_1689 = vector.shape_cast %add3A_1685 : vector<16xf32> to vector<16xf32>
      tpu.vector_store %arg10[%swap3A_1686], %swap3A_1689 {strides = array<i32>} : memref<512xf32, #tpu.memory_space<vmem>>, vector<16xf32>,
      %get3A_1690 = arith.constant 128 : index
      %get3A_1691 = tpu.vector_load %arg9[%get3A_1690] {strides = array<i32>} : memref<512xf32, #tpu.memory_space<vmem>>, vector<16xf32>,
      %get3A_1692 = vector.shape_cast %get3A_1691 : vector<16xf32> to vector<16xf32>
      %get3A_1693 = arith.constant 1 : i32
      %get3A_1694 = arith.constant 0 : i32
      %get3A_1695 = arith.constant 1 : i32
      %get3A_1696 = arith.index_cast %get3A_1693 : i32 to index
      %get3A_1697 = arith.index_cast %get3A_1694 : i32 to index
      %get3A_1698 = arith.index_cast %get3A_1695 : i32 to index
      %get3A_1699 = arith.constant 0 : index
      %get3A_1700 = tpu.vector_load %arg8[%get3A_1696, %get3A_1697, %get3A_1698, %get3A_1699] {strides = array<i32>} : memref<2x2x4x128xf32, #tpu.memory_space<vmem>>, vector<1x1x1x16xf32>,
      %get3A_1701 = vector.shape_cast %get3A_1700 : vector<1x1x1x16xf32> to vector<16xf32>
      %add3A_1702 = arith.addf %get3A_1692, %get3A_1701 : vector<16xf32>
      %swap3A_1703 = arith.constant 128 : index
      %swap3A_1704 = tpu.vector_load %arg9[%swap3A_1703] {strides = array<i32>} : memref<512xf32, #tpu.memory_space<vmem>>, vector<16xf32>,
      %swap3A_1705 = vector.shape_cast %swap3A_1704 : vector<16xf32> to vector<16xf32>
      %swap3A_1706 = vector.shape_cast %add3A_1702 : vector<16xf32> to vector<16xf32>
      tpu.vector_store %arg9[%swap3A_1703], %swap3A_1706 {strides = array<i32>} : memref<512xf32, #tpu.memory_space<vmem>>, vector<16xf32>,
      %get3A_1707 = arith.constant 128 : index
      %get3A_1708 = tpu.vector_load %arg10[%get3A_1707] {strides = array<i32>} : memref<512xf32, #tpu.memory_space<vmem>>, vector<16xf32>,
      %get3A_1709 = vector.shape_cast %get3A_1708 : vector<16xf32> to vector<16xf32>
      %get3A_1710 = arith.constant 1 : i32
      %get3A_1711 = arith.constant 1 : i32
      %get3A_1712 = arith.constant 1 : i32
      %get3A_1713 = arith.index_cast %get3A_1710 : i32 to index
      %get3A_1714 = arith.index_cast %get3A_1711 : i32 to index
      %get3A_1715 = arith.index_cast %get3A_1712 : i32 to index
      %get3A_1716 = arith.constant 0 : index
      %get3A_1717 = tpu.vector_load %arg8[%get3A_1713, %get3A_1714, %get3A_1715, %get3A_1716] {strides = array<i32>} : memref<2x2x4x128xf32, #tpu.memory_space<vmem>>, vector<1x1x1x16xf32>,
      %get3A_1718 = vector.shape_cast %get3A_1717 : vector<1x1x1x16xf32> to vector<16xf32>
      %add3A_1719 = arith.addf %get3A_1709, %get3A_1718 : vector<16xf32>
      %swap3A_1720 = arith.constant 128 : index
      %swap3A_1721 = tpu.vector_load %arg10[%swap3A_1720] {strides = array<i32>} : memref<512xf32, #tpu.memory_space<vmem>>, vector<16xf32>,
      %swap3A_1722 = vector.shape_cast %swap3A_1721 : vector<16xf32> to vector<16xf32>
      %swap3A_1723 = vector.shape_cast %add3A_1719 : vector<16xf32> to vector<16xf32>
      tpu.vector_store %arg10[%swap3A_1720], %swap3A_1723 {strides = array<i32>} : memref<512xf32, #tpu.memory_space<vmem>>, vector<16xf32>,
      %get3A_1724 = arith.constant 144 : index
      %get3A_1725 = tpu.vector_load %arg9[%get3A_1724] {strides = array<i32>} : memref<512xf32, #tpu.memory_space<vmem>>, vector<16xf32>,
      %get3A_1726 = vector.shape_cast %get3A_1725 : vector<16xf32> to vector<16xf32>
      %get3A_1727 = arith.constant 1 : i32
      %get3A_1728 = arith.constant 0 : i32
      %get3A_1729 = arith.constant 1 : i32
      %get3A_1730 = arith.index_cast %get3A_1727 : i32 to index
      %get3A_1731 = arith.index_cast %get3A_1728 : i32 to index
      %get3A_1732 = arith.index_cast %get3A_1729 : i32 to index
      %get3A_1733 = arith.constant 16 : index
      %get3A_1734 = tpu.vector_load %arg8[%get3A_1730, %get3A_1731, %get3A_1732, %get3A_1733] {strides = array<i32>} : memref<2x2x4x128xf32, #tpu.memory_space<vmem>>, vector<1x1x1x16xf32>,
      %get3A_1735 = vector.shape_cast %get3A_1734 : vector<1x1x1x16xf32> to vector<16xf32>
      %add3A_1736 = arith.addf %get3A_1726, %get3A_1735 : vector<16xf32>
      %swap3A_1737 = arith.constant 144 : index
      %swap3A_1738 = tpu.vector_load %arg9[%swap3A_1737] {strides = array<i32>} : memref<512xf32, #tpu.memory_space<vmem>>, vector<16xf32>,
      %swap3A_1739 = vector.shape_cast %swap3A_1738 : vector<16xf32> to vector<16xf32>
      %swap3A_1740 = vector.shape_cast %add3A_1736 : vector<16xf32> to vector<16xf32>
      tpu.vector_store %arg9[%swap3A_1737], %swap3A_1740 {strides = array<i32>} : memref<512xf32, #tpu.memory_space<vmem>>, vector<16xf32>,
      %get3A_1741 = arith.constant 144 : index
      %get3A_1742 = tpu.vector_load %arg10[%get3A_1741] {strides = array<i32>} : memref<512xf32, #tpu.memory_space<vmem>>, vector<16xf32>,
      %get3A_1743 = vector.shape_cast %get3A_1742 : vector<16xf32> to vector<16xf32>
      %get3A_1744 = arith.constant 1 : i32
      %get3A_1745 = arith.constant 1 : i32
      %get3A_1746 = arith.constant 1 : i32
      %get3A_1747 = arith.index_cast %get3A_1744 : i32 to index
      %get3A_1748 = arith.index_cast %get3A_1745 : i32 to index
      %get3A_1749 = arith.index_cast %get3A_1746 : i32 to index
      %get3A_1750 = arith.constant 16 : index
      %get3A_1751 = tpu.vector_load %arg8[%get3A_1747, %get3A_1748, %get3A_1749, %get3A_1750] {strides = array<i32>} : memref<2x2x4x128xf32, #tpu.memory_space<vmem>>, vector<1x1x1x16xf32>,
      %get3A_1752 = vector.shape_cast %get3A_1751 : vector<1x1x1x16xf32> to vector<16xf32>
      %add3A_1753 = arith.addf %get3A_1743, %get3A_1752 : vector<16xf32>
      %swap3A_1754 = arith.constant 144 : index
      %swap3A_1755 = tpu.vector_load %arg10[%swap3A_1754] {strides = array<i32>} : memref<512xf32, #tpu.memory_space<vmem>>, vector<16xf32>,
      %swap3A_1756 = vector.shape_cast %swap3A_1755 : vector<16xf32> to vector<16xf32>
      %swap3A_1757 = vector.shape_cast %add3A_1753 : vector<16xf32> to vector<16xf32>
      tpu.vector_store %arg10[%swap3A_1754], %swap3A_1757 {strides = array<i32>} : memref<512xf32, #tpu.memory_space<vmem>>, vector<16xf32>,
      %get3A_1758 = arith.constant 160 : index
      %get3A_1759 = tpu.vector_load %arg9[%get3A_1758] {strides = array<i32>} : memref<512xf32, #tpu.memory_space<vmem>>, vector<16xf32>,
      %get3A_1760 = vector.shape_cast %get3A_1759 : vector<16xf32> to vector<16xf32>
      %get3A_1761 = arith.constant 1 : i32
      %get3A_1762 = arith.constant 0 : i32
      %get3A_1763 = arith.constant 1 : i32
      %get3A_1764 = arith.index_cast %get3A_1761 : i32 to index
      %get3A_1765 = arith.index_cast %get3A_1762 : i32 to index
      %get3A_1766 = arith.index_cast %get3A_1763 : i32 to index
      %get3A_1767 = arith.constant 32 : index
      %get3A_1768 = tpu.vector_load %arg8[%get3A_1764, %get3A_1765, %get3A_1766, %get3A_1767] {strides = array<i32>} : memref<2x2x4x128xf32, #tpu.memory_space<vmem>>, vector<1x1x1x16xf32>,
      %get3A_1769 = vector.shape_cast %get3A_1768 : vector<1x1x1x16xf32> to vector<16xf32>
      %add3A_1770 = arith.addf %get3A_1760, %get3A_1769 : vector<16xf32>
      %swap3A_1771 = arith.constant 160 : index
      %swap3A_1772 = tpu.vector_load %arg9[%swap3A_1771] {strides = array<i32>} : memref<512xf32, #tpu.memory_space<vmem>>, vector<16xf32>,
      %swap3A_1773 = vector.shape_cast %swap3A_1772 : vector<16xf32> to vector<16xf32>
      %swap3A_1774 = vector.shape_cast %add3A_1770 : vector<16xf32> to vector<16xf32>
      tpu.vector_store %arg9[%swap3A_1771], %swap3A_1774 {strides = array<i32>} : memref<512xf32, #tpu.memory_space<vmem>>, vector<16xf32>,
      %get3A_1775 = arith.constant 160 : index
      %get3A_1776 = tpu.vector_load %arg10[%get3A_1775] {strides = array<i32>} : memref<512xf32, #tpu.memory_space<vmem>>, vector<16xf32>,
      %get3A_1777 = vector.shape_cast %get3A_1776 : vector<16xf32> to vector<16xf32>
      %get3A_1778 = arith.constant 1 : i32
      %get3A_1779 = arith.constant 1 : i32
      %get3A_1780 = arith.constant 1 : i32
      %get3A_1781 = arith.index_cast %get3A_1778 : i32 to index
      %get3A_1782 = arith.index_cast %get3A_1779 : i32 to index
      %get3A_1783 = arith.index_cast %get3A_1780 : i32 to index
      %get3A_1784 = arith.constant 32 : index
      %get3A_1785 = tpu.vector_load %arg8[%get3A_1781, %get3A_1782, %get3A_1783, %get3A_1784] {strides = array<i32>} : memref<2x2x4x128xf32, #tpu.memory_space<vmem>>, vector<1x1x1x16xf32>,
      %get3A_1786 = vector.shape_cast %get3A_1785 : vector<1x1x1x16xf32> to vector<16xf32>
      %add3A_1787 = arith.addf %get3A_1777, %get3A_1786 : vector<16xf32>
      %swap3A_1788 = arith.constant 160 : index
      %swap3A_1789 = tpu.vector_load %arg10[%swap3A_1788] {strides = array<i32>} : memref<512xf32, #tpu.memory_space<vmem>>, vector<16xf32>,
      %swap3A_1790 = vector.shape_cast %swap3A_1789 : vector<16xf32> to vector<16xf32>
      %swap3A_1791 = vector.shape_cast %add3A_1787 : vector<16xf32> to vector<16xf32>
      tpu.vector_store %arg10[%swap3A_1788], %swap3A_1791 {strides = array<i32>} : memref<512xf32, #tpu.memory_space<vmem>>, vector<16xf32>,
      %get3A_1792 = arith.constant 176 : index
      %get3A_1793 = tpu.vector_load %arg9[%get3A_1792] {strides = array<i32>} : memref<512xf32, #tpu.memory_space<vmem>>, vector<16xf32>,
      %get3A_1794 = vector.shape_cast %get3A_1793 : vector<16xf32> to vector<16xf32>
      %get3A_1795 = arith.constant 1 : i32
      %get3A_1796 = arith.constant 0 : i32
      %get3A_1797 = arith.constant 1 : i32
      %get3A_1798 = arith.index_cast %get3A_1795 : i32 to index
      %get3A_1799 = arith.index_cast %get3A_1796 : i32 to index
      %get3A_1800 = arith.index_cast %get3A_1797 : i32 to index
      %get3A_1801 = arith.constant 48 : index
      %get3A_1802 = tpu.vector_load %arg8[%get3A_1798, %get3A_1799, %get3A_1800, %get3A_1801] {strides = array<i32>} : memref<2x2x4x128xf32, #tpu.memory_space<vmem>>, vector<1x1x1x16xf32>,
      %get3A_1803 = vector.shape_cast %get3A_1802 : vector<1x1x1x16xf32> to vector<16xf32>
      %add3A_1804 = arith.addf %get3A_1794, %get3A_1803 : vector<16xf32>
      %swap3A_1805 = arith.constant 176 : index
      %swap3A_1806 = tpu.vector_load %arg9[%swap3A_1805] {strides = array<i32>} : memref<512xf32, #tpu.memory_space<vmem>>, vector<16xf32>,
      %swap3A_1807 = vector.shape_cast %swap3A_1806 : vector<16xf32> to vector<16xf32>
      %swap3A_1808 = vector.shape_cast %add3A_1804 : vector<16xf32> to vector<16xf32>
      tpu.vector_store %arg9[%swap3A_1805], %swap3A_1808 {strides = array<i32>} : memref<512xf32, #tpu.memory_space<vmem>>, vector<16xf32>,
      %get3A_1809 = arith.constant 176 : index
      %get3A_1810 = tpu.vector_load %arg10[%get3A_1809] {strides = array<i32>} : memref<512xf32, #tpu.memory_space<vmem>>, vector<16xf32>,
      %get3A_1811 = vector.shape_cast %get3A_1810 : vector<16xf32> to vector<16xf32>
      %get3A_1812 = arith.constant 1 : i32
      %get3A_1813 = arith.constant 1 : i32
      %get3A_1814 = arith.constant 1 : i32
      %get3A_1815 = arith.index_cast %get3A_1812 : i32 to index
      %get3A_1816 = arith.index_cast %get3A_1813 : i32 to index
      %get3A_1817 = arith.index_cast %get3A_1814 : i32 to index
      %get3A_1818 = arith.constant 48 : index
      %get3A_1819 = tpu.vector_load %arg8[%get3A_1815, %get3A_1816, %get3A_1817, %get3A_1818] {strides = array<i32>} : memref<2x2x4x128xf32, #tpu.memory_space<vmem>>, vector<1x1x1x16xf32>,
      %get3A_1820 = vector.shape_cast %get3A_1819 : vector<1x1x1x16xf32> to vector<16xf32>
      %add3A_1821 = arith.addf %get3A_1811, %get3A_1820 : vector<16xf32>
      %swap3A_1822 = arith.constant 176 : index
      %swap3A_1823 = tpu.vector_load %arg10[%swap3A_1822] {strides = array<i32>} : memref<512xf32, #tpu.memory_space<vmem>>, vector<16xf32>,
      %swap3A_1824 = vector.shape_cast %swap3A_1823 : vector<16xf32> to vector<16xf32>
      %swap3A_1825 = vector.shape_cast %add3A_1821 : vector<16xf32> to vector<16xf32>
      tpu.vector_store %arg10[%swap3A_1822], %swap3A_1825 {strides = array<i32>} : memref<512xf32, #tpu.memory_space<vmem>>, vector<16xf32>,
      %get3A_1826 = arith.constant 192 : index
      %get3A_1827 = tpu.vector_load %arg9[%get3A_1826] {strides = array<i32>} : memref<512xf32, #tpu.memory_space<vmem>>, vector<16xf32>,
      %get3A_1828 = vector.shape_cast %get3A_1827 : vector<16xf32> to vector<16xf32>
      %get3A_1829 = arith.constant 1 : i32
      %get3A_1830 = arith.constant 0 : i32
      %get3A_1831 = arith.constant 1 : i32
      %get3A_1832 = arith.index_cast %get3A_1829 : i32 to index
      %get3A_1833 = arith.index_cast %get3A_1830 : i32 to index
      %get3A_1834 = arith.index_cast %get3A_1831 : i32 to index
      %get3A_1835 = arith.constant 64 : index
      %get3A_1836 = tpu.vector_load %arg8[%get3A_1832, %get3A_1833, %get3A_1834, %get3A_1835] {strides = array<i32>} : memref<2x2x4x128xf32, #tpu.memory_space<vmem>>, vector<1x1x1x16xf32>,
      %get3A_1837 = vector.shape_cast %get3A_1836 : vector<1x1x1x16xf32> to vector<16xf32>
      %add3A_1838 = arith.addf %get3A_1828, %get3A_1837 : vector<16xf32>
      %swap3A_1839 = arith.constant 192 : index
      %swap3A_1840 = tpu.vector_load %arg9[%swap3A_1839] {strides = array<i32>} : memref<512xf32, #tpu.memory_space<vmem>>, vector<16xf32>,
      %swap3A_1841 = vector.shape_cast %swap3A_1840 : vector<16xf32> to vector<16xf32>
      %swap3A_1842 = vector.shape_cast %add3A_1838 : vector<16xf32> to vector<16xf32>
      tpu.vector_store %arg9[%swap3A_1839], %swap3A_1842 {strides = array<i32>} : memref<512xf32, #tpu.memory_space<vmem>>, vector<16xf32>,
      %get3A_1843 = arith.constant 192 : index
      %get3A_1844 = tpu.vector_load %arg10[%get3A_1843] {strides = array<i32>} : memref<512xf32, #tpu.memory_space<vmem>>, vector<16xf32>,
      %get3A_1845 = vector.shape_cast %get3A_1844 : vector<16xf32> to vector<16xf32>
      %get3A_1846 = arith.constant 1 : i32
      %get3A_1847 = arith.constant 1 : i32
      %get3A_1848 = arith.constant 1 : i32
      %get3A_1849 = arith.index_cast %get3A_1846 : i32 to index
      %get3A_1850 = arith.index_cast %get3A_1847 : i32 to index
      %get3A_1851 = arith.index_cast %get3A_1848 : i32 to index
      %get3A_1852 = arith.constant 64 : index
      %get3A_1853 = tpu.vector_load %arg8[%get3A_1849, %get3A_1850, %get3A_1851, %get3A_1852] {strides = array<i32>} : memref<2x2x4x128xf32, #tpu.memory_space<vmem>>, vector<1x1x1x16xf32>,
      %get3A_1854 = vector.shape_cast %get3A_1853 : vector<1x1x1x16xf32> to vector<16xf32>
      %add3A_1855 = arith.addf %get3A_1845, %get3A_1854 : vector<16xf32>
      %swap3A_1856 = arith.constant 192 : index
      %swap3A_1857 = tpu.vector_load %arg10[%swap3A_1856] {strides = array<i32>} : memref<512xf32, #tpu.memory_space<vmem>>, vector<16xf32>,
      %swap3A_1858 = vector.shape_cast %swap3A_1857 : vector<16xf32> to vector<16xf32>
      %swap3A_1859 = vector.shape_cast %add3A_1855 : vector<16xf32> to vector<16xf32>
      tpu.vector_store %arg10[%swap3A_1856], %swap3A_1859 {strides = array<i32>} : memref<512xf32, #tpu.memory_space<vmem>>, vector<16xf32>,
      %get3A_1860 = arith.constant 208 : index
      %get3A_1861 = tpu.vector_load %arg9[%get3A_1860] {strides = array<i32>} : memref<512xf32, #tpu.memory_space<vmem>>, vector<16xf32>,
      %get3A_1862 = vector.shape_cast %get3A_1861 : vector<16xf32> to vector<16xf32>
      %get3A_1863 = arith.constant 1 : i32
      %get3A_1864 = arith.constant 0 : i32
      %get3A_1865 = arith.constant 1 : i32
      %get3A_1866 = arith.index_cast %get3A_1863 : i32 to index
      %get3A_1867 = arith.index_cast %get3A_1864 : i32 to index
      %get3A_1868 = arith.index_cast %get3A_1865 : i32 to index
      %get3A_1869 = arith.constant 80 : index
      %get3A_1870 = tpu.vector_load %arg8[%get3A_1866, %get3A_1867, %get3A_1868, %get3A_1869] {strides = array<i32>} : memref<2x2x4x128xf32, #tpu.memory_space<vmem>>, vector<1x1x1x16xf32>,
      %get3A_1871 = vector.shape_cast %get3A_1870 : vector<1x1x1x16xf32> to vector<16xf32>
      %add3A_1872 = arith.addf %get3A_1862, %get3A_1871 : vector<16xf32>
      %swap3A_1873 = arith.constant 208 : index
      %swap3A_1874 = tpu.vector_load %arg9[%swap3A_1873] {strides = array<i32>} : memref<512xf32, #tpu.memory_space<vmem>>, vector<16xf32>,
      %swap3A_1875 = vector.shape_cast %swap3A_1874 : vector<16xf32> to vector<16xf32>
      %swap3A_1876 = vector.shape_cast %add3A_1872 : vector<16xf32> to vector<16xf32>
      tpu.vector_store %arg9[%swap3A_1873], %swap3A_1876 {strides = array<i32>} : memref<512xf32, #tpu.memory_space<vmem>>, vector<16xf32>,
      %get3A_1877 = arith.constant 208 : index
      %get3A_1878 = tpu.vector_load %arg10[%get3A_1877] {strides = array<i32>} : memref<512xf32, #tpu.memory_space<vmem>>, vector<16xf32>,
      %get3A_1879 = vector.shape_cast %get3A_1878 : vector<16xf32> to vector<16xf32>
      %get3A_1880 = arith.constant 1 : i32
      %get3A_1881 = arith.constant 1 : i32
      %get3A_1882 = arith.constant 1 : i32
      %get3A_1883 = arith.index_cast %get3A_1880 : i32 to index
      %get3A_1884 = arith.index_cast %get3A_1881 : i32 to index
      %get3A_1885 = arith.index_cast %get3A_1882 : i32 to index
      %get3A_1886 = arith.constant 80 : index
      %get3A_1887 = tpu.vector_load %arg8[%get3A_1883, %get3A_1884, %get3A_1885, %get3A_1886] {strides = array<i32>} : memref<2x2x4x128xf32, #tpu.memory_space<vmem>>, vector<1x1x1x16xf32>,
      %get3A_1888 = vector.shape_cast %get3A_1887 : vector<1x1x1x16xf32> to vector<16xf32>
      %add3A_1889 = arith.addf %get3A_1879, %get3A_1888 : vector<16xf32>
      %swap3A_1890 = arith.constant 208 : index
      %swap3A_1891 = tpu.vector_load %arg10[%swap3A_1890] {strides = array<i32>} : memref<512xf32, #tpu.memory_space<vmem>>, vector<16xf32>,
      %swap3A_1892 = vector.shape_cast %swap3A_1891 : vector<16xf32> to vector<16xf32>
      %swap3A_1893 = vector.shape_cast %add3A_1889 : vector<16xf32> to vector<16xf32>
      tpu.vector_store %arg10[%swap3A_1890], %swap3A_1893 {strides = array<i32>} : memref<512xf32, #tpu.memory_space<vmem>>, vector<16xf32>,
      %get3A_1894 = arith.constant 224 : index
      %get3A_1895 = tpu.vector_load %arg9[%get3A_1894] {strides = array<i32>} : memref<512xf32, #tpu.memory_space<vmem>>, vector<16xf32>,
      %get3A_1896 = vector.shape_cast %get3A_1895 : vector<16xf32> to vector<16xf32>
      %get3A_1897 = arith.constant 1 : i32
      %get3A_1898 = arith.constant 0 : i32
      %get3A_1899 = arith.constant 1 : i32
      %get3A_1900 = arith.index_cast %get3A_1897 : i32 to index
      %get3A_1901 = arith.index_cast %get3A_1898 : i32 to index
      %get3A_1902 = arith.index_cast %get3A_1899 : i32 to index
      %get3A_1903 = arith.constant 96 : index
      %get3A_1904 = tpu.vector_load %arg8[%get3A_1900, %get3A_1901, %get3A_1902, %get3A_1903] {strides = array<i32>} : memref<2x2x4x128xf32, #tpu.memory_space<vmem>>, vector<1x1x1x16xf32>,
      %get3A_1905 = vector.shape_cast %get3A_1904 : vector<1x1x1x16xf32> to vector<16xf32>
      %add3A_1906 = arith.addf %get3A_1896, %get3A_1905 : vector<16xf32>
      %swap3A_1907 = arith.constant 224 : index
      %swap3A_1908 = tpu.vector_load %arg9[%swap3A_1907] {strides = array<i32>} : memref<512xf32, #tpu.memory_space<vmem>>, vector<16xf32>,
      %swap3A_1909 = vector.shape_cast %swap3A_1908 : vector<16xf32> to vector<16xf32>
      %swap3A_1910 = vector.shape_cast %add3A_1906 : vector<16xf32> to vector<16xf32>
      tpu.vector_store %arg9[%swap3A_1907], %swap3A_1910 {strides = array<i32>} : memref<512xf32, #tpu.memory_space<vmem>>, vector<16xf32>,
      %get3A_1911 = arith.constant 224 : index
      %get3A_1912 = tpu.vector_load %arg10[%get3A_1911] {strides = array<i32>} : memref<512xf32, #tpu.memory_space<vmem>>, vector<16xf32>,
      %get3A_1913 = vector.shape_cast %get3A_1912 : vector<16xf32> to vector<16xf32>
      %get3A_1914 = arith.constant 1 : i32
      %get3A_1915 = arith.constant 1 : i32
      %get3A_1916 = arith.constant 1 : i32
      %get3A_1917 = arith.index_cast %get3A_1914 : i32 to index
      %get3A_1918 = arith.index_cast %get3A_1915 : i32 to index
      %get3A_1919 = arith.index_cast %get3A_1916 : i32 to index
      %get3A_1920 = arith.constant 96 : index
      %get3A_1921 = tpu.vector_load %arg8[%get3A_1917, %get3A_1918, %get3A_1919, %get3A_1920] {strides = array<i32>} : memref<2x2x4x128xf32, #tpu.memory_space<vmem>>, vector<1x1x1x16xf32>,
      %get3A_1922 = vector.shape_cast %get3A_1921 : vector<1x1x1x16xf32> to vector<16xf32>
      %add3A_1923 = arith.addf %get3A_1913, %get3A_1922 : vector<16xf32>
      %swap3A_1924 = arith.constant 224 : index
      %swap3A_1925 = tpu.vector_load %arg10[%swap3A_1924] {strides = array<i32>} : memref<512xf32, #tpu.memory_space<vmem>>, vector<16xf32>,
      %swap3A_1926 = vector.shape_cast %swap3A_1925 : vector<16xf32> to vector<16xf32>
      %swap3A_1927 = vector.shape_cast %add3A_1923 : vector<16xf32> to vector<16xf32>
      tpu.vector_store %arg10[%swap3A_1924], %swap3A_1927 {strides = array<i32>} : memref<512xf32, #tpu.memory_space<vmem>>, vector<16xf32>,
      %get3A_1928 = arith.constant 240 : index
      %get3A_1929 = tpu.vector_load %arg9[%get3A_1928] {strides = array<i32>} : memref<512xf32, #tpu.memory_space<vmem>>, vector<16xf32>,
      %get3A_1930 = vector.shape_cast %get3A_1929 : vector<16xf32> to vector<16xf32>
      %get3A_1931 = arith.constant 1 : i32
      %get3A_1932 = arith.constant 0 : i32
      %get3A_1933 = arith.constant 1 : i32
      %get3A_1934 = arith.index_cast %get3A_1931 : i32 to index
      %get3A_1935 = arith.index_cast %get3A_1932 : i32 to index
      %get3A_1936 = arith.index_cast %get3A_1933 : i32 to index
      %get3A_1937 = arith.constant 112 : index
      %get3A_1938 = tpu.vector_load %arg8[%get3A_1934, %get3A_1935, %get3A_1936, %get3A_1937] {strides = array<i32>} : memref<2x2x4x128xf32, #tpu.memory_space<vmem>>, vector<1x1x1x16xf32>,
      %get3A_1939 = vector.shape_cast %get3A_1938 : vector<1x1x1x16xf32> to vector<16xf32>
      %add3A_1940 = arith.addf %get3A_1930, %get3A_1939 : vector<16xf32>
      %swap3A_1941 = arith.constant 240 : index
      %swap3A_1942 = tpu.vector_load %arg9[%swap3A_1941] {strides = array<i32>} : memref<512xf32, #tpu.memory_space<vmem>>, vector<16xf32>,
      %swap3A_1943 = vector.shape_cast %swap3A_1942 : vector<16xf32> to vector<16xf32>
      %swap3A_1944 = vector.shape_cast %add3A_1940 : vector<16xf32> to vector<16xf32>
      tpu.vector_store %arg9[%swap3A_1941], %swap3A_1944 {strides = array<i32>} : memref<512xf32, #tpu.memory_space<vmem>>, vector<16xf32>,
      %get3A_1945 = arith.constant 240 : index
      %get3A_1946 = tpu.vector_load %arg10[%get3A_1945] {strides = array<i32>} : memref<512xf32, #tpu.memory_space<vmem>>, vector<16xf32>,
      %get3A_1947 = vector.shape_cast %get3A_1946 : vector<16xf32> to vector<16xf32>
      %get3A_1948 = arith.constant 1 : i32
      %get3A_1949 = arith.constant 1 : i32
      %get3A_1950 = arith.constant 1 : i32
      %get3A_1951 = arith.index_cast %get3A_1948 : i32 to index
      %get3A_1952 = arith.index_cast %get3A_1949 : i32 to index
      %get3A_1953 = arith.index_cast %get3A_1950 : i32 to index
      %get3A_1954 = arith.constant 112 : index
      %get3A_1955 = tpu.vector_load %arg8[%get3A_1951, %get3A_1952, %get3A_1953, %get3A_1954] {strides = array<i32>} : memref<2x2x4x128xf32, #tpu.memory_space<vmem>>, vector<1x1x1x16xf32>,
      %get3A_1956 = vector.shape_cast %get3A_1955 : vector<1x1x1x16xf32> to vector<16xf32>
      %add3A_1957 = arith.addf %get3A_1947, %get3A_1956 : vector<16xf32>
      %swap3A_1958 = arith.constant 240 : index
      %swap3A_1959 = tpu.vector_load %arg10[%swap3A_1958] {strides = array<i32>} : memref<512xf32, #tpu.memory_space<vmem>>, vector<16xf32>,
      %swap3A_1960 = vector.shape_cast %swap3A_1959 : vector<16xf32> to vector<16xf32>
      %swap3A_1961 = vector.shape_cast %add3A_1957 : vector<16xf32> to vector<16xf32>
      tpu.vector_store %arg10[%swap3A_1958], %swap3A_1961 {strides = array<i32>} : memref<512xf32, #tpu.memory_space<vmem>>, vector<16xf32>,
      %get3A_1962 = arith.constant 256 : index
      %get3A_1963 = tpu.vector_load %arg9[%get3A_1962] {strides = array<i32>} : memref<512xf32, #tpu.memory_space<vmem>>, vector<16xf32>,
      %get3A_1964 = vector.shape_cast %get3A_1963 : vector<16xf32> to vector<16xf32>
      %get3A_1965 = arith.constant 1 : i32
      %get3A_1966 = arith.constant 0 : i32
      %get3A_1967 = arith.constant 2 : i32
      %get3A_1968 = arith.index_cast %get3A_1965 : i32 to index
      %get3A_1969 = arith.index_cast %get3A_1966 : i32 to index
      %get3A_1970 = arith.index_cast %get3A_1967 : i32 to index
      %get3A_1971 = arith.constant 0 : index
      %get3A_1972 = tpu.vector_load %arg8[%get3A_1968, %get3A_1969, %get3A_1970, %get3A_1971] {strides = array<i32>} : memref<2x2x4x128xf32, #tpu.memory_space<vmem>>, vector<1x1x1x16xf32>,
      %get3A_1973 = vector.shape_cast %get3A_1972 : vector<1x1x1x16xf32> to vector<16xf32>
      %add3A_1974 = arith.addf %get3A_1964, %get3A_1973 : vector<16xf32>
      %swap3A_1975 = arith.constant 256 : index
      %swap3A_1976 = tpu.vector_load %arg9[%swap3A_1975] {strides = array<i32>} : memref<512xf32, #tpu.memory_space<vmem>>, vector<16xf32>,
      %swap3A_1977 = vector.shape_cast %swap3A_1976 : vector<16xf32> to vector<16xf32>
      %swap3A_1978 = vector.shape_cast %add3A_1974 : vector<16xf32> to vector<16xf32>
      tpu.vector_store %arg9[%swap3A_1975], %swap3A_1978 {strides = array<i32>} : memref<512xf32, #tpu.memory_space<vmem>>, vector<16xf32>,
      %get3A_1979 = arith.constant 256 : index
      %get3A_1980 = tpu.vector_load %arg10[%get3A_1979] {strides = array<i32>} : memref<512xf32, #tpu.memory_space<vmem>>, vector<16xf32>,
      %get3A_1981 = vector.shape_cast %get3A_1980 : vector<16xf32> to vector<16xf32>
      %get3A_1982 = arith.constant 1 : i32
      %get3A_1983 = arith.constant 1 : i32
      %get3A_1984 = arith.constant 2 : i32
      %get3A_1985 = arith.index_cast %get3A_1982 : i32 to index
      %get3A_1986 = arith.index_cast %get3A_1983 : i32 to index
      %get3A_1987 = arith.index_cast %get3A_1984 : i32 to index
      %get3A_1988 = arith.constant 0 : index
      %get3A_1989 = tpu.vector_load %arg8[%get3A_1985, %get3A_1986, %get3A_1987, %get3A_1988] {strides = array<i32>} : memref<2x2x4x128xf32, #tpu.memory_space<vmem>>, vector<1x1x1x16xf32>,
      %get3A_1990 = vector.shape_cast %get3A_1989 : vector<1x1x1x16xf32> to vector<16xf32>
      %add3A_1991 = arith.addf %get3A_1981, %get3A_1990 : vector<16xf32>
      %swap3A_1992 = arith.constant 256 : index
      %swap3A_1993 = tpu.vector_load %arg10[%swap3A_1992] {strides = array<i32>} : memref<512xf32, #tpu.memory_space<vmem>>, vector<16xf32>,
      %swap3A_1994 = vector.shape_cast %swap3A_1993 : vector<16xf32> to vector<16xf32>
      %swap3A_1995 = vector.shape_cast %add3A_1991 : vector<16xf32> to vector<16xf32>
      tpu.vector_store %arg10[%swap3A_1992], %swap3A_1995 {strides = array<i32>} : memref<512xf32, #tpu.memory_space<vmem>>, vector<16xf32>,
      %get3A_1996 = arith.constant 272 : index
      %get3A_1997 = tpu.vector_load %arg9[%get3A_1996] {strides = array<i32>} : memref<512xf32, #tpu.memory_space<vmem>>, vector<16xf32>,
      %get3A_1998 = vector.shape_cast %get3A_1997 : vector<16xf32> to vector<16xf32>
      %get3A_1999 = arith.constant 1 : i32
      %get3A_2000 = arith.constant 0 : i32
      %get3A_2001 = arith.constant 2 : i32
      %get3A_2002 = arith.index_cast %get3A_1999 : i32 to index
      %get3A_2003 = arith.index_cast %get3A_2000 : i32 to index
      %get3A_2004 = arith.index_cast %get3A_2001 : i32 to index
      %get3A_2005 = arith.constant 16 : index
      %get3A_2006 = tpu.vector_load %arg8[%get3A_2002, %get3A_2003, %get3A_2004, %get3A_2005] {strides = array<i32>} : memref<2x2x4x128xf32, #tpu.memory_space<vmem>>, vector<1x1x1x16xf32>,
      %get3A_2007 = vector.shape_cast %get3A_2006 : vector<1x1x1x16xf32> to vector<16xf32>
      %add3A_2008 = arith.addf %get3A_1998, %get3A_2007 : vector<16xf32>
      %swap3A_2009 = arith.constant 272 : index
      %swap3A_2010 = tpu.vector_load %arg9[%swap3A_2009] {strides = array<i32>} : memref<512xf32, #tpu.memory_space<vmem>>, vector<16xf32>,
      %swap3A_2011 = vector.shape_cast %swap3A_2010 : vector<16xf32> to vector<16xf32>
      %swap3A_2012 = vector.shape_cast %add3A_2008 : vector<16xf32> to vector<16xf32>
      tpu.vector_store %arg9[%swap3A_2009], %swap3A_2012 {strides = array<i32>} : memref<512xf32, #tpu.memory_space<vmem>>, vector<16xf32>,
      %get3A_2013 = arith.constant 272 : index
      %get3A_2014 = tpu.vector_load %arg10[%get3A_2013] {strides = array<i32>} : memref<512xf32, #tpu.memory_space<vmem>>, vector<16xf32>,
      %get3A_2015 = vector.shape_cast %get3A_2014 : vector<16xf32> to vector<16xf32>
      %get3A_2016 = arith.constant 1 : i32
      %get3A_2017 = arith.constant 1 : i32
      %get3A_2018 = arith.constant 2 : i32
      %get3A_2019 = arith.index_cast %get3A_2016 : i32 to index
      %get3A_2020 = arith.index_cast %get3A_2017 : i32 to index
      %get3A_2021 = arith.index_cast %get3A_2018 : i32 to index
      %get3A_2022 = arith.constant 16 : index
      %get3A_2023 = tpu.vector_load %arg8[%get3A_2019, %get3A_2020, %get3A_2021, %get3A_2022] {strides = array<i32>} : memref<2x2x4x128xf32, #tpu.memory_space<vmem>>, vector<1x1x1x16xf32>,
      %get3A_2024 = vector.shape_cast %get3A_2023 : vector<1x1x1x16xf32> to vector<16xf32>
      %add3A_2025 = arith.addf %get3A_2015, %get3A_2024 : vector<16xf32>
      %swap3A_2026 = arith.constant 272 : index
      %swap3A_2027 = tpu.vector_load %arg10[%swap3A_2026] {strides = array<i32>} : memref<512xf32, #tpu.memory_space<vmem>>, vector<16xf32>,
      %swap3A_2028 = vector.shape_cast %swap3A_2027 : vector<16xf32> to vector<16xf32>
      %swap3A_2029 = vector.shape_cast %add3A_2025 : vector<16xf32> to vector<16xf32>
      tpu.vector_store %arg10[%swap3A_2026], %swap3A_2029 {strides = array<i32>} : memref<512xf32, #tpu.memory_space<vmem>>, vector<16xf32>,
      %get3A_2030 = arith.constant 288 : index
      %get3A_2031 = tpu.vector_load %arg9[%get3A_2030] {strides = array<i32>} : memref<512xf32, #tpu.memory_space<vmem>>, vector<16xf32>,
      %get3A_2032 = vector.shape_cast %get3A_2031 : vector<16xf32> to vector<16xf32>
      %get3A_2033 = arith.constant 1 : i32
      %get3A_2034 = arith.constant 0 : i32
      %get3A_2035 = arith.constant 2 : i32
      %get3A_2036 = arith.index_cast %get3A_2033 : i32 to index
      %get3A_2037 = arith.index_cast %get3A_2034 : i32 to index
      %get3A_2038 = arith.index_cast %get3A_2035 : i32 to index
      %get3A_2039 = arith.constant 32 : index
      %get3A_2040 = tpu.vector_load %arg8[%get3A_2036, %get3A_2037, %get3A_2038, %get3A_2039] {strides = array<i32>} : memref<2x2x4x128xf32, #tpu.memory_space<vmem>>, vector<1x1x1x16xf32>,
      %get3A_2041 = vector.shape_cast %get3A_2040 : vector<1x1x1x16xf32> to vector<16xf32>
      %add3A_2042 = arith.addf %get3A_2032, %get3A_2041 : vector<16xf32>
      %swap3A_2043 = arith.constant 288 : index
      %swap3A_2044 = tpu.vector_load %arg9[%swap3A_2043] {strides = array<i32>} : memref<512xf32, #tpu.memory_space<vmem>>, vector<16xf32>,
      %swap3A_2045 = vector.shape_cast %swap3A_2044 : vector<16xf32> to vector<16xf32>
      %swap3A_2046 = vector.shape_cast %add3A_2042 : vector<16xf32> to vector<16xf32>
      tpu.vector_store %arg9[%swap3A_2043], %swap3A_2046 {strides = array<i32>} : memref<512xf32, #tpu.memory_space<vmem>>, vector<16xf32>,
      %get3A_2047 = arith.constant 288 : index
      %get3A_2048 = tpu.vector_load %arg10[%get3A_2047] {strides = array<i32>} : memref<512xf32, #tpu.memory_space<vmem>>, vector<16xf32>,
      %get3A_2049 = vector.shape_cast %get3A_2048 : vector<16xf32> to vector<16xf32>
      %get3A_2050 = arith.constant 1 : i32
      %get3A_2051 = arith.constant 1 : i32
      %get3A_2052 = arith.constant 2 : i32
      %get3A_2053 = arith.index_cast %get3A_2050 : i32 to index
      %get3A_2054 = arith.index_cast %get3A_2051 : i32 to index
      %get3A_2055 = arith.index_cast %get3A_2052 : i32 to index
      %get3A_2056 = arith.constant 32 : index
      %get3A_2057 = tpu.vector_load %arg8[%get3A_2053, %get3A_2054, %get3A_2055, %get3A_2056] {strides = array<i32>} : memref<2x2x4x128xf32, #tpu.memory_space<vmem>>, vector<1x1x1x16xf32>,
      %get3A_2058 = vector.shape_cast %get3A_2057 : vector<1x1x1x16xf32> to vector<16xf32>
      %add3A_2059 = arith.addf %get3A_2049, %get3A_2058 : vector<16xf32>
      %swap3A_2060 = arith.constant 288 : index
      %swap3A_2061 = tpu.vector_load %arg10[%swap3A_2060] {strides = array<i32>} : memref<512xf32, #tpu.memory_space<vmem>>, vector<16xf32>,
      %swap3A_2062 = vector.shape_cast %swap3A_2061 : vector<16xf32> to vector<16xf32>
      %swap3A_2063 = vector.shape_cast %add3A_2059 : vector<16xf32> to vector<16xf32>
      tpu.vector_store %arg10[%swap3A_2060], %swap3A_2063 {strides = array<i32>} : memref<512xf32, #tpu.memory_space<vmem>>, vector<16xf32>,
      %get3A_2064 = arith.constant 304 : index
      %get3A_2065 = tpu.vector_load %arg9[%get3A_2064] {strides = array<i32>} : memref<512xf32, #tpu.memory_space<vmem>>, vector<16xf32>,
      %get3A_2066 = vector.shape_cast %get3A_2065 : vector<16xf32> to vector<16xf32>
      %get3A_2067 = arith.constant 1 : i32
      %get3A_2068 = arith.constant 0 : i32
      %get3A_2069 = arith.constant 2 : i32
      %get3A_2070 = arith.index_cast %get3A_2067 : i32 to index
      %get3A_2071 = arith.index_cast %get3A_2068 : i32 to index
      %get3A_2072 = arith.index_cast %get3A_2069 : i32 to index
      %get3A_2073 = arith.constant 48 : index
      %get3A_2074 = tpu.vector_load %arg8[%get3A_2070, %get3A_2071, %get3A_2072, %get3A_2073] {strides = array<i32>} : memref<2x2x4x128xf32, #tpu.memory_space<vmem>>, vector<1x1x1x16xf32>,
      %get3A_2075 = vector.shape_cast %get3A_2074 : vector<1x1x1x16xf32> to vector<16xf32>
      %add3A_2076 = arith.addf %get3A_2066, %get3A_2075 : vector<16xf32>
      %swap3A_2077 = arith.constant 304 : index
      %swap3A_2078 = tpu.vector_load %arg9[%swap3A_2077] {strides = array<i32>} : memref<512xf32, #tpu.memory_space<vmem>>, vector<16xf32>,
      %swap3A_2079 = vector.shape_cast %swap3A_2078 : vector<16xf32> to vector<16xf32>
      %swap3A_2080 = vector.shape_cast %add3A_2076 : vector<16xf32> to vector<16xf32>
      tpu.vector_store %arg9[%swap3A_2077], %swap3A_2080 {strides = array<i32>} : memref<512xf32, #tpu.memory_space<vmem>>, vector<16xf32>,
      %get3A_2081 = arith.constant 304 : index
      %get3A_2082 = tpu.vector_load %arg10[%get3A_2081] {strides = array<i32>} : memref<512xf32, #tpu.memory_space<vmem>>, vector<16xf32>,
      %get3A_2083 = vector.shape_cast %get3A_2082 : vector<16xf32> to vector<16xf32>
      %get3A_2084 = arith.constant 1 : i32
      %get3A_2085 = arith.constant 1 : i32
      %get3A_2086 = arith.constant 2 : i32
      %get3A_2087 = arith.index_cast %get3A_2084 : i32 to index
      %get3A_2088 = arith.index_cast %get3A_2085 : i32 to index
      %get3A_2089 = arith.index_cast %get3A_2086 : i32 to index
      %get3A_2090 = arith.constant 48 : index
      %get3A_2091 = tpu.vector_load %arg8[%get3A_2087, %get3A_2088, %get3A_2089, %get3A_2090] {strides = array<i32>} : memref<2x2x4x128xf32, #tpu.memory_space<vmem>>, vector<1x1x1x16xf32>,
      %get3A_2092 = vector.shape_cast %get3A_2091 : vector<1x1x1x16xf32> to vector<16xf32>
      %add3A_2093 = arith.addf %get3A_2083, %get3A_2092 : vector<16xf32>
      %swap3A_2094 = arith.constant 304 : index
      %swap3A_2095 = tpu.vector_load %arg10[%swap3A_2094] {strides = array<i32>} : memref<512xf32, #tpu.memory_space<vmem>>, vector<16xf32>,
      %swap3A_2096 = vector.shape_cast %swap3A_2095 : vector<16xf32> to vector<16xf32>
      %swap3A_2097 = vector.shape_cast %add3A_2093 : vector<16xf32> to vector<16xf32>
      tpu.vector_store %arg10[%swap3A_2094], %swap3A_2097 {strides = array<i32>} : memref<512xf32, #tpu.memory_space<vmem>>, vector<16xf32>,
      %get3A_2098 = arith.constant 320 : index
      %get3A_2099 = tpu.vector_load %arg9[%get3A_2098] {strides = array<i32>} : memref<512xf32, #tpu.memory_space<vmem>>, vector<16xf32>,
      %get3A_2100 = vector.shape_cast %get3A_2099 : vector<16xf32> to vector<16xf32>
      %get3A_2101 = arith.constant 1 : i32
      %get3A_2102 = arith.constant 0 : i32
      %get3A_2103 = arith.constant 2 : i32
      %get3A_2104 = arith.index_cast %get3A_2101 : i32 to index
      %get3A_2105 = arith.index_cast %get3A_2102 : i32 to index
      %get3A_2106 = arith.index_cast %get3A_2103 : i32 to index
      %get3A_2107 = arith.constant 64 : index
      %get3A_2108 = tpu.vector_load %arg8[%get3A_2104, %get3A_2105, %get3A_2106, %get3A_2107] {strides = array<i32>} : memref<2x2x4x128xf32, #tpu.memory_space<vmem>>, vector<1x1x1x16xf32>,
      %get3A_2109 = vector.shape_cast %get3A_2108 : vector<1x1x1x16xf32> to vector<16xf32>
      %add3A_2110 = arith.addf %get3A_2100, %get3A_2109 : vector<16xf32>
      %swap3A_2111 = arith.constant 320 : index
      %swap3A_2112 = tpu.vector_load %arg9[%swap3A_2111] {strides = array<i32>} : memref<512xf32, #tpu.memory_space<vmem>>, vector<16xf32>,
      %swap3A_2113 = vector.shape_cast %swap3A_2112 : vector<16xf32> to vector<16xf32>
      %swap3A_2114 = vector.shape_cast %add3A_2110 : vector<16xf32> to vector<16xf32>
      tpu.vector_store %arg9[%swap3A_2111], %swap3A_2114 {strides = array<i32>} : memref<512xf32, #tpu.memory_space<vmem>>, vector<16xf32>,
      %get3A_2115 = arith.constant 320 : index
      %get3A_2116 = tpu.vector_load %arg10[%get3A_2115] {strides = array<i32>} : memref<512xf32, #tpu.memory_space<vmem>>, vector<16xf32>,
      %get3A_2117 = vector.shape_cast %get3A_2116 : vector<16xf32> to vector<16xf32>
      %get3A_2118 = arith.constant 1 : i32
      %get3A_2119 = arith.constant 1 : i32
      %get3A_2120 = arith.constant 2 : i32
      %get3A_2121 = arith.index_cast %get3A_2118 : i32 to index
      %get3A_2122 = arith.index_cast %get3A_2119 : i32 to index
      %get3A_2123 = arith.index_cast %get3A_2120 : i32 to index
      %get3A_2124 = arith.constant 64 : index
      %get3A_2125 = tpu.vector_load %arg8[%get3A_2121, %get3A_2122, %get3A_2123, %get3A_2124] {strides = array<i32>} : memref<2x2x4x128xf32, #tpu.memory_space<vmem>>, vector<1x1x1x16xf32>,
      %get3A_2126 = vector.shape_cast %get3A_2125 : vector<1x1x1x16xf32> to vector<16xf32>
      %add3A_2127 = arith.addf %get3A_2117, %get3A_2126 : vector<16xf32>
      %swap3A_2128 = arith.constant 320 : index
      %swap3A_2129 = tpu.vector_load %arg10[%swap3A_2128] {strides = array<i32>} : memref<512xf32, #tpu.memory_space<vmem>>, vector<16xf32>,
      %swap3A_2130 = vector.shape_cast %swap3A_2129 : vector<16xf32> to vector<16xf32>
      %swap3A_2131 = vector.shape_cast %add3A_2127 : vector<16xf32> to vector<16xf32>
      tpu.vector_store %arg10[%swap3A_2128], %swap3A_2131 {strides = array<i32>} : memref<512xf32, #tpu.memory_space<vmem>>, vector<16xf32>,
      %get3A_2132 = arith.constant 336 : index
      %get3A_2133 = tpu.vector_load %arg9[%get3A_2132] {strides = array<i32>} : memref<512xf32, #tpu.memory_space<vmem>>, vector<16xf32>,
      %get3A_2134 = vector.shape_cast %get3A_2133 : vector<16xf32> to vector<16xf32>
      %get3A_2135 = arith.constant 1 : i32
      %get3A_2136 = arith.constant 0 : i32
      %get3A_2137 = arith.constant 2 : i32
      %get3A_2138 = arith.index_cast %get3A_2135 : i32 to index
      %get3A_2139 = arith.index_cast %get3A_2136 : i32 to index
      %get3A_2140 = arith.index_cast %get3A_2137 : i32 to index
      %get3A_2141 = arith.constant 80 : index
      %get3A_2142 = tpu.vector_load %arg8[%get3A_2138, %get3A_2139, %get3A_2140, %get3A_2141] {strides = array<i32>} : memref<2x2x4x128xf32, #tpu.memory_space<vmem>>, vector<1x1x1x16xf32>,
      %get3A_2143 = vector.shape_cast %get3A_2142 : vector<1x1x1x16xf32> to vector<16xf32>
      %add3A_2144 = arith.addf %get3A_2134, %get3A_2143 : vector<16xf32>
      %swap3A_2145 = arith.constant 336 : index
      %swap3A_2146 = tpu.vector_load %arg9[%swap3A_2145] {strides = array<i32>} : memref<512xf32, #tpu.memory_space<vmem>>, vector<16xf32>,
      %swap3A_2147 = vector.shape_cast %swap3A_2146 : vector<16xf32> to vector<16xf32>
      %swap3A_2148 = vector.shape_cast %add3A_2144 : vector<16xf32> to vector<16xf32>
      tpu.vector_store %arg9[%swap3A_2145], %swap3A_2148 {strides = array<i32>} : memref<512xf32, #tpu.memory_space<vmem>>, vector<16xf32>,
      %get3A_2149 = arith.constant 336 : index
      %get3A_2150 = tpu.vector_load %arg10[%get3A_2149] {strides = array<i32>} : memref<512xf32, #tpu.memory_space<vmem>>, vector<16xf32>,
      %get3A_2151 = vector.shape_cast %get3A_2150 : vector<16xf32> to vector<16xf32>
      %get3A_2152 = arith.constant 1 : i32
      %get3A_2153 = arith.constant 1 : i32
      %get3A_2154 = arith.constant 2 : i32
      %get3A_2155 = arith.index_cast %get3A_2152 : i32 to index
      %get3A_2156 = arith.index_cast %get3A_2153 : i32 to index
      %get3A_2157 = arith.index_cast %get3A_2154 : i32 to index
      %get3A_2158 = arith.constant 80 : index
      %get3A_2159 = tpu.vector_load %arg8[%get3A_2155, %get3A_2156, %get3A_2157, %get3A_2158] {strides = array<i32>} : memref<2x2x4x128xf32, #tpu.memory_space<vmem>>, vector<1x1x1x16xf32>,
      %get3A_2160 = vector.shape_cast %get3A_2159 : vector<1x1x1x16xf32> to vector<16xf32>
      %add3A_2161 = arith.addf %get3A_2151, %get3A_2160 : vector<16xf32>
      %swap3A_2162 = arith.constant 336 : index
      %swap3A_2163 = tpu.vector_load %arg10[%swap3A_2162] {strides = array<i32>} : memref<512xf32, #tpu.memory_space<vmem>>, vector<16xf32>,
      %swap3A_2164 = vector.shape_cast %swap3A_2163 : vector<16xf32> to vector<16xf32>
      %swap3A_2165 = vector.shape_cast %add3A_2161 : vector<16xf32> to vector<16xf32>
      tpu.vector_store %arg10[%swap3A_2162], %swap3A_2165 {strides = array<i32>} : memref<512xf32, #tpu.memory_space<vmem>>, vector<16xf32>,
      %get3A_2166 = arith.constant 352 : index
      %get3A_2167 = tpu.vector_load %arg9[%get3A_2166] {strides = array<i32>} : memref<512xf32, #tpu.memory_space<vmem>>, vector<16xf32>,
      %get3A_2168 = vector.shape_cast %get3A_2167 : vector<16xf32> to vector<16xf32>
      %get3A_2169 = arith.constant 1 : i32
      %get3A_2170 = arith.constant 0 : i32
      %get3A_2171 = arith.constant 2 : i32
      %get3A_2172 = arith.index_cast %get3A_2169 : i32 to index
      %get3A_2173 = arith.index_cast %get3A_2170 : i32 to index
      %get3A_2174 = arith.index_cast %get3A_2171 : i32 to index
      %get3A_2175 = arith.constant 96 : index
      %get3A_2176 = tpu.vector_load %arg8[%get3A_2172, %get3A_2173, %get3A_2174, %get3A_2175] {strides = array<i32>} : memref<2x2x4x128xf32, #tpu.memory_space<vmem>>, vector<1x1x1x16xf32>,
      %get3A_2177 = vector.shape_cast %get3A_2176 : vector<1x1x1x16xf32> to vector<16xf32>
      %add3A_2178 = arith.addf %get3A_2168, %get3A_2177 : vector<16xf32>
      %swap3A_2179 = arith.constant 352 : index
      %swap3A_2180 = tpu.vector_load %arg9[%swap3A_2179] {strides = array<i32>} : memref<512xf32, #tpu.memory_space<vmem>>, vector<16xf32>,
      %swap3A_2181 = vector.shape_cast %swap3A_2180 : vector<16xf32> to vector<16xf32>
      %swap3A_2182 = vector.shape_cast %add3A_2178 : vector<16xf32> to vector<16xf32>
      tpu.vector_store %arg9[%swap3A_2179], %swap3A_2182 {strides = array<i32>} : memref<512xf32, #tpu.memory_space<vmem>>, vector<16xf32>,
      %get3A_2183 = arith.constant 352 : index
      %get3A_2184 = tpu.vector_load %arg10[%get3A_2183] {strides = array<i32>} : memref<512xf32, #tpu.memory_space<vmem>>, vector<16xf32>,
      %get3A_2185 = vector.shape_cast %get3A_2184 : vector<16xf32> to vector<16xf32>
      %get3A_2186 = arith.constant 1 : i32
      %get3A_2187 = arith.constant 1 : i32
      %get3A_2188 = arith.constant 2 : i32
      %get3A_2189 = arith.index_cast %get3A_2186 : i32 to index
      %get3A_2190 = arith.index_cast %get3A_2187 : i32 to index
      %get3A_2191 = arith.index_cast %get3A_2188 : i32 to index
      %get3A_2192 = arith.constant 96 : index
      %get3A_2193 = tpu.vector_load %arg8[%get3A_2189, %get3A_2190, %get3A_2191, %get3A_2192] {strides = array<i32>} : memref<2x2x4x128xf32, #tpu.memory_space<vmem>>, vector<1x1x1x16xf32>,
      %get3A_2194 = vector.shape_cast %get3A_2193 : vector<1x1x1x16xf32> to vector<16xf32>
      %add3A_2195 = arith.addf %get3A_2185, %get3A_2194 : vector<16xf32>
      %swap3A_2196 = arith.constant 352 : index
      %swap3A_2197 = tpu.vector_load %arg10[%swap3A_2196] {strides = array<i32>} : memref<512xf32, #tpu.memory_space<vmem>>, vector<16xf32>,
      %swap3A_2198 = vector.shape_cast %swap3A_2197 : vector<16xf32> to vector<16xf32>
      %swap3A_2199 = vector.shape_cast %add3A_2195 : vector<16xf32> to vector<16xf32>
      tpu.vector_store %arg10[%swap3A_2196], %swap3A_2199 {strides = array<i32>} : memref<512xf32, #tpu.memory_space<vmem>>, vector<16xf32>,
      %get3A_2200 = arith.constant 368 : index
      %get3A_2201 = tpu.vector_load %arg9[%get3A_2200] {strides = array<i32>} : memref<512xf32, #tpu.memory_space<vmem>>, vector<16xf32>,
      %get3A_2202 = vector.shape_cast %get3A_2201 : vector<16xf32> to vector<16xf32>
      %get3A_2203 = arith.constant 1 : i32
      %get3A_2204 = arith.constant 0 : i32
      %get3A_2205 = arith.constant 2 : i32
      %get3A_2206 = arith.index_cast %get3A_2203 : i32 to index
      %get3A_2207 = arith.index_cast %get3A_2204 : i32 to index
      %get3A_2208 = arith.index_cast %get3A_2205 : i32 to index
      %get3A_2209 = arith.constant 112 : index
      %get3A_2210 = tpu.vector_load %arg8[%get3A_2206, %get3A_2207, %get3A_2208, %get3A_2209] {strides = array<i32>} : memref<2x2x4x128xf32, #tpu.memory_space<vmem>>, vector<1x1x1x16xf32>,
      %get3A_2211 = vector.shape_cast %get3A_2210 : vector<1x1x1x16xf32> to vector<16xf32>
      %add3A_2212 = arith.addf %get3A_2202, %get3A_2211 : vector<16xf32>
      %swap3A_2213 = arith.constant 368 : index
      %swap3A_2214 = tpu.vector_load %arg9[%swap3A_2213] {strides = array<i32>} : memref<512xf32, #tpu.memory_space<vmem>>, vector<16xf32>,
      %swap3A_2215 = vector.shape_cast %swap3A_2214 : vector<16xf32> to vector<16xf32>
      %swap3A_2216 = vector.shape_cast %add3A_2212 : vector<16xf32> to vector<16xf32>
      tpu.vector_store %arg9[%swap3A_2213], %swap3A_2216 {strides = array<i32>} : memref<512xf32, #tpu.memory_space<vmem>>, vector<16xf32>,
      %get3A_2217 = arith.constant 368 : index
      %get3A_2218 = tpu.vector_load %arg10[%get3A_2217] {strides = array<i32>} : memref<512xf32, #tpu.memory_space<vmem>>, vector<16xf32>,
      %get3A_2219 = vector.shape_cast %get3A_2218 : vector<16xf32> to vector<16xf32>
      %get3A_2220 = arith.constant 1 : i32
      %get3A_2221 = arith.constant 1 : i32
      %get3A_2222 = arith.constant 2 : i32
      %get3A_2223 = arith.index_cast %get3A_2220 : i32 to index
      %get3A_2224 = arith.index_cast %get3A_2221 : i32 to index
      %get3A_2225 = arith.index_cast %get3A_2222 : i32 to index
      %get3A_2226 = arith.constant 112 : index
      %get3A_2227 = tpu.vector_load %arg8[%get3A_2223, %get3A_2224, %get3A_2225, %get3A_2226] {strides = array<i32>} : memref<2x2x4x128xf32, #tpu.memory_space<vmem>>, vector<1x1x1x16xf32>,
      %get3A_2228 = vector.shape_cast %get3A_2227 : vector<1x1x1x16xf32> to vector<16xf32>
      %add3A_2229 = arith.addf %get3A_2219, %get3A_2228 : vector<16xf32>
      %swap3A_2230 = arith.constant 368 : index
      %swap3A_2231 = tpu.vector_load %arg10[%swap3A_2230] {strides = array<i32>} : memref<512xf32, #tpu.memory_space<vmem>>, vector<16xf32>,
      %swap3A_2232 = vector.shape_cast %swap3A_2231 : vector<16xf32> to vector<16xf32>
      %swap3A_2233 = vector.shape_cast %add3A_2229 : vector<16xf32> to vector<16xf32>
      tpu.vector_store %arg10[%swap3A_2230], %swap3A_2233 {strides = array<i32>} : memref<512xf32, #tpu.memory_space<vmem>>, vector<16xf32>,
      %get3A_2234 = arith.constant 384 : index
      %get3A_2235 = tpu.vector_load %arg9[%get3A_2234] {strides = array<i32>} : memref<512xf32, #tpu.memory_space<vmem>>, vector<16xf32>,
      %get3A_2236 = vector.shape_cast %get3A_2235 : vector<16xf32> to vector<16xf32>
      %get3A_2237 = arith.constant 1 : i32
      %get3A_2238 = arith.constant 0 : i32
      %get3A_2239 = arith.constant 3 : i32
      %get3A_2240 = arith.index_cast %get3A_2237 : i32 to index
      %get3A_2241 = arith.index_cast %get3A_2238 : i32 to index
      %get3A_2242 = arith.index_cast %get3A_2239 : i32 to index
      %get3A_2243 = arith.constant 0 : index
      %get3A_2244 = tpu.vector_load %arg8[%get3A_2240, %get3A_2241, %get3A_2242, %get3A_2243] {strides = array<i32>} : memref<2x2x4x128xf32, #tpu.memory_space<vmem>>, vector<1x1x1x16xf32>,
      %get3A_2245 = vector.shape_cast %get3A_2244 : vector<1x1x1x16xf32> to vector<16xf32>
      %add3A_2246 = arith.addf %get3A_2236, %get3A_2245 : vector<16xf32>
      %swap3A_2247 = arith.constant 384 : index
      %swap3A_2248 = tpu.vector_load %arg9[%swap3A_2247] {strides = array<i32>} : memref<512xf32, #tpu.memory_space<vmem>>, vector<16xf32>,
      %swap3A_2249 = vector.shape_cast %swap3A_2248 : vector<16xf32> to vector<16xf32>
      %swap3A_2250 = vector.shape_cast %add3A_2246 : vector<16xf32> to vector<16xf32>
      tpu.vector_store %arg9[%swap3A_2247], %swap3A_2250 {strides = array<i32>} : memref<512xf32, #tpu.memory_space<vmem>>, vector<16xf32>,
      %get3A_2251 = arith.constant 384 : index
      %get3A_2252 = tpu.vector_load %arg10[%get3A_2251] {strides = array<i32>} : memref<512xf32, #tpu.memory_space<vmem>>, vector<16xf32>,
      %get3A_2253 = vector.shape_cast %get3A_2252 : vector<16xf32> to vector<16xf32>
      %get3A_2254 = arith.constant 1 : i32
      %get3A_2255 = arith.constant 1 : i32
      %get3A_2256 = arith.constant 3 : i32
      %get3A_2257 = arith.index_cast %get3A_2254 : i32 to index
      %get3A_2258 = arith.index_cast %get3A_2255 : i32 to index
      %get3A_2259 = arith.index_cast %get3A_2256 : i32 to index
      %get3A_2260 = arith.constant 0 : index
      %get3A_2261 = tpu.vector_load %arg8[%get3A_2257, %get3A_2258, %get3A_2259, %get3A_2260] {strides = array<i32>} : memref<2x2x4x128xf32, #tpu.memory_space<vmem>>, vector<1x1x1x16xf32>,
      %get3A_2262 = vector.shape_cast %get3A_2261 : vector<1x1x1x16xf32> to vector<16xf32>
      %add3A_2263 = arith.addf %get3A_2253, %get3A_2262 : vector<16xf32>
      %swap3A_2264 = arith.constant 384 : index
      %swap3A_2265 = tpu.vector_load %arg10[%swap3A_2264] {strides = array<i32>} : memref<512xf32, #tpu.memory_space<vmem>>, vector<16xf32>,
      %swap3A_2266 = vector.shape_cast %swap3A_2265 : vector<16xf32> to vector<16xf32>
      %swap3A_2267 = vector.shape_cast %add3A_2263 : vector<16xf32> to vector<16xf32>
      tpu.vector_store %arg10[%swap3A_2264], %swap3A_2267 {strides = array<i32>} : memref<512xf32, #tpu.memory_space<vmem>>, vector<16xf32>,
      %get3A_2268 = arith.constant 400 : index
      %get3A_2269 = tpu.vector_load %arg9[%get3A_2268] {strides = array<i32>} : memref<512xf32, #tpu.memory_space<vmem>>, vector<16xf32>,
      %get3A_2270 = vector.shape_cast %get3A_2269 : vector<16xf32> to vector<16xf32>
      %get3A_2271 = arith.constant 1 : i32
      %get3A_2272 = arith.constant 0 : i32
      %get3A_2273 = arith.constant 3 : i32
      %get3A_2274 = arith.index_cast %get3A_2271 : i32 to index
      %get3A_2275 = arith.index_cast %get3A_2272 : i32 to index
      %get3A_2276 = arith.index_cast %get3A_2273 : i32 to index
      %get3A_2277 = arith.constant 16 : index
      %get3A_2278 = tpu.vector_load %arg8[%get3A_2274, %get3A_2275, %get3A_2276, %get3A_2277] {strides = array<i32>} : memref<2x2x4x128xf32, #tpu.memory_space<vmem>>, vector<1x1x1x16xf32>,
      %get3A_2279 = vector.shape_cast %get3A_2278 : vector<1x1x1x16xf32> to vector<16xf32>
      %add3A_2280 = arith.addf %get3A_2270, %get3A_2279 : vector<16xf32>
      %swap3A_2281 = arith.constant 400 : index
      %swap3A_2282 = tpu.vector_load %arg9[%swap3A_2281] {strides = array<i32>} : memref<512xf32, #tpu.memory_space<vmem>>, vector<16xf32>,
      %swap3A_2283 = vector.shape_cast %swap3A_2282 : vector<16xf32> to vector<16xf32>
      %swap3A_2284 = vector.shape_cast %add3A_2280 : vector<16xf32> to vector<16xf32>
      tpu.vector_store %arg9[%swap3A_2281], %swap3A_2284 {strides = array<i32>} : memref<512xf32, #tpu.memory_space<vmem>>, vector<16xf32>,
      %get3A_2285 = arith.constant 400 : index
      %get3A_2286 = tpu.vector_load %arg10[%get3A_2285] {strides = array<i32>} : memref<512xf32, #tpu.memory_space<vmem>>, vector<16xf32>,
      %get3A_2287 = vector.shape_cast %get3A_2286 : vector<16xf32> to vector<16xf32>
      %get3A_2288 = arith.constant 1 : i32
      %get3A_2289 = arith.constant 1 : i32
      %get3A_2290 = arith.constant 3 : i32
      %get3A_2291 = arith.index_cast %get3A_2288 : i32 to index
      %get3A_2292 = arith.index_cast %get3A_2289 : i32 to index
      %get3A_2293 = arith.index_cast %get3A_2290 : i32 to index
      %get3A_2294 = arith.constant 16 : index
      %get3A_2295 = tpu.vector_load %arg8[%get3A_2291, %get3A_2292, %get3A_2293, %get3A_2294] {strides = array<i32>} : memref<2x2x4x128xf32, #tpu.memory_space<vmem>>, vector<1x1x1x16xf32>,
      %get3A_2296 = vector.shape_cast %get3A_2295 : vector<1x1x1x16xf32> to vector<16xf32>
      %add3A_2297 = arith.addf %get3A_2287, %get3A_2296 : vector<16xf32>
      %swap3A_2298 = arith.constant 400 : index
      %swap3A_2299 = tpu.vector_load %arg10[%swap3A_2298] {strides = array<i32>} : memref<512xf32, #tpu.memory_space<vmem>>, vector<16xf32>,
      %swap3A_2300 = vector.shape_cast %swap3A_2299 : vector<16xf32> to vector<16xf32>
      %swap3A_2301 = vector.shape_cast %add3A_2297 : vector<16xf32> to vector<16xf32>
      tpu.vector_store %arg10[%swap3A_2298], %swap3A_2301 {strides = array<i32>} : memref<512xf32, #tpu.memory_space<vmem>>, vector<16xf32>,
      %get3A_2302 = arith.constant 416 : index
      %get3A_2303 = tpu.vector_load %arg9[%get3A_2302] {strides = array<i32>} : memref<512xf32, #tpu.memory_space<vmem>>, vector<16xf32>,
      %get3A_2304 = vector.shape_cast %get3A_2303 : vector<16xf32> to vector<16xf32>
      %get3A_2305 = arith.constant 1 : i32
      %get3A_2306 = arith.constant 0 : i32
      %get3A_2307 = arith.constant 3 : i32
      %get3A_2308 = arith.index_cast %get3A_2305 : i32 to index
      %get3A_2309 = arith.index_cast %get3A_2306 : i32 to index
      %get3A_2310 = arith.index_cast %get3A_2307 : i32 to index
      %get3A_2311 = arith.constant 32 : index
      %get3A_2312 = tpu.vector_load %arg8[%get3A_2308, %get3A_2309, %get3A_2310, %get3A_2311] {strides = array<i32>} : memref<2x2x4x128xf32, #tpu.memory_space<vmem>>, vector<1x1x1x16xf32>,
      %get3A_2313 = vector.shape_cast %get3A_2312 : vector<1x1x1x16xf32> to vector<16xf32>
      %add3A_2314 = arith.addf %get3A_2304, %get3A_2313 : vector<16xf32>
      %swap3A_2315 = arith.constant 416 : index
      %swap3A_2316 = tpu.vector_load %arg9[%swap3A_2315] {strides = array<i32>} : memref<512xf32, #tpu.memory_space<vmem>>, vector<16xf32>,
      %swap3A_2317 = vector.shape_cast %swap3A_2316 : vector<16xf32> to vector<16xf32>
      %swap3A_2318 = vector.shape_cast %add3A_2314 : vector<16xf32> to vector<16xf32>
      tpu.vector_store %arg9[%swap3A_2315], %swap3A_2318 {strides = array<i32>} : memref<512xf32, #tpu.memory_space<vmem>>, vector<16xf32>,
      %get3A_2319 = arith.constant 416 : index
      %get3A_2320 = tpu.vector_load %arg10[%get3A_2319] {strides = array<i32>} : memref<512xf32, #tpu.memory_space<vmem>>, vector<16xf32>,
      %get3A_2321 = vector.shape_cast %get3A_2320 : vector<16xf32> to vector<16xf32>
      %get3A_2322 = arith.constant 1 : i32
      %get3A_2323 = arith.constant 1 : i32
      %get3A_2324 = arith.constant 3 : i32
      %get3A_2325 = arith.index_cast %get3A_2322 : i32 to index
      %get3A_2326 = arith.index_cast %get3A_2323 : i32 to index
      %get3A_2327 = arith.index_cast %get3A_2324 : i32 to index
      %get3A_2328 = arith.constant 32 : index
      %get3A_2329 = tpu.vector_load %arg8[%get3A_2325, %get3A_2326, %get3A_2327, %get3A_2328] {strides = array<i32>} : memref<2x2x4x128xf32, #tpu.memory_space<vmem>>, vector<1x1x1x16xf32>,
      %get3A_2330 = vector.shape_cast %get3A_2329 : vector<1x1x1x16xf32> to vector<16xf32>
      %add3A_2331 = arith.addf %get3A_2321, %get3A_2330 : vector<16xf32>
      %swap3A_2332 = arith.constant 416 : index
      %swap3A_2333 = tpu.vector_load %arg10[%swap3A_2332] {strides = array<i32>} : memref<512xf32, #tpu.memory_space<vmem>>, vector<16xf32>,
      %swap3A_2334 = vector.shape_cast %swap3A_2333 : vector<16xf32> to vector<16xf32>
      %swap3A_2335 = vector.shape_cast %add3A_2331 : vector<16xf32> to vector<16xf32>
      tpu.vector_store %arg10[%swap3A_2332], %swap3A_2335 {strides = array<i32>} : memref<512xf32, #tpu.memory_space<vmem>>, vector<16xf32>,
      %get3A_2336 = arith.constant 432 : index
      %get3A_2337 = tpu.vector_load %arg9[%get3A_2336] {strides = array<i32>} : memref<512xf32, #tpu.memory_space<vmem>>, vector<16xf32>,
      %get3A_2338 = vector.shape_cast %get3A_2337 : vector<16xf32> to vector<16xf32>
      %get3A_2339 = arith.constant 1 : i32
      %get3A_2340 = arith.constant 0 : i32
      %get3A_2341 = arith.constant 3 : i32
      %get3A_2342 = arith.index_cast %get3A_2339 : i32 to index
      %get3A_2343 = arith.index_cast %get3A_2340 : i32 to index
      %get3A_2344 = arith.index_cast %get3A_2341 : i32 to index
      %get3A_2345 = arith.constant 48 : index
      %get3A_2346 = tpu.vector_load %arg8[%get3A_2342, %get3A_2343, %get3A_2344, %get3A_2345] {strides = array<i32>} : memref<2x2x4x128xf32, #tpu.memory_space<vmem>>, vector<1x1x1x16xf32>,
      %get3A_2347 = vector.shape_cast %get3A_2346 : vector<1x1x1x16xf32> to vector<16xf32>
      %add3A_2348 = arith.addf %get3A_2338, %get3A_2347 : vector<16xf32>
      %swap3A_2349 = arith.constant 432 : index
      %swap3A_2350 = tpu.vector_load %arg9[%swap3A_2349] {strides = array<i32>} : memref<512xf32, #tpu.memory_space<vmem>>, vector<16xf32>,
      %swap3A_2351 = vector.shape_cast %swap3A_2350 : vector<16xf32> to vector<16xf32>
      %swap3A_2352 = vector.shape_cast %add3A_2348 : vector<16xf32> to vector<16xf32>
      tpu.vector_store %arg9[%swap3A_2349], %swap3A_2352 {strides = array<i32>} : memref<512xf32, #tpu.memory_space<vmem>>, vector<16xf32>,
      %get3A_2353 = arith.constant 432 : index
      %get3A_2354 = tpu.vector_load %arg10[%get3A_2353] {strides = array<i32>} : memref<512xf32, #tpu.memory_space<vmem>>, vector<16xf32>,
      %get3A_2355 = vector.shape_cast %get3A_2354 : vector<16xf32> to vector<16xf32>
      %get3A_2356 = arith.constant 1 : i32
      %get3A_2357 = arith.constant 1 : i32
      %get3A_2358 = arith.constant 3 : i32
      %get3A_2359 = arith.index_cast %get3A_2356 : i32 to index
      %get3A_2360 = arith.index_cast %get3A_2357 : i32 to index
      %get3A_2361 = arith.index_cast %get3A_2358 : i32 to index
      %get3A_2362 = arith.constant 48 : index
      %get3A_2363 = tpu.vector_load %arg8[%get3A_2359, %get3A_2360, %get3A_2361, %get3A_2362] {strides = array<i32>} : memref<2x2x4x128xf32, #tpu.memory_space<vmem>>, vector<1x1x1x16xf32>,
      %get3A_2364 = vector.shape_cast %get3A_2363 : vector<1x1x1x16xf32> to vector<16xf32>
      %add3A_2365 = arith.addf %get3A_2355, %get3A_2364 : vector<16xf32>
      %swap3A_2366 = arith.constant 432 : index
      %swap3A_2367 = tpu.vector_load %arg10[%swap3A_2366] {strides = array<i32>} : memref<512xf32, #tpu.memory_space<vmem>>, vector<16xf32>,
      %swap3A_2368 = vector.shape_cast %swap3A_2367 : vector<16xf32> to vector<16xf32>
      %swap3A_2369 = vector.shape_cast %add3A_2365 : vector<16xf32> to vector<16xf32>
      tpu.vector_store %arg10[%swap3A_2366], %swap3A_2369 {strides = array<i32>} : memref<512xf32, #tpu.memory_space<vmem>>, vector<16xf32>,
      %get3A_2370 = arith.constant 448 : index
      %get3A_2371 = tpu.vector_load %arg9[%get3A_2370] {strides = array<i32>} : memref<512xf32, #tpu.memory_space<vmem>>, vector<16xf32>,
      %get3A_2372 = vector.shape_cast %get3A_2371 : vector<16xf32> to vector<16xf32>
      %get3A_2373 = arith.constant 1 : i32
      %get3A_2374 = arith.constant 0 : i32
      %get3A_2375 = arith.constant 3 : i32
      %get3A_2376 = arith.index_cast %get3A_2373 : i32 to index
      %get3A_2377 = arith.index_cast %get3A_2374 : i32 to index
      %get3A_2378 = arith.index_cast %get3A_2375 : i32 to index
      %get3A_2379 = arith.constant 64 : index
      %get3A_2380 = tpu.vector_load %arg8[%get3A_2376, %get3A_2377, %get3A_2378, %get3A_2379] {strides = array<i32>} : memref<2x2x4x128xf32, #tpu.memory_space<vmem>>, vector<1x1x1x16xf32>,
      %get3A_2381 = vector.shape_cast %get3A_2380 : vector<1x1x1x16xf32> to vector<16xf32>
      %add3A_2382 = arith.addf %get3A_2372, %get3A_2381 : vector<16xf32>
      %swap3A_2383 = arith.constant 448 : index
      %swap3A_2384 = tpu.vector_load %arg9[%swap3A_2383] {strides = array<i32>} : memref<512xf32, #tpu.memory_space<vmem>>, vector<16xf32>,
      %swap3A_2385 = vector.shape_cast %swap3A_2384 : vector<16xf32> to vector<16xf32>
      %swap3A_2386 = vector.shape_cast %add3A_2382 : vector<16xf32> to vector<16xf32>
      tpu.vector_store %arg9[%swap3A_2383], %swap3A_2386 {strides = array<i32>} : memref<512xf32, #tpu.memory_space<vmem>>, vector<16xf32>,
      %get3A_2387 = arith.constant 448 : index
      %get3A_2388 = tpu.vector_load %arg10[%get3A_2387] {strides = array<i32>} : memref<512xf32, #tpu.memory_space<vmem>>, vector<16xf32>,
      %get3A_2389 = vector.shape_cast %get3A_2388 : vector<16xf32> to vector<16xf32>
      %get3A_2390 = arith.constant 1 : i32
      %get3A_2391 = arith.constant 1 : i32
      %get3A_2392 = arith.constant 3 : i32
      %get3A_2393 = arith.index_cast %get3A_2390 : i32 to index
      %get3A_2394 = arith.index_cast %get3A_2391 : i32 to index
      %get3A_2395 = arith.index_cast %get3A_2392 : i32 to index
      %get3A_2396 = arith.constant 64 : index
      %get3A_2397 = tpu.vector_load %arg8[%get3A_2393, %get3A_2394, %get3A_2395, %get3A_2396] {strides = array<i32>} : memref<2x2x4x128xf32, #tpu.memory_space<vmem>>, vector<1x1x1x16xf32>,
      %get3A_2398 = vector.shape_cast %get3A_2397 : vector<1x1x1x16xf32> to vector<16xf32>
      %add3A_2399 = arith.addf %get3A_2389, %get3A_2398 : vector<16xf32>
      %swap3A_2400 = arith.constant 448 : index
      %swap3A_2401 = tpu.vector_load %arg10[%swap3A_2400] {strides = array<i32>} : memref<512xf32, #tpu.memory_space<vmem>>, vector<16xf32>,
      %swap3A_2402 = vector.shape_cast %swap3A_2401 : vector<16xf32> to vector<16xf32>
      %swap3A_2403 = vector.shape_cast %add3A_2399 : vector<16xf32> to vector<16xf32>
      tpu.vector_store %arg10[%swap3A_2400], %swap3A_2403 {strides = array<i32>} : memref<512xf32, #tpu.memory_space<vmem>>, vector<16xf32>,
      %get3A_2404 = arith.constant 464 : index
      %get3A_2405 = tpu.vector_load %arg9[%get3A_2404] {strides = array<i32>} : memref<512xf32, #tpu.memory_space<vmem>>, vector<16xf32>,
      %get3A_2406 = vector.shape_cast %get3A_2405 : vector<16xf32> to vector<16xf32>
      %get3A_2407 = arith.constant 1 : i32
      %get3A_2408 = arith.constant 0 : i32
      %get3A_2409 = arith.constant 3 : i32
      %get3A_2410 = arith.index_cast %get3A_2407 : i32 to index
      %get3A_2411 = arith.index_cast %get3A_2408 : i32 to index
      %get3A_2412 = arith.index_cast %get3A_2409 : i32 to index
      %get3A_2413 = arith.constant 80 : index
      %get3A_2414 = tpu.vector_load %arg8[%get3A_2410, %get3A_2411, %get3A_2412, %get3A_2413] {strides = array<i32>} : memref<2x2x4x128xf32, #tpu.memory_space<vmem>>, vector<1x1x1x16xf32>,
      %get3A_2415 = vector.shape_cast %get3A_2414 : vector<1x1x1x16xf32> to vector<16xf32>
      %add3A_2416 = arith.addf %get3A_2406, %get3A_2415 : vector<16xf32>
      %swap3A_2417 = arith.constant 464 : index
      %swap3A_2418 = tpu.vector_load %arg9[%swap3A_2417] {strides = array<i32>} : memref<512xf32, #tpu.memory_space<vmem>>, vector<16xf32>,
      %swap3A_2419 = vector.shape_cast %swap3A_2418 : vector<16xf32> to vector<16xf32>
      %swap3A_2420 = vector.shape_cast %add3A_2416 : vector<16xf32> to vector<16xf32>
      tpu.vector_store %arg9[%swap3A_2417], %swap3A_2420 {strides = array<i32>} : memref<512xf32, #tpu.memory_space<vmem>>, vector<16xf32>,
      %get3A_2421 = arith.constant 464 : index
      %get3A_2422 = tpu.vector_load %arg10[%get3A_2421] {strides = array<i32>} : memref<512xf32, #tpu.memory_space<vmem>>, vector<16xf32>,
      %get3A_2423 = vector.shape_cast %get3A_2422 : vector<16xf32> to vector<16xf32>
      %get3A_2424 = arith.constant 1 : i32
      %get3A_2425 = arith.constant 1 : i32
      %get3A_2426 = arith.constant 3 : i32
      %get3A_2427 = arith.index_cast %get3A_2424 : i32 to index
      %get3A_2428 = arith.index_cast %get3A_2425 : i32 to index
      %get3A_2429 = arith.index_cast %get3A_2426 : i32 to index
      %get3A_2430 = arith.constant 80 : index
      %get3A_2431 = tpu.vector_load %arg8[%get3A_2427, %get3A_2428, %get3A_2429, %get3A_2430] {strides = array<i32>} : memref<2x2x4x128xf32, #tpu.memory_space<vmem>>, vector<1x1x1x16xf32>,
      %get3A_2432 = vector.shape_cast %get3A_2431 : vector<1x1x1x16xf32> to vector<16xf32>
      %add3A_2433 = arith.addf %get3A_2423, %get3A_2432 : vector<16xf32>
      %swap3A_2434 = arith.constant 464 : index
      %swap3A_2435 = tpu.vector_load %arg10[%swap3A_2434] {strides = array<i32>} : memref<512xf32, #tpu.memory_space<vmem>>, vector<16xf32>,
      %swap3A_2436 = vector.shape_cast %swap3A_2435 : vector<16xf32> to vector<16xf32>
      %swap3A_2437 = vector.shape_cast %add3A_2433 : vector<16xf32> to vector<16xf32>
      tpu.vector_store %arg10[%swap3A_2434], %swap3A_2437 {strides = array<i32>} : memref<512xf32, #tpu.memory_space<vmem>>, vector<16xf32>,
      %get3A_2438 = arith.constant 480 : index
      %get3A_2439 = tpu.vector_load %arg9[%get3A_2438] {strides = array<i32>} : memref<512xf32, #tpu.memory_space<vmem>>, vector<16xf32>,
      %get3A_2440 = vector.shape_cast %get3A_2439 : vector<16xf32> to vector<16xf32>
      %get3A_2441 = arith.constant 1 : i32
      %get3A_2442 = arith.constant 0 : i32
      %get3A_2443 = arith.constant 3 : i32
      %get3A_2444 = arith.index_cast %get3A_2441 : i32 to index
      %get3A_2445 = arith.index_cast %get3A_2442 : i32 to index
      %get3A_2446 = arith.index_cast %get3A_2443 : i32 to index
      %get3A_2447 = arith.constant 96 : index
      %get3A_2448 = tpu.vector_load %arg8[%get3A_2444, %get3A_2445, %get3A_2446, %get3A_2447] {strides = array<i32>} : memref<2x2x4x128xf32, #tpu.memory_space<vmem>>, vector<1x1x1x16xf32>,
      %get3A_2449 = vector.shape_cast %get3A_2448 : vector<1x1x1x16xf32> to vector<16xf32>
      %add3A_2450 = arith.addf %get3A_2440, %get3A_2449 : vector<16xf32>
      %swap3A_2451 = arith.constant 480 : index
      %swap3A_2452 = tpu.vector_load %arg9[%swap3A_2451] {strides = array<i32>} : memref<512xf32, #tpu.memory_space<vmem>>, vector<16xf32>,
      %swap3A_2453 = vector.shape_cast %swap3A_2452 : vector<16xf32> to vector<16xf32>
      %swap3A_2454 = vector.shape_cast %add3A_2450 : vector<16xf32> to vector<16xf32>
      tpu.vector_store %arg9[%swap3A_2451], %swap3A_2454 {strides = array<i32>} : memref<512xf32, #tpu.memory_space<vmem>>, vector<16xf32>,
      %get3A_2455 = arith.constant 480 : index
      %get3A_2456 = tpu.vector_load %arg10[%get3A_2455] {strides = array<i32>} : memref<512xf32, #tpu.memory_space<vmem>>, vector<16xf32>,
      %get3A_2457 = vector.shape_cast %get3A_2456 : vector<16xf32> to vector<16xf32>
      %get3A_2458 = arith.constant 1 : i32
      %get3A_2459 = arith.constant 1 : i32
      %get3A_2460 = arith.constant 3 : i32
      %get3A_2461 = arith.index_cast %get3A_2458 : i32 to index
      %get3A_2462 = arith.index_cast %get3A_2459 : i32 to index
      %get3A_2463 = arith.index_cast %get3A_2460 : i32 to index
      %get3A_2464 = arith.constant 96 : index
      %get3A_2465 = tpu.vector_load %arg8[%get3A_2461, %get3A_2462, %get3A_2463, %get3A_2464] {strides = array<i32>} : memref<2x2x4x128xf32, #tpu.memory_space<vmem>>, vector<1x1x1x16xf32>,
      %get3A_2466 = vector.shape_cast %get3A_2465 : vector<1x1x1x16xf32> to vector<16xf32>
      %add3A_2467 = arith.addf %get3A_2457, %get3A_2466 : vector<16xf32>
      %swap3A_2468 = arith.constant 480 : index
      %swap3A_2469 = tpu.vector_load %arg10[%swap3A_2468] {strides = array<i32>} : memref<512xf32, #tpu.memory_space<vmem>>, vector<16xf32>,
      %swap3A_2470 = vector.shape_cast %swap3A_2469 : vector<16xf32> to vector<16xf32>
      %swap3A_2471 = vector.shape_cast %add3A_2467 : vector<16xf32> to vector<16xf32>
      tpu.vector_store %arg10[%swap3A_2468], %swap3A_2471 {strides = array<i32>} : memref<512xf32, #tpu.memory_space<vmem>>, vector<16xf32>,
      %get3A_2472 = arith.constant 496 : index
      %get3A_2473 = tpu.vector_load %arg9[%get3A_2472] {strides = array<i32>} : memref<512xf32, #tpu.memory_space<vmem>>, vector<16xf32>,
      %get3A_2474 = vector.shape_cast %get3A_2473 : vector<16xf32> to vector<16xf32>
      %get3A_2475 = arith.constant 1 : i32
      %get3A_2476 = arith.constant 0 : i32
      %get3A_2477 = arith.constant 3 : i32
      %get3A_2478 = arith.index_cast %get3A_2475 : i32 to index
      %get3A_2479 = arith.index_cast %get3A_2476 : i32 to index
      %get3A_2480 = arith.index_cast %get3A_2477 : i32 to index
      %get3A_2481 = arith.constant 112 : index
      %get3A_2482 = tpu.vector_load %arg8[%get3A_2478, %get3A_2479, %get3A_2480, %get3A_2481] {strides = array<i32>} : memref<2x2x4x128xf32, #tpu.memory_space<vmem>>, vector<1x1x1x16xf32>,
      %get3A_2483 = vector.shape_cast %get3A_2482 : vector<1x1x1x16xf32> to vector<16xf32>
      %add3A_2484 = arith.addf %get3A_2474, %get3A_2483 : vector<16xf32>
      %swap3A_2485 = arith.constant 496 : index
      %swap3A_2486 = tpu.vector_load %arg9[%swap3A_2485] {strides = array<i32>} : memref<512xf32, #tpu.memory_space<vmem>>, vector<16xf32>,
      %swap3A_2487 = vector.shape_cast %swap3A_2486 : vector<16xf32> to vector<16xf32>
      %swap3A_2488 = vector.shape_cast %add3A_2484 : vector<16xf32> to vector<16xf32>
      tpu.vector_store %arg9[%swap3A_2485], %swap3A_2488 {strides = array<i32>} : memref<512xf32, #tpu.memory_space<vmem>>, vector<16xf32>,
      %get3A_2489 = arith.constant 496 : index
      %get3A_2490 = tpu.vector_load %arg10[%get3A_2489] {strides = array<i32>} : memref<512xf32, #tpu.memory_space<vmem>>, vector<16xf32>,
      %get3A_2491 = vector.shape_cast %get3A_2490 : vector<16xf32> to vector<16xf32>
      %get3A_2492 = arith.constant 1 : i32
      %get3A_2493 = arith.constant 1 : i32
      %get3A_2494 = arith.constant 3 : i32
      %get3A_2495 = arith.index_cast %get3A_2492 : i32 to index
      %get3A_2496 = arith.index_cast %get3A_2493 : i32 to index
      %get3A_2497 = arith.index_cast %get3A_2494 : i32 to index
      %get3A_2498 = arith.constant 112 : index
      %get3A_2499 = tpu.vector_load %arg8[%get3A_2495, %get3A_2496, %get3A_2497, %get3A_2498] {strides = array<i32>} : memref<2x2x4x128xf32, #tpu.memory_space<vmem>>, vector<1x1x1x16xf32>,
      %get3A_2500 = vector.shape_cast %get3A_2499 : vector<1x1x1x16xf32> to vector<16xf32>
      %add3A_2501 = arith.addf %get3A_2491, %get3A_2500 : vector<16xf32>
      %swap3A_2502 = arith.constant 496 : index
      %swap3A_2503 = tpu.vector_load %arg10[%swap3A_2502] {strides = array<i32>} : memref<512xf32, #tpu.memory_space<vmem>>, vector<16xf32>,
      %swap3A_2504 = vector.shape_cast %swap3A_2503 : vector<16xf32> to vector<16xf32>
      %swap3A_2505 = vector.shape_cast %add3A_2501 : vector<16xf32> to vector<16xf32>
      tpu.vector_store %arg10[%swap3A_2502], %swap3A_2505 {strides = array<i32>} : memref<512xf32, #tpu.memory_space<vmem>>, vector<16xf32>,
      %scan3A_2506 = arith.constant 0 : i32
      scf.yield %scan3A_2506 : i32
    }
    %scan3A_119 = arith.constant 25 : i32
    "tpu.region"() ({
      %run_scoped3A = tpu.sem_alloc : memref<!tpu.dma_semaphore, #tpu.memory_space<semaphore_mem>>
      %dma_start3A_120 = tpu.memref_slice %arg5[%mul3A_2] : memref<16384xf32, #tpu.memory_space<hbm>> -> memref<512xf32, #tpu.memory_space<hbm>>
      %dma_start3A_121 = tpu.memref_slice %arg5[%mul3A_2] : memref<16384xf32, #tpu.memory_space<hbm>> -> memref<512xf32, #tpu.memory_space<hbm>>
      tpu.enqueue_dma source(%arg9 : memref<512xf32, #tpu.memory_space<vmem>>) target(%dma_start3A_121 : memref<512xf32, #tpu.memory_space<hbm>>) target_semaphore(%run_scoped3A : memref<!tpu.dma_semaphore, #tpu.memory_space<semaphore_mem>>)
      %dma_wait3A = tpu.memref_slice %arg5[%mul3A_2] : memref<16384xf32, #tpu.memory_space<hbm>> -> memref<512xf32, #tpu.memory_space<hbm>>
      %dma_wait3A_122 = tpu.memref_slice %arg5[%mul3A_2] : memref<16384xf32, #tpu.memory_space<hbm>> -> memref<512xf32, #tpu.memory_space<hbm>>
      tpu.wait_dma2 semaphore(%run_scoped3A : memref<!tpu.dma_semaphore, #tpu.memory_space<semaphore_mem>>) src(%arg9 : memref<512xf32, #tpu.memory_space<vmem>>) dst(%dma_wait3A_122 : memref<512xf32, #tpu.memory_space<hbm>>)
      tpu.yield
    }) : () -> ()
    "tpu.region"() ({
      %run_scoped3A = tpu.sem_alloc : memref<!tpu.dma_semaphore, #tpu.memory_space<semaphore_mem>>
      %dma_start3A_120 = tpu.memref_slice %arg6[%mul3A_2] : memref<16384xf32, #tpu.memory_space<hbm>> -> memref<512xf32, #tpu.memory_space<hbm>>
      %dma_start3A_121 = tpu.memref_slice %arg6[%mul3A_2] : memref<16384xf32, #tpu.memory_space<hbm>> -> memref<512xf32, #tpu.memory_space<hbm>>
      tpu.enqueue_dma source(%arg10 : memref<512xf32, #tpu.memory_space<vmem>>) target(%dma_start3A_121 : memref<512xf32, #tpu.memory_space<hbm>>) target_semaphore(%run_scoped3A : memref<!tpu.dma_semaphore, #tpu.memory_space<semaphore_mem>>)
      %dma_wait3A = tpu.memref_slice %arg6[%mul3A_2] : memref<16384xf32, #tpu.memory_space<hbm>> -> memref<512xf32, #tpu.memory_space<hbm>>
      %dma_wait3A_122 = tpu.memref_slice %arg6[%mul3A_2] : memref<16384xf32, #tpu.memory_space<hbm>> -> memref<512xf32, #tpu.memory_space<hbm>>
      tpu.wait_dma2 semaphore(%run_scoped3A : memref<!tpu.dma_semaphore, #tpu.memory_space<semaphore_mem>>) src(%arg10 : memref<512xf32, #tpu.memory_space<vmem>>) dst(%dma_wait3A_122 : memref<512xf32, #tpu.memory_space<hbm>>)
      tpu.yield
    }) : () -> ()
    return
  }
}

module attributes {stable_mosaic.version = 14 : i64} {
  func.func @_proj_body(%arg0: i32, %arg1: memref<64x32768xf32, #tpu.memory_space<vmem>>, %arg2: memref<2x64xf32, #tpu.memory_space<vmem>>, %arg3: memref<2x1xf32, #tpu.memory_space<vmem>>, %arg4: memref<32768xf32, #tpu.memory_space<vmem>>, %arg5: memref<32768xf32, #tpu.memory_space<vmem>>) attributes {dimension_semantics = [#tpu.dimension_semantics<arbitrary>], iteration_bounds = array<i64: 31>, scalar_prefetch = 0 : i64, scratch_operands = 0 : i64, tpu.core_type = #tpu.core_type<tc>, window_params = [{transform_indices = @transform_0, window_bounds = array<i64: 64, 32768>}, {pipeline_mode = #tpu.pipeline_mode<synchronous>, transform_indices = @transform_1, window_bounds = array<i64: 2, 64>}, {pipeline_mode = #tpu.pipeline_mode<synchronous>, transform_indices = @transform_2, window_bounds = array<i64: 2, 1>}, {transform_indices = @transform_3, window_bounds = array<i64: 32768>}, {transform_indices = @transform_4, window_bounds = array<i64: 32768>}]} {
    %get3A = arith.constant 0 : index
    %get3A_0 = arith.constant 0 : index
    %get3A_1 = vector.load %arg1[%get3A, %get3A_0] : memref<64x32768xf32, #tpu.memory_space<vmem>>, vector<64x32768xf32>
    %get3A_2 = arith.constant 0 : index
    %get3A_3 = arith.constant 0 : index
    %get3A_4 = vector.load %arg2[%get3A_2, %get3A_3] : memref<2x64xf32, #tpu.memory_space<vmem>>, vector<2x64xf32>
    %get3A_5 = arith.constant 0 : index
    %get3A_6 = arith.constant 0 : index
    %get3A_7 = vector.load %arg3[%get3A_5, %get3A_6] : memref<2x1xf32, #tpu.memory_space<vmem>>, vector<2x1xf32>
    %slice3A = vector.extract_strided_slice %get3A_4 {offsets = [0, 0], sizes = [1, 64], strides = [1, 1]} : vector<2x64xf32> to vector<1x64xf32>
    %squeeze3A = vector.shape_cast %slice3A : vector<1x64xf32> to vector<64xf32>
    %broadcast_in_dim3A = vector.shape_cast %squeeze3A : vector<64xf32> to vector<64x1xf32>
    %mul3A = vector.broadcast %broadcast_in_dim3A : vector<64x1xf32> to vector<64x32768xf32>
    %mul3A_8 = arith.mulf %get3A_1, %mul3A : vector<64x32768xf32>
    %reduce_sum3A = arith.constant dense<0.000000e+00> : vector<32768xf32>
    %reduce_sum3A_9 = vector.multi_reduction <add>, %mul3A_8, %reduce_sum3A [0] : vector<64x32768xf32> to vector<32768xf32>
    %slice3A_10 = vector.extract_strided_slice %get3A_7 {offsets = [0, 0], sizes = [1, 1], strides = [1, 1]} : vector<2x1xf32> to vector<1x1xf32>
    %squeeze3A_11 = vector.extract %slice3A_10[0, 0] : f32 from vector<1x1xf32>
    %add3A = vector.broadcast %squeeze3A_11 : f32 to vector<32768xf32>
    %add3A_12 = arith.addf %reduce_sum3A_9, %add3A : vector<32768xf32>
    %swap3A = arith.constant 0 : index
    %swap3A_13 = vector.load %arg4[%swap3A] : memref<32768xf32, #tpu.memory_space<vmem>>, vector<32768xf32>
    tpu.vector_store %arg4[%swap3A], %add3A_12 {strides = array<i32>} : memref<32768xf32, #tpu.memory_space<vmem>>, vector<32768xf32>,
    %slice3A_14 = vector.extract_strided_slice %get3A_4 {offsets = [1, 0], sizes = [1, 64], strides = [1, 1]} : vector<2x64xf32> to vector<1x64xf32>
    %squeeze3A_15 = vector.shape_cast %slice3A_14 : vector<1x64xf32> to vector<64xf32>
    %broadcast_in_dim3A_16 = vector.shape_cast %squeeze3A_15 : vector<64xf32> to vector<64x1xf32>
    %mul3A_17 = vector.broadcast %broadcast_in_dim3A_16 : vector<64x1xf32> to vector<64x32768xf32>
    %mul3A_18 = arith.mulf %get3A_1, %mul3A_17 : vector<64x32768xf32>
    %reduce_sum3A_19 = arith.constant dense<0.000000e+00> : vector<32768xf32>
    %reduce_sum3A_20 = vector.multi_reduction <add>, %mul3A_18, %reduce_sum3A_19 [0] : vector<64x32768xf32> to vector<32768xf32>
    %slice3A_21 = vector.extract_strided_slice %get3A_7 {offsets = [1, 0], sizes = [1, 1], strides = [1, 1]} : vector<2x1xf32> to vector<1x1xf32>
    %squeeze3A_22 = vector.extract %slice3A_21[0, 0] : f32 from vector<1x1xf32>
    %add3A_23 = vector.broadcast %squeeze3A_22 : f32 to vector<32768xf32>
    %add3A_24 = arith.addf %reduce_sum3A_20, %add3A_23 : vector<32768xf32>
    %swap3A_25 = arith.constant 0 : index
    %swap3A_26 = vector.load %arg5[%swap3A_25] : memref<32768xf32, #tpu.memory_space<vmem>>, vector<32768xf32>
    tpu.vector_store %arg5[%swap3A_25], %add3A_24 {strides = array<i32>} : memref<32768xf32, #tpu.memory_space<vmem>>, vector<32768xf32>,
    return
  }
  func.func @transform_0(%arg0: i32) -> (i32, i32) {
    %c0_i32 = arith.constant 0 : i32
    %c0_i32_0 = arith.constant 0 : i32
    return %c0_i32, %arg0 : i32, i32
  }
  func.func @transform_1(%arg0: i32) -> (i32, i32) {
    %c0_i32 = arith.constant 0 : i32
    %c0_i32_0 = arith.constant 0 : i32
    %c0_i32_1 = arith.constant 0 : i32
    return %c0_i32, %c0_i32_0 : i32, i32
  }
  func.func @transform_2(%arg0: i32) -> (i32, i32) {
    %c0_i32 = arith.constant 0 : i32
    %c0_i32_0 = arith.constant 0 : i32
    %c0_i32_1 = arith.constant 0 : i32
    return %c0_i32, %c0_i32_0 : i32, i32
  }
  func.func @transform_3(%arg0: i32) -> i32 {
    %c0_i32 = arith.constant 0 : i32
    return %arg0 : i32
  }
  func.func @transform_4(%arg0: i32) -> i32 {
    %c0_i32 = arith.constant 0 : i32
    return %arg0 : i32
  }
}

</mosaic_0001>

<sc_bundles>
// kernel: kernel.4.cloned.1.call-start
scs
__scs_entry_jumppad:
0x0: {  	(pc) =	sbr.rel $0x88, $3  }
0x1: {  	(tag) =	ssettag $0x0;
	lr =	simm.s32 $0x1  }
0x2: {  	[smem:$0x3F9D] =	sst lr;
	_ =	strace $0xD0000000  }
0x3: {  	_ = 	snop  }
0x4: {  	_ = 	snop  }
0x5: {  	_ = 	snop  }
0x6: {  	_ = 	snop  }
0x7: {  	_ = 	snop  }
__scs_overlays_trampoline_lowered:
0x8: {  	[smem:$0x3FAC] =	sst s0  }
0x9: {  	[smem:$0x3FAD] =	sst s1  }
0xa: {  	[smem:$0x3FAE] =	sst s2  }
0xb: {  	[smem:$0x3FAF] =	sst s3  }
0xc: {  	[smem:$0x3FB0] =	sst s4  }
0xd: {  	[smem:$0x3FB1] =	sst s5  }
0xe: {  	[smem:$0x3FB2] =	sst s6  }
0xf: {  	[smem:$0x3FB3] =	sst s7  }
0x10: {  	[smem:$0x3FB4] =	sst s8  }
0x11: {  	[smem:$0x3FB5] =	sst s9;
	s0 =	simm.s32 @!p0 $0x0  }
0x12: {  	s1 =	sld [smem:$0x3F9B];
	s0 =	simm.s32 @p0 $0x1  }
0x13: {  	[smem:$0x3FB6] =	sst s0;
	s0 =	simm.s32 @!p1 $0x0  }
0x14: {  	s2 =	sld [smem:$0x3F9A];
	s0 =	simm.s32 @p1 $0x1  }
0x15: {  	[smem:$0x3FB7] =	sst s0;
	s0 =	simm.s32 @!p2 $0x0  }
0x16: {  	s3 =	sld [smem:$0x3FDB];
	s0 =	simm.s32 @p2 $0x1  }
0x17: {  	s4 =	simm.s32 $0x1BF5;
	[smem:$0x3FB9] =	sst s0  }
0x18: {  	s0 =	sld [smem:$0x3F9C];
	_ =	swait.ge [sflag:s4], $0x0  }
0x19: {  	s7 =	sld [smem:$0x3F9D]  }
0x1a: {  	s8 =	sadd.s32 $0xFFFFE003, lr  }
0x1b: {  	s9 =	sadd.s32 $0xFFFFFEF7, lr;
	s5 =	simm.s32 $0xFFFFFFFF;
	p2 =	slt.u32 s8, $0xFFFFF086  }
0x1c: {  	p1 =	slt.u32 s9, $0xF7A;
	s5 =	simm.s32 @!p2 $0x0  }
0x1d: {  	s5 =	simm.s32 @p1 $0x1;
	p0 =	seq.s32 s7, s2  }
0x1e: {  	s7 =	smul.u32 @!p0 $0xF7A, s2;
	p2 =	seq.s32 @!p0 s5, $0x0  }
0x1f: {  	s9 =	smul.u32 $0xF7A, s1;
	s8 =	simm.s32 @!p0 $0x1BF5;
	p2 =	por !p2, p0  }
0x20: {  	[sflag:s8] =	ssyncset.s32 @!p0 $0xFFFFF086;
	s6 =	sadd.s32 @!p0 s3, s7;
	s7 =	simm.s32 @!p0 $0x108  }
0x21: {  	s3 =	sadd.s32 s3, s9;
	s6 =	sadd.s32 @!p0 $0x88, s6;
	s7 =	simm.s32 @p2 $0x1082  }
0x22: {  	[simem:s7], [sflag:s8] =	dma.local @!p0 [hbm:s6], $0xF7A  }
0x23: {  	s9 =	sor.u32 $0xD0000000, s2;
	s6 =	simm.s32 $0x108;
	_ =	swait.ge @!p0 [sflag:s8], $0x0  }
0x24: {  	s3 =	sadd.s32 $0x88, s3;
	s6 =	simm.s32 @!p1 $0x1082;
	[sflag:s4] =	ssyncset.s32 $0xFFFFF086  }
0x25: {  	[simem:s6], [sflag:s4] =	dma.local [hbm:s3], $0xF7A  }
0x26: {  	[smem:$0x3F9D] =	sst s1;
	(tag) =	ssettag s2;
	_ =	strace s9  }
0x27: {  	s1 =	sld [smem:$0x3FAD]  }
0x28: {  	s2 =	sld [smem:$0x3FAE]  }
0x29: {  	s4 =	sld [smem:$0x3FB0]  }
0x2a: {  	p0 =	seq.s32 s5, $0x0;
	s5 =	sld [smem:$0x3FB1]  }
0x2b: {  	s6 =	sld [smem:$0x3FB2]  }
0x2c: {  	s7 =	sld [smem:$0x3FB3]  }
0x2d: {  	s3 =	simm.s32 $0x108;
	s8 =	sld [smem:$0x3FB4]  }
0x2e: {  	s3 =	simm.s32 @!p0 $0x1082;
	s9 =	sld [smem:$0x3FB5]  }
0x2f: {  	lr =	sadd.s32 s0, s3;
	s0 =	sld [smem:$0x3FAC]  }
0x30: {  	s3 =	sld [smem:$0x3FAF]  }
0x31: {  	[smem:$0x3FB8] =	sst s10  }
0x32: {  	s10 =	sld [smem:$0x3FB6];
	_ =	sdelay $0x3  }
0x33: {  	p0 =	seq.s32 s10, $0x1;
	s10 =	sld [smem:$0x3FB8];
	_ =	sdelay $0x3  }
0x34: {  	[smem:$0x3FB8] =	sst s10  }
0x35: {  	s10 =	sld [smem:$0x3FB7];
	_ =	sdelay $0x3  }
0x36: {  	p1 =	seq.s32 s10, $0x1;
	s10 =	sld [smem:$0x3FB8];
	_ =	sdelay $0x3  }
0x37: {  	[smem:$0x3FB8] =	sst s10  }
0x38: {  	s10 =	sld [smem:$0x3FB9]  }
0x39: {  	_ = 	snop;
	(pc) =	sbr.ind lr, $3  }
0x3a: {  	_ = 	snop  }
0x3b: {  	_ = 	snop  }
0x3c: {  	p2 =	seq.s32 s10, $0x1;
	s10 =	sld [smem:$0x3FB8]  }
0x3d: {  	_ =	shalt  }
0x3e: {  	_ =	shalt  }
0x3f: {  	_ =	shalt  }
0x40: {  	_ =	shalt  }
0x41: {  	_ =	shalt  }
0x42: {  	_ =	shalt  }
0x43: {  	_ =	shalt  }
0x44: {  	_ =	shalt  }
0x45: {  	_ =	shalt  }
0x46: {  	_ =	shalt  }
0x47: {  	_ =	shalt  }
0x48: {  	_ =	shalt  }
0x49: {  	_ =	shalt  }
0x4a: {  	_ =	shalt  }
0x4b: {  	_ =	shalt  }
0x4c: {  	_ =	shalt  }
0x4d: {  	_ =	shalt  }
0x4e: {  	_ =	shalt  }
0x4f: {  	_ =	shalt  }
0x50: {  	_ =	shalt  }
0x51: {  	_ =	shalt  }
0x52: {  	_ =	shalt  }
0x53: {  	_ =	shalt  }
0x54: {  	_ =	shalt  }
0x55: {  	_ =	shalt  }
0x56: {  	_ =	shalt  }
0x57: {  	_ =	shalt  }
0x58: {  	_ =	shalt  }
0x59: {  	_ =	shalt  }
0x5a: {  	_ =	shalt  }
0x5b: {  	_ =	shalt  }
0x5c: {  	_ =	shalt  }
0x5d: {  	_ =	shalt  }
0x5e: {  	_ =	shalt  }
0x5f: {  	_ =	shalt  }
0x60: {  	_ =	shalt  }
0x61: {  	_ =	shalt  }
0x62: {  	_ =	shalt  }
0x63: {  	_ =	shalt  }
0x64: {  	_ =	shalt  }
0x65: {  	_ =	shalt  }
0x66: {  	_ =	shalt  }
0x67: {  	_ =	shalt  }
0x68: {  	_ =	shalt  }
0x69: {  	_ =	shalt  }
0x6a: {  	_ =	shalt  }
0x6b: {  	_ =	shalt  }
0x6c: {  	_ =	shalt  }
0x6d: {  	_ =	shalt  }
0x6e: {  	_ =	shalt  }
0x6f: {  	_ =	shalt  }
0x70: {  	_ =	shalt  }
0x71: {  	_ =	shalt  }
0x72: {  	_ =	shalt  }
0x73: {  	_ =	shalt  }
0x74: {  	_ =	shalt  }
0x75: {  	_ =	shalt  }
0x76: {  	_ =	shalt  }
0x77: {  	_ =	shalt  }
0x78: {  	_ =	shalt  }
0x79: {  	_ =	shalt  }
0x7a: {  	_ =	shalt  }
0x7b: {  	_ =	shalt  }
0x7c: {  	_ =	shalt  }
0x7d: {  	_ =	shalt  }
0x7e: {  	_ =	shalt  }
0x7f: {  	_ =	shalt  }
0x80: {  	_ =	shalt  }
0x81: {  	_ =	shalt  }
0x82: {  	_ =	shalt  }
0x83: {  	_ =	shalt  }
0x84: {  	_ =	shalt  }
0x85: {  	_ =	shalt  }
0x86: {  	_ =	shalt  }
0x87: {  	_ =	shalt  }
.Lfunc_end0:
.L_simem_size_0:
called_computation_lowered:
.L_overlay_start_0:
0x88: {  	s2 =	sld [smem:$0x3FD9]  }
0x89: {  	s3 =	sld [smem:$0x3FFE];
	_ =	sdelay $0x1  }
0x8a: {  	s1 =	srdreg.scid  }
0x8b: {  	s0 =	sand.u32 $0x1, s1  }
0x8c: {  	s16 =	sshll.u32 s0, $0xA;
	s2 =	sadd.s32 s3, s2  }
0x8d: {  	s2 =	sadd.s32 s2, s16  }
0x8e: {  	[smem:$0x3FC4] =	sst s2  }
0x8f: {  	_ = 	snop  }
0x90: {  	(tm) =	ssettm $0x1  }
0x91: {  	s17 =	sld [smem:$0x3FFB];
	_ =	sdelay $0x3  }
0x92: {  	_ =	strace s17  }
0x93: {  	s2 =	sld [smem:$0x3FFC];
	_ =	sdelay $0x3  }
0x94: {  	_ =	strace s2  }
0x95: {  	s2 =	sld [smem:$0x3FFD];
	_ =	sdelay $0x3  }
0x96: {  	_ =	strace s2  }
0x97: {  	_ =	strace $0x8FFFFFFF  }
0x98: {  	s18 =	sld [smem:$0x3FDB];
	_ =	sdelay $0x1  }
0x99: {  	s19 =	simm.s32 $_scs_section_size  }
0x9a: {  	s4 =	simm.s32 $_size__tile_overlayer_lowered;
	s5 =	simm.s32 $_tile_overlayer_lowered  }
0x9b: {  	s22 =	simm.s32 $0x1BFF;
	s21 =	sshll.u32 s5, $0x1;
	s2 =	sadd.s32 s19, s18  }
0x9c: {  	s6 =	simm.s32 $0x0;
	s20 =	sshll.u32 s4, $0x1;
	s4 =	sadd.s32 s21, s2  }
0x9d: {  	[timem:s6], [sflag:s22] =	dma.local [hbm:s4], s20  }
0x9e: {  	_ =	swait.ge [sflag:s22], s20  }
0x9f: {  	s3 =	ssub.s32 $0x0, s20;
	[sflag:s22] =	ssyncset.done $0x0  }
0xa0: {  	[sflag:s22] =	ssyncadd.s32 s3;
	_ =	sdelay $0x1  }
0xa1: {  	s23 =	simm.s32 $0x1B8B  }
0xa2: {  	_ =	swait.ge [sflag:s23], $0x1  }
0xa3: {  	[sflag:s23] =	ssyncset.done $0x0  }
0xa4: {  	s25 =	simm.s32 $0x1B8E;
	s24 =	sld [smem:$0x3FFE];
	[sflag:s23] =	ssyncadd.s32 $0xFFFFFFFF  }
0xa5: {  	s26 =	simm.s32 $execute0_lowered;
	[smem:$0x3FD2] =	sst s25  }
0xa6: {  	s4 =	sshll.u32 s26, $0x1;
	_ =	strace $0x80000046;
	[dreg:$0x1] =	wrdreg $0xFFFFFFFF  }
0xa7: {  	s28 =	simm.s32 $_size_execute0_lowered;
	s2 =	sadd.s32 s2, s4;
	[dreg:$0x0] =	wrdreg $0x0  }
0xa8: {  	s4 =	sshll.u32 s28, $0x1;
	[dreg:$0x2] =	wrdreg s2  }
0xa9: {  	[dreg:$0x3] =	wrdreg s4  }
0xaa: {  	[dreg:$0x4] =	wrdreg $0xC0  }
0xab: {  	_ =	task [dreg:s6], $0x5FFFF  }
0xac: {  	[dreg:$0x1] =	wrdreg $0xFFFFFFFF  }
0xad: {  	[dreg:$0x0] =	wrdreg $0x60  }
0xae: {  	[dreg:$0x2] =	wrdreg s24  }
0xaf: {  	[dreg:$0x3] =	wrdreg $0x9  }
0xb0: {  	_ =	task.clear_ibuf [dreg:s6], $0x4FFFF;
	_ =	strace $0x90000046  }
0xb1: {  	s29 =	simm.s32 $0x9;
	_ =	strace $0x80000048  }
0xb2: {  	_ =	swait.ge [sflag:s29], $0x1  }
0xb3: {  	[sflag:s29] =	ssyncadd.s32 $0xFFFFFFFF  }
0xb4: {  	_ =	strace $0x90000048  }
0xb5: {  	_ =	sfence  }
0xb6: {  	s30 =	sld [smem:$0x0];
	_ =	sdelay $0x2  }
0xb7: {  	s31 =	sshll.u32 s1, $0xD;
	s1 =	sshrl.u32 s1, $0x2  }
0xb8: {  	s3 =	sand.u32 $0x4000, s31;
	s1 =	sadd.s32 s1, s30  }
0xb9: {  	s0 =	sor.u32 s3, s0;
	s1 =	sshll.u32 s1, $0x11  }
0xba: {  	s0 =	sor.u32 s1, s0  }
0xbb: {  	s0 =	sadd.s32 $0x8F2B, s0  }
0xbc: {  	[sflag:s0] =	ssyncadd.remote.s32 $0x1  }
0xbd: {  	_ =	sfence.sel $0xFFFF  }
0xbe: {  	[dreg:$0x0] =	wrdreg $0xFFFFFFFF;
	(pc) =	sbr.abs _section_cstart, $3  }
0xbf: {  	[dreg:$0x1] =	wrdreg $0xFFFFFFFF  }
0xc0: {  	_ =	task.clear_ibuf [dreg:s6], $0x2FFFF;
	_ =	strace $0x9FFFFFFF  }
0xc1: {  	(tm) =	ssettm $0x7FFFFFFF  }
tec
execute0_lowered:
.L_overlay_start_1:
0x0: {  	(tag) =	ssettag $0x1  }
0x1: {  	s0 =	srdreg.scid;
	s1 =	stileid.u32  }
0x2: {  	s5 =	rddreg [dreg:$0x0];
	s2 =	simm.s32 $0x0;
	s9 =	simm.s32 $0x3  }
0x3: {  	s10 =	simm.s32 $0x80;
	s15 =	simm.s32 $0x100;
	s18 =	simm.s32 $0x180  }
0x4: {  	s19 =	simm.s32 $0x6580;
	s20 =	simm.s32 $0x6780;
	s21 =	simm.s32 $0x6800  }
0x5: {  	s22 =	simm.s32 $0x6A00;
	s23 =	simm.s32 $0x6880;
	s24 =	simm.s32 $0x6A80  }
0x6: {  	s25 =	simm.s32 $0x6900;
	s28 =	simm.s32 $0x6980;
	s29 =	simm.s32 $0x6B80  }
0x7: {  	s30 =	simm.s32 $0x1;
	s31 =	simm.s32 $0x2;
	s11 =	simm.s32 $0x0  }
0x8: {  	s0 =	sand.u32 $0x1, s0;
	s1 =	sshll.u32 s1, $0x1;
	[smem:$0x7FF] =	sst s2  }
0x9: {  	s4 =	sadd.s32 $0x38800, s5;
	s1 =	sor.u32 s0, s1;
	s0 =	ssub.s32 $0x2, s0  }
0xa: {  	s3 =	smul.u32 $0xC80, s1;
	s1 =	sshll.u32 s1, $0x6;
	s26 =	sshrl.u32 s0, $0x1  }
0xb: {  	_ =	strace $0x80000047;
	s1 =	sadd.s32 s1, s5;
	s0 =	ssub.s32 s0, s26  }
0xc: {  	s26 =	simm.s32 $0x6B00;
	s6 =	sadd.s32 s3, s5;
	s3 =	sadd.s32 $0x19E00, s5  }
0xd: {  	s7 =	sadd.s32 $0x57A00, s1;
	s8 =	smax.u32 s0, $0x1;
	s0 =	simm.s32 $0x6E00  }
0xe: {  	v0 =	vimm.f32 $0.0e+00;
	s5 =	sadd.s32 $0xE00, s6;
	s6 =	sadd.s32 $0x57200, s1;
	s1 =	simm.s32 $0x6C00  }
.LBB2_1:
0xf: {  	[tilespmem:s2], [sflag:$0x3] =	stream.linear.gather [hbm4b:s5+s2], $0x6400, $0x38;
	[tilespmem:$0x7000] =	vst v63  }
0x10: {  	_ =	swait.ge [sflag:s9], $0x6400  }
0x11: {  	[sflag:s9] =	ssyncset.done $0x0  }
0x12: {  	s12 =	simm.s32 $0x6400;
	[sflag:s9] =	ssyncadd.s32 $0xFFFF9C00  }
0x13: {  	[tilespmem:s12], [sflag:$0x1] =	stream.indirect.gather [hbm4b:s3+s10], $0x1, s2, s10, $0xb8;
	[tilespmem:$0x7000] =	vst v63  }
0x14: {  	s17 =	simm.s32 $0x6600  }
0x15: {  	[tilespmem:s17], [sflag:$0x1] =	stream.indirect.gather [hbm4b:s4+s10], $0x1, s2, s10, $0xb8;
	[tilespmem:$0x7000] =	vst v63  }
0x16: {  	s13 =	simm.s32 $0x6480  }
0x17: {  	[tilespmem:s13], [sflag:$0x1] =	stream.indirect.gather [hbm4b:s3+s10], $0x1, s10, s10, $0xb8;
	[tilespmem:$0x7000] =	vst v63  }
0x18: {  	s14 =	simm.s32 $0x6680  }
0x19: {  	[tilespmem:s14], [sflag:$0x1] =	stream.indirect.gather [hbm4b:s4+s10], $0x1, s10, s10, $0xb8;
	[tilespmem:$0x7000] =	vst v63  }
0x1a: {  	s16 =	simm.s32 $0x6500  }
0x1b: {  	[tilespmem:s16], [sflag:$0x1] =	stream.indirect.gather [hbm4b:s3+s10], $0x1, s15, s10, $0xb8;
	[tilespmem:$0x7000] =	vst v63  }
0x1c: {  	s17 =	simm.s32 $0x6700  }
0x1d: {  	[tilespmem:s17], [sflag:$0x1] =	stream.indirect.gather [hbm4b:s4+s10], $0x1, s15, s10, $0xb8;
	[tilespmem:$0x7000] =	vst v63  }
0x1e: {  	_ = 	snop  }
0x1f: {  	[tilespmem:s19], [sflag:$0x1] =	stream.indirect.gather [hbm4b:s3+s10], $0x1, s18, s10, $0xb8;
	[tilespmem:$0x7000] =	vst v63  }
0x20: {  	s12 =	simm.s32 $0x0  }
0x21: {  	[tilespmem:s20], [sflag:$0x1] =	stream.indirect.gather [hbm4b:s4+s10], $0x1, s18, s10, $0xb8;
	[tilespmem:$0x7000] =	vst v63  }
.LBB2_2:
0x22: {  	p0 =	sne.s32 s12, $0x7C0  }
.Ltmp0:
0x23: {  	_ = 	snop;
	(pc) =	sbr.rel @p0 .LBB2_2-.Ltmp0, $4  }
0x24: {  	_ = 	snop  }
0x25: {  	s13 =	sshra.s32 s12, $0x2  }
0x26: {  	[tilespmem:s13+$0x6C00] =	vst v0  }
0x27: {  	s12 =	sadd.s32 $0x40, s12;
	[tilespmem:s13+$0x6E00] =	vst v0  }
0x28: {  	s12 =	simm.s32 $0x0  }
.LBB2_4:
0x29: {  	s13 =	sshra.s32 s12, $0x2  }
0x2a: {  	s14 =	sadd.s32 $0x200, s13  }
0x2b: {  	[tilespmem:s21], [sflag:$0x2] =	stream.indirect.gather [hbm4b:s3+s10], $0x1, s14, s10, $0xb8;
	[tilespmem:$0x7000] =	vst v63  }
0x2c: {  	_ = 	snop  }
0x2d: {  	[tilespmem:s22], [sflag:$0x2] =	stream.indirect.gather [hbm4b:s4+s10], $0x1, s14, s10, $0xb8;
	[tilespmem:$0x7000] =	vst v63  }
0x2e: {  	s16 =	sadd.s32 $0x280, s13  }
0x2f: {  	[tilespmem:s23], [sflag:$0x2] =	stream.indirect.gather [hbm4b:s3+s10], $0x1, s16, s10, $0xb8;
	[tilespmem:$0x7000] =	vst v63  }
0x30: {  	_ = 	snop  }
0x31: {  	[tilespmem:s24], [sflag:$0x2] =	stream.indirect.gather [hbm4b:s4+s10], $0x1, s16, s10, $0xb8;
	[tilespmem:$0x7000] =	vst v63  }
0x32: {  	s17 =	sadd.s32 $0x300, s13  }
0x33: {  	[tilespmem:s25], [sflag:$0x2] =	stream.indirect.gather [hbm4b:s3+s10], $0x1, s17, s10, $0xb8;
	[tilespmem:$0x7000] =	vst v63  }
0x34: {  	_ = 	snop  }
0x35: {  	[tilespmem:s26], [sflag:$0x2] =	stream.indirect.gather [hbm4b:s4+s10], $0x1, s17, s10, $0xb8;
	[tilespmem:$0x7000] =	vst v63  }
0x36: {  	s13 =	sadd.s32 $0x380, s13  }
0x37: {  	[tilespmem:s28], [sflag:$0x2] =	stream.indirect.gather [hbm4b:s3+s10], $0x1, s13, s10, $0xb8;
	[tilespmem:$0x7000] =	vst v63  }
0x38: {  	_ = 	snop  }
0x39: {  	[tilespmem:s29], [sflag:$0x2] =	stream.indirect.gather [hbm4b:s4+s10], $0x1, s13, s10, $0xb8;
	[tilespmem:$0x7000] =	vst v63  }
0x3a: {  	_ =	swait.ge [sflag:s30], $0x80  }
0x3b: {  	[sflag:s30] =	ssyncset.done $0x0  }
0x3c: {  	[sflag:s30] =	ssyncadd.s32 $0xFFFFFF80  }
0x3d: {  	_ =	swait.ge [sflag:s30], $0x80  }
0x3e: {  	[sflag:s30] =	ssyncset.done $0x0  }
0x3f: {  	[sflag:s30] =	ssyncadd.s32 $0xFFFFFF80  }
0x40: {  	_ =	swait.ge [sflag:s30], $0x80  }
0x41: {  	[sflag:s30] =	ssyncset.done $0x0  }
0x42: {  	[sflag:s30] =	ssyncadd.s32 $0xFFFFFF80  }
0x43: {  	_ =	swait.ge [sflag:s30], $0x80  }
0x44: {  	[sflag:s30] =	ssyncset.done $0x0  }
0x45: {  	[sflag:s30] =	ssyncadd.s32 $0xFFFFFF80  }
0x46: {  	_ =	swait.ge [sflag:s30], $0x80  }
0x47: {  	[sflag:s30] =	ssyncset.done $0x0  }
0x48: {  	[sflag:s30] =	ssyncadd.s32 $0xFFFFFF80  }
0x49: {  	_ =	swait.ge [sflag:s30], $0x80  }
0x4a: {  	[sflag:s30] =	ssyncset.done $0x0  }
0x4b: {  	[sflag:s30] =	ssyncadd.s32 $0xFFFFFF80  }
0x4c: {  	_ =	swait.ge [sflag:s30], $0x80  }
0x4d: {  	[sflag:s30] =	ssyncset.done $0x0  }
0x4e: {  	[sflag:s30] =	ssyncadd.s32 $0xFFFFFF80  }
0x4f: {  	_ =	swait.ge [sflag:s30], $0x80  }
0x50: {  	[sflag:s30] =	ssyncset.done $0x0  }
0x51: {  	[sflag:s30] =	ssyncadd.s32 $0xFFFFFF80  }
0x52: {  	v1 =	vld [tilespmem:$0x6C00]  }
0x53: {  	v2 =	vld [tilespmem:$0x6400]  }
0x54: {  	v3 =	vld [tilespmem:$0x6E00]  }
0x55: {  	v4 =	vld [tilespmem:$0x6600]  }
0x56: {  	v5 =	vld [tilespmem:$0x6C10]  }
0x57: {  	v6 =	vld [tilespmem:$0x6410]  }
0x58: {  	v7 =	vld [tilespmem:$0x6E10]  }
0x59: {  	v8 =	vld [tilespmem:$0x6610]  }
0x5a: {  	v9 =	vld [tilespmem:$0x6C20]  }
0x5b: {  	v10 =	vld [tilespmem:$0x6420]  }
0x5c: {  	v11 =	vld [tilespmem:$0x6E20]  }
0x5d: {  	v12 =	vld [tilespmem:$0x6620]  }
0x5e: {  	v13 =	vld [tilespmem:$0x6C30]  }
0x5f: {  	v14 =	vld [tilespmem:$0x6430]  }
0x60: {  	v15 =	vld [tilespmem:$0x6E30]  }
0x61: {  	v16 =	vld [tilespmem:$0x6630]  }
0x62: {  	v17 =	vld [tilespmem:$0x6C40]  }
0x63: {  	v18 =	vld [tilespmem:$0x6440]  }
0x64: {  	v19 =	vld [tilespmem:$0x6E40]  }
0x65: {  	v20 =	vld [tilespmem:$0x6640]  }
0x66: {  	v21 =	vld [tilespmem:$0x6C50]  }
0x67: {  	v22 =	vld [tilespmem:$0x6450]  }
0x68: {  	v23 =	vld [tilespmem:$0x6E50]  }
0x69: {  	v24 =	vld [tilespmem:$0x6650]  }
0x6a: {  	v25 =	vld [tilespmem:$0x6C60]  }
0x6b: {  	v26 =	vld [tilespmem:$0x6460]  }
0x6c: {  	v27 =	vld [tilespmem:$0x6E60]  }
0x6d: {  	v28 =	vld [tilespmem:$0x6660]  }
0x6e: {  	v29 =	vld [tilespmem:$0x6C70]  }
0x6f: {  	v30 =	vld [tilespmem:$0x6470]  }
0x70: {  	v31 =	vld [tilespmem:$0x6E70]  }
0x71: {  	v32 =	vld [tilespmem:$0x6670]  }
0x72: {  	v33 =	vld [tilespmem:$0x6C80]  }
0x73: {  	v34 =	vld [tilespmem:$0x6480]  }
0x74: {  	v35 =	vld [tilespmem:$0x6E80]  }
0x75: {  	v36 =	vld [tilespmem:$0x6680]  }
0x76: {  	v37 =	vld [tilespmem:$0x6C90]  }
0x77: {  	v38 =	vld [tilespmem:$0x6490]  }
0x78: {  	v39 =	vld [tilespmem:$0x6E90]  }
0x79: {  	v40 =	vld [tilespmem:$0x6690]  }
0x7a: {  	v41 =	vld [tilespmem:$0x6CA0]  }
0x7b: {  	v42 =	vld [tilespmem:$0x64A0]  }
0x7c: {  	v43 =	vld [tilespmem:$0x6EA0]  }
0x7d: {  	v44 =	vld [tilespmem:$0x66A0]  }
0x7e: {  	v45 =	vld [tilespmem:$0x6CB0]  }
0x7f: {  	v46 =	vld [tilespmem:$0x64B0]  }
0x80: {  	v47 =	vld [tilespmem:$0x6EB0]  }
0x81: {  	v48 =	vld [tilespmem:$0x66B0]  }
0x82: {  	v49 =	vld [tilespmem:$0x6CC0]  }
0x83: {  	v50 =	vld [tilespmem:$0x64C0]  }
0x84: {  	v51 =	vld [tilespmem:$0x6EC0]  }
0x85: {  	v52 =	vld [tilespmem:$0x66C0]  }
0x86: {  	v53 =	vld [tilespmem:$0x6CD0]  }
0x87: {  	v54 =	vld [tilespmem:$0x64D0]  }
0x88: {  	v55 =	vld [tilespmem:$0x6ED0]  }
0x89: {  	v56 =	vld [tilespmem:$0x66D0]  }
0x8a: {  	v57 =	vld [tilespmem:$0x6CE0]  }
0x8b: {  	v58 =	vld [tilespmem:$0x64E0]  }
0x8c: {  	v59 =	vld [tilespmem:$0x6EE0]  }
0x8d: {  	v0 =	vld [tilespmem:$0x6EF0]  }
0x8e: {  	v63 =	vld [tilespmem:$0x6D00]  }
0x8f: {  	v60 =	vld [tilespmem:$0x66E0]  }
0x90: {  	v61 =	vld [tilespmem:$0x6CF0]  }
0x91: {  	v62 =	vld [tilespmem:$0x64F0]  }
0x92: {  	[tilespmem:$0x1FF40] =	vst v0;
	v0 =	vld [tilespmem:$0x66F0]  }
0x93: {  	[tilespmem:$0x1FF50] =	vst v63;
	v63 =	vld [tilespmem:$0x6500]  }
0x94: {  	v1 =	vadd.f32 v2, v1;
	v2 =	vld [tilespmem:$0x6510]  }
0x95: {  	v3 =	vadd.f32 v4, v3;
	v4 =	vld [tilespmem:$0x6F10]  }
0x96: {  	v12 =	vadd.f32 v12, v11;
	v11 =	vld [tilespmem:$0x6530]  }
0x97: {  	v14 =	vadd.f32 v14, v13;
	v13 =	vld [tilespmem:$0x6730]  }
0x98: {  	v16 =	vadd.f32 v16, v15;
	v15 =	vld [tilespmem:$0x6540]  }
0x99: {  	v18 =	vadd.f32 v18, v17;
	v17 =	vld [tilespmem:$0x6740]  }
0x9a: {  	v20 =	vadd.f32 v20, v19;
	v19 =	vld [tilespmem:$0x6550]  }
0x9b: {  	v22 =	vadd.f32 v22, v21;
	v21 =	vld [tilespmem:$0x6750];
	[tilespmem:$0x6C00] =	vst v1  }
0x9c: {  	v24 =	vadd.f32 v24, v23;
	v23 =	vld [tilespmem:$0x6560];
	[tilespmem:$0x6E00] =	vst v3  }
0x9d: {  	v26 =	vadd.f32 v26, v25;
	v25 =	vld [tilespmem:$0x6760];
	[tilespmem:$0x6E20] =	vst v12  }
0x9e: {  	v28 =	vadd.f32 v28, v27;
	v27 =	vld [tilespmem:$0x6570];
	[tilespmem:$0x6C30] =	vst v14  }
0x9f: {  	v30 =	vadd.f32 v30, v29;
	v29 =	vld [tilespmem:$0x6770];
	[tilespmem:$0x6E30] =	vst v16  }
0xa0: {  	v32 =	vadd.f32 v32, v31;
	v31 =	vld [tilespmem:$0x6580];
	[tilespmem:$0x6C40] =	vst v18  }
0xa1: {  	v38 =	vadd.f32 v38, v37;
	v37 =	vld [tilespmem:$0x6780];
	[tilespmem:$0x6E40] =	vst v20  }
0xa2: {  	v40 =	vadd.f32 v40, v39;
	v39 =	vld [tilespmem:$0x6D90];
	[tilespmem:$0x6C50] =	vst v22  }
0xa3: {  	v46 =	vadd.f32 v46, v45;
	v45 =	vld [tilespmem:$0x6F90];
	[tilespmem:$0x6E50] =	vst v24  }
0xa4: {  	v48 =	vadd.f32 v48, v47;
	v47 =	vld [tilespmem:$0x6790];
	[tilespmem:$0x6C60] =	vst v26  }
0xa5: {  	v50 =	vadd.f32 v50, v49;
	v49 =	vld [tilespmem:$0x6DA0];
	[tilespmem:$0x6E60] =	vst v28  }
0xa6: {  	v34 =	vadd.f32 v34, v33;
	v52 =	vadd.f32 v52, v51;
	v51 =	vld [tilespmem:$0x65A0];
	[tilespmem:$0x6C70] =	vst v30  }
0xa7: {  	v36 =	vadd.f32 v36, v35;
	v54 =	vadd.f32 v54, v53;
	v53 =	vld [tilespmem:$0x6FA0];
	[tilespmem:$0x6E70] =	vst v32  }
0xa8: {  	v56 =	vadd.f32 v56, v55;
	v55 =	vld [tilespmem:$0x67A0];
	[tilespmem:$0x6C80] =	vst v34  }
0xa9: {  	v58 =	vadd.f32 v58, v57;
	v57 =	vld [tilespmem:$0x6DB0];
	[tilespmem:$0x6E80] =	vst v36  }
0xaa: {  	v42 =	vadd.f32 v42, v41;
	v3 =	vadd.f32 v8, v7;
	v7 =	vld [tilespmem:$0x6520];
	[tilespmem:$0x6C90] =	vst v38  }
0xab: {  	v44 =	vadd.f32 v44, v43;
	v8 =	vld [tilespmem:$0x6F20];
	[tilespmem:$0x6E90] =	vst v40  }
0xac: {  	v12 =	vld [tilespmem:$0x6F30];
	[tilespmem:$0x6CA0] =	vst v42  }
0xad: {  	v14 =	vld [tilespmem:$0x6D40];
	[tilespmem:$0x6EA0] =	vst v44  }
0xae: {  	v16 =	vld [tilespmem:$0x6F40];
	[tilespmem:$0x6CB0] =	vst v46  }
0xaf: {  	v18 =	vld [tilespmem:$0x6D50];
	[tilespmem:$0x6EB0] =	vst v48  }
0xb0: {  	v20 =	vld [tilespmem:$0x6F50];
	[tilespmem:$0x6CC0] =	vst v50  }
0xb1: {  	[tilespmem:$0x6EC0] =	vst v52;
	v38 =	vld [tilespmem:$0x1FF40]  }
0xb2: {  	v22 =	vld [tilespmem:$0x6D60];
	[tilespmem:$0x6CD0] =	vst v54  }
0xb3: {  	v24 =	vld [tilespmem:$0x6F60];
	[tilespmem:$0x6ED0] =	vst v56  }
0xb4: {  	v26 =	vld [tilespmem:$0x6D70];
	[tilespmem:$0x6CE0] =	vst v58;
	v36 =	vadd.f32 v62, v61  }
0xb5: {  	v28 =	vld [tilespmem:$0x6F70];
	[tilespmem:$0x6E10] =	vst v3  }
0xb6: {  	v30 =	vld [tilespmem:$0x6D80];
	[tilespmem:$0x6CF0] =	vst v36;
	v0 =	vadd.f32 v0, v38  }
0xb7: {  	v32 =	vld [tilespmem:$0x6F80];
	[tilespmem:$0x1FF60] =	vst v63;
	v56 =	vadd.f32 v13, v12  }
0xb8: {  	v40 =	vld [tilespmem:$0x1FF50];
	v58 =	vadd.f32 v15, v14;
	[tilespmem:$0x6EF0] =	vst v0  }
0xb9: {  	v42 =	vld [tilespmem:$0x6590];
	v62 =	vadd.f32 v19, v18;
	[tilespmem:$0x6F30] =	vst v56  }
0xba: {  	v61 =	vld [tilespmem:$0x6FB0];
	v20 =	vadd.f32 v21, v20;
	[tilespmem:$0x6D40] =	vst v58  }
0xbb: {  	v63 =	vld [tilespmem:$0x6F00];
	v22 =	vadd.f32 v23, v22;
	[tilespmem:$0x6D50] =	vst v62  }
0xbc: {  	v36 =	vld [tilespmem:$0x65D0];
	v24 =	vadd.f32 v25, v24;
	[tilespmem:$0x6F50] =	vst v20  }
0xbd: {  	v41 =	vld [tilespmem:$0x1FF60];
	v26 =	vadd.f32 v27, v26;
	[tilespmem:$0x6D60] =	vst v22  }
0xbe: {  	v21 =	vld [tilespmem:$0x6DC0];
	[tilespmem:$0x6F60] =	vst v24  }
0xbf: {  	v23 =	vld [tilespmem:$0x65C0];
	v28 =	vadd.f32 v29, v28;
	[tilespmem:$0x6D70] =	vst v26  }
0xc0: {  	v31 =	vadd.f32 v31, v30;
	[tilespmem:$0x1FF70] =	vst v63;
	v63 =	vld [tilespmem:$0x6700]  }
0xc1: {  	v25 =	vld [tilespmem:$0x6FC0];
	v37 =	vadd.f32 v37, v32;
	[tilespmem:$0x6F70] =	vst v28  }
0xc2: {  	v27 =	vld [tilespmem:$0x67C0];
	v39 =	vadd.f32 v42, v39;
	[tilespmem:$0x6D80] =	vst v31  }
0xc3: {  	v29 =	vld [tilespmem:$0x6DD0];
	[tilespmem:$0x6F80] =	vst v37  }
0xc4: {  	[tilespmem:$0x6D90] =	vst v39;
	v1 =	vadd.f32 v41, v40;
	v43 =	vld [tilespmem:$0x1FF70]  }
0xc5: {  	v41 =	vadd.f32 v47, v45;
	[tilespmem:$0x1FF80] =	vst v63;
	v63 =	vld [tilespmem:$0x6D10]  }
0xc6: {  	v45 =	vadd.f32 v55, v53;
	[tilespmem:$0x6D00] =	vst v1;
	v44 =	vld [tilespmem:$0x1FF80]  }
0xc7: {  	v38 =	vld [tilespmem:$0x6FD0];
	v53 =	vadd.f32 v27, v25;
	[tilespmem:$0x6F90] =	vst v41  }
0xc8: {  	v42 =	vld [tilespmem:$0x6DE0];
	[tilespmem:$0x6FA0] =	vst v45  }
0xc9: {  	v56 =	vld [tilespmem:$0x67F0];
	v55 =	vadd.f32 v36, v29;
	[tilespmem:$0x6FC0] =	vst v53  }
0xca: {  	v40 =	vld [tilespmem:$0x67D0];
	[tilespmem:$0x1FF90] =	vst v63;
	v63 =	vadd.f32 v6, v5  }
0xcb: {  	[tilespmem:$0x6DD0] =	vst v55;
	v5 =	vld [tilespmem:$0x6710];
	v0 =	vadd.f32 v44, v43  }
0xcc: {  	v6 =	vld [tilespmem:$0x6D20];
	v43 =	vadd.f32 v51, v49;
	[tilespmem:$0x6C10] =	vst v63  }
0xcd: {  	v46 =	vld [tilespmem:$0x1FF90];
	v63 =	vadd.f32 v10, v9;
	[tilespmem:$0x6F00] =	vst v0  }
0xce: {  	v44 =	vld [tilespmem:$0x65E0];
	v51 =	vadd.f32 v23, v21;
	[tilespmem:$0x6DA0] =	vst v43  }
0xcf: {  	v9 =	vld [tilespmem:$0x6720];
	[tilespmem:$0x6C20] =	vst v63;
	v63 =	vadd.f32 v60, v59  }
0xd0: {  	v10 =	vld [tilespmem:$0x6D30];
	[tilespmem:$0x6DC0] =	vst v51;
	v60 =	vadd.f32 v17, v16  }
0xd1: {  	v59 =	vld [tilespmem:$0x65B0];
	v48 =	vadd.f32 v5, v4;
	[tilespmem:$0x6EE0] =	vst v63  }
0xd2: {  	v50 =	vadd.f32 v7, v6;
	v63 =	vld [tilespmem:$0x67B0];
	[tilespmem:$0x6F40] =	vst v60  }
0xd3: {  	v1 =	vadd.f32 v2, v46;
	v46 =	vld [tilespmem:$0x6FE0];
	[tilespmem:$0x6F10] =	vst v48  }
0xd4: {  	v52 =	vadd.f32 v9, v8;
	[tilespmem:$0x6D20] =	vst v50;
	v48 =	vld [tilespmem:$0x67E0]  }
0xd5: {  	v54 =	vadd.f32 v11, v10;
	v50 =	vld [tilespmem:$0x6DF0];
	[tilespmem:$0x6D10] =	vst v1  }
0xd6: {  	v58 =	vadd.f32 v44, v42;
	[tilespmem:$0x6F20] =	vst v52;
	v52 =	vld [tilespmem:$0x65F0]  }
0xd7: {  	[tilespmem:$0x6D30] =	vst v54;
	v47 =	vadd.f32 v59, v57;
	v54 =	vld [tilespmem:$0x6FF0]  }
0xd8: {  	[tilespmem:$0x6DE0] =	vst v58;
	v57 =	vadd.f32 v40, v38  }
0xd9: {  	v49 =	vadd.f32 v63, v61;
	[tilespmem:$0x6DB0] =	vst v47  }
0xda: {  	[tilespmem:$0x6FD0] =	vst v57;
	v59 =	vadd.f32 v48, v46  }
0xdb: {  	[tilespmem:$0x6FB0] =	vst v49;
	v60 =	vadd.f32 v52, v50  }
0xdc: {  	p0 =	seq.s32 s12, $0x18000;
	[tilespmem:$0x6FE0] =	vst v59;
	v61 =	vadd.f32 v56, v54  }
0xdd: {  	s13 =	sshra.s32 @!p0 s12, $0x2;
	[tilespmem:$0x6DF0] =	vst v60  }
0xde: {  	s16 =	simm.s32 @!p0 $0x80;
	s17 =	simm.s32 @!p0 $0x6400;
	s14 =	sadd.s32 @!p0 $0x400, s13;
	[tilespmem:$0x6FF0] =	vst v61  }
0xdf: {  	[tilespmem:s17], [sflag:$0x1] =	stream.indirect.gather @!p0 [hbm4b:s3+s16], $0x1, s14, s16, $0xb8;
	[tilespmem:$0x7000] =	vst v63  }
0xe0: {  	s17 =	simm.s32 @!p0 $0x6600  }
0xe1: {  	[tilespmem:s17], [sflag:$0x1] =	stream.indirect.gather @!p0 [hbm4b:s4+s16], $0x1, s14, s16, $0xb8;
	[tilespmem:$0x7000] =	vst v63  }
0xe2: {  	s14 =	sadd.s32 @!p0 $0x480, s13;
	s17 =	simm.s32 @!p0 $0x6480  }
0xe3: {  	[tilespmem:s17], [sflag:$0x1] =	stream.indirect.gather @!p0 [hbm4b:s3+s16], $0x1, s14, s16, $0xb8;
	[tilespmem:$0x7000] =	vst v63  }
0xe4: {  	s17 =	simm.s32 @!p0 $0x6680  }
0xe5: {  	[tilespmem:s17], [sflag:$0x1] =	stream.indirect.gather @!p0 [hbm4b:s4+s16], $0x1, s14, s16, $0xb8;
	[tilespmem:$0x7000] =	vst v63  }
0xe6: {  	s14 =	sadd.s32 @!p0 $0x500, s13;
	s17 =	simm.s32 @!p0 $0x6500  }
0xe7: {  	[tilespmem:s17], [sflag:$0x1] =	stream.indirect.gather @!p0 [hbm4b:s3+s16], $0x1, s14, s16, $0xb8;
	[tilespmem:$0x7000] =	vst v63  }
0xe8: {  	s17 =	simm.s32 @!p0 $0x6700  }
0xe9: {  	[tilespmem:s17], [sflag:$0x1] =	stream.indirect.gather @!p0 [hbm4b:s4+s16], $0x1, s14, s16, $0xb8;
	[tilespmem:$0x7000] =	vst v63  }
0xea: {  	s13 =	sadd.s32 @!p0 $0x580, s13;
	s14 =	simm.s32 @!p0 $0x6580  }
0xeb: {  	[tilespmem:s14], [sflag:$0x1] =	stream.indirect.gather @!p0 [hbm4b:s3+s16], $0x1, s13, s16, $0xb8;
	[tilespmem:$0x7000] =	vst v63  }
0xec: {  	s14 =	simm.s32 @!p0 $0x6780  }
0xed: {  	[tilespmem:s14], [sflag:$0x1] =	stream.indirect.gather @!p0 [hbm4b:s4+s16], $0x1, s13, s16, $0xb8;
	[tilespmem:$0x7000] =	vst v63  }
0xee: {  	_ =	swait.ge [sflag:s31], $0x80  }
0xef: {  	[sflag:s31] =	ssyncset.done $0x0  }
0xf0: {  	[sflag:s31] =	ssyncadd.s32 $0xFFFFFF80  }
0xf1: {  	_ =	swait.ge [sflag:s31], $0x80  }
0xf2: {  	[sflag:s31] =	ssyncset.done $0x0  }
0xf3: {  	[sflag:s31] =	ssyncadd.s32 $0xFFFFFF80  }
0xf4: {  	_ =	swait.ge [sflag:s31], $0x80  }
0xf5: {  	[sflag:s31] =	ssyncset.done $0x0  }
0xf6: {  	[sflag:s31] =	ssyncadd.s32 $0xFFFFFF80  }
0xf7: {  	_ =	swait.ge [sflag:s31], $0x80  }
0xf8: {  	[sflag:s31] =	ssyncset.done $0x0  }
0xf9: {  	[sflag:s31] =	ssyncadd.s32 $0xFFFFFF80  }
0xfa: {  	_ =	swait.ge [sflag:s31], $0x80  }
0xfb: {  	[sflag:s31] =	ssyncset.done $0x0  }
0xfc: {  	[sflag:s31] =	ssyncadd.s32 $0xFFFFFF80  }
0xfd: {  	_ =	swait.ge [sflag:s31], $0x80  }
0xfe: {  	[sflag:s31] =	ssyncset.done $0x0  }
0xff: {  	[sflag:s31] =	ssyncadd.s32 $0xFFFFFF80  }
0x100: {  	_ =	swait.ge [sflag:s31], $0x80  }
0x101: {  	[sflag:s31] =	ssyncset.done $0x0  }
0x102: {  	[sflag:s31] =	ssyncadd.s32 $0xFFFFFF80  }
0x103: {  	_ =	swait.ge [sflag:s31], $0x80  }
0x104: {  	[sflag:s31] =	ssyncset.done $0x0  }
0x105: {  	[sflag:s31] =	ssyncadd.s32 $0xFFFFFF80  }
0x106: {  	v0 =	vld [tilespmem:$0x6C00]  }
0x107: {  	v1 =	vld [tilespmem:$0x6800]  }
0x108: {  	v2 =	vld [tilespmem:$0x6E00]  }
0x109: {  	v3 =	vld [tilespmem:$0x6A00]  }
0x10a: {  	v4 =	vld [tilespmem:$0x6C10]  }
0x10b: {  	v5 =	vld [tilespmem:$0x6810]  }
0x10c: {  	v6 =	vld [tilespmem:$0x6E10]  }
0x10d: {  	v7 =	vld [tilespmem:$0x6A10]  }
0x10e: {  	v8 =	vld [tilespmem:$0x6C20]  }
0x10f: {  	v9 =	vld [tilespmem:$0x6820]  }
0x110: {  	v10 =	vld [tilespmem:$0x6E20]  }
0x111: {  	v11 =	vld [tilespmem:$0x6A20]  }
0x112: {  	v12 =	vld [tilespmem:$0x6C30]  }
0x113: {  	v13 =	vld [tilespmem:$0x6830]  }
0x114: {  	v14 =	vld [tilespmem:$0x6E30]  }
0x115: {  	v15 =	vld [tilespmem:$0x6A30]  }
0x116: {  	v16 =	vld [tilespmem:$0x6C40]  }
0x117: {  	v17 =	vld [tilespmem:$0x6840]  }
0x118: {  	v18 =	vld [tilespmem:$0x6E40]  }
0x119: {  	v19 =	vld [tilespmem:$0x6A40]  }
0x11a: {  	v20 =	vld [tilespmem:$0x6C50]  }
0x11b: {  	v21 =	vld [tilespmem:$0x6850]  }
0x11c: {  	v22 =	vld [tilespmem:$0x6E50]  }
0x11d: {  	v23 =	vld [tilespmem:$0x6A50]  }
0x11e: {  	v24 =	vld [tilespmem:$0x6C60]  }
0x11f: {  	v25 =	vld [tilespmem:$0x6860]  }
0x120: {  	v26 =	vld [tilespmem:$0x6E60]  }
0x121: {  	v27 =	vld [tilespmem:$0x6A60]  }
0x122: {  	v28 =	vld [tilespmem:$0x6C70]  }
0x123: {  	v29 =	vld [tilespmem:$0x6870]  }
0x124: {  	v30 =	vld [tilespmem:$0x6E70]  }
0x125: {  	v31 =	vld [tilespmem:$0x6A70]  }
0x126: {  	v32 =	vld [tilespmem:$0x6C80]  }
0x127: {  	v33 =	vld [tilespmem:$0x6880]  }
0x128: {  	v34 =	vld [tilespmem:$0x6E80]  }
0x129: {  	v35 =	vld [tilespmem:$0x6A80]  }
0x12a: {  	v36 =	vld [tilespmem:$0x6C90]  }
0x12b: {  	v37 =	vld [tilespmem:$0x6890]  }
0x12c: {  	v38 =	vld [tilespmem:$0x6E90]  }
0x12d: {  	v39 =	vld [tilespmem:$0x6A90]  }
0x12e: {  	v40 =	vld [tilespmem:$0x6CA0]  }
0x12f: {  	v41 =	vld [tilespmem:$0x68A0]  }
0x130: {  	v42 =	vld [tilespmem:$0x6EA0]  }
0x131: {  	v43 =	vld [tilespmem:$0x6AA0]  }
0x132: {  	v44 =	vld [tilespmem:$0x6CB0]  }
0x133: {  	v45 =	vld [tilespmem:$0x68B0]  }
0x134: {  	v46 =	vld [tilespmem:$0x6EB0]  }
0x135: {  	v47 =	vld [tilespmem:$0x6AB0]  }
0x136: {  	v48 =	vld [tilespmem:$0x6CC0]  }
0x137: {  	v49 =	vld [tilespmem:$0x68C0]  }
0x138: {  	v50 =	vld [tilespmem:$0x6EC0]  }
0x139: {  	v51 =	vld [tilespmem:$0x6AC0]  }
0x13a: {  	v52 =	vld [tilespmem:$0x6CD0]  }
0x13b: {  	v53 =	vld [tilespmem:$0x68D0]  }
0x13c: {  	v54 =	vld [tilespmem:$0x6ED0]  }
0x13d: {  	v55 =	vld [tilespmem:$0x6AD0]  }
0x13e: {  	v56 =	vld [tilespmem:$0x6CE0]  }
0x13f: {  	v57 =	vld [tilespmem:$0x68E0]  }
0x140: {  	v58 =	vld [tilespmem:$0x6EE0]  }
0x141: {  	v62 =	vld [tilespmem:$0x6EF0]  }
0x142: {  	v59 =	vld [tilespmem:$0x6AE0]  }
0x143: {  	v60 =	vld [tilespmem:$0x6CF0]  }
0x144: {  	v61 =	vld [tilespmem:$0x68F0]  }
0x145: {  	v63 =	vld [tilespmem:$0x6AF0]  }
0x146: {  	[tilespmem:$0x1FFA0] =	vst v62;
	v62 =	vld [tilespmem:$0x6D00]  }
0x147: {  	v0 =	vadd.f32 v1, v0;
	v1 =	vld [tilespmem:$0x6910]  }
0x148: {  	v2 =	vadd.f32 v3, v2;
	v3 =	vld [tilespmem:$0x6F10]  }
0x149: {  	v9 =	vadd.f32 v9, v8;
	v8 =	vld [tilespmem:$0x6B20]  }
0x14a: {  	v13 =	vadd.f32 v13, v12;
	v12 =	vld [tilespmem:$0x6B30]  }
0x14b: {  	v15 =	vadd.f32 v15, v14;
	v14 =	vld [tilespmem:$0x6940]  }
0x14c: {  	v17 =	vadd.f32 v17, v16;
	v16 =	vld [tilespmem:$0x6B40]  }
0x14d: {  	v19 =	vadd.f32 v19, v18;
	v18 =	vld [tilespmem:$0x6950]  }
0x14e: {  	v23 =	vadd.f32 v23, v22;
	v22 =	vld [tilespmem:$0x6960];
	[tilespmem:$0x6C00] =	vst v0  }
0x14f: {  	v25 =	vadd.f32 v25, v24;
	v24 =	vld [tilespmem:$0x6B60];
	[tilespmem:$0x6E00] =	vst v2  }
0x150: {  	v21 =	vadd.f32 v21, v20;
	v27 =	vadd.f32 v27, v26;
	v26 =	vld [tilespmem:$0x6970];
	[tilespmem:$0x6C20] =	vst v9  }
0x151: {  	v31 =	vadd.f32 v31, v30;
	v30 =	vadd.f32 v45, v44;
	v45 =	vld [tilespmem:$0x6B90];
	[tilespmem:$0x6C30] =	vst v13  }
0x152: {  	v33 =	vadd.f32 v33, v32;
	v32 =	vadd.f32 v49, v48;
	v49 =	vld [tilespmem:$0x69A0];
	[tilespmem:$0x6E30] =	vst v15  }
0x153: {  	v35 =	vadd.f32 v35, v34;
	v34 =	vadd.f32 v53, v52;
	v53 =	vld [tilespmem:$0x6BA0];
	[tilespmem:$0x6C40] =	vst v17  }
0x154: {  	v37 =	vadd.f32 v37, v36;
	v36 =	vadd.f32 v57, v56;
	v57 =	vld [tilespmem:$0x69B0];
	[tilespmem:$0x6E40] =	vst v19  }
0x155: {  	v0 =	vadd.f32 v5, v4;
	v4 =	vld [tilespmem:$0x6B10];
	[tilespmem:$0x6C50] =	vst v21  }
0x156: {  	v5 =	vld [tilespmem:$0x6D20];
	[tilespmem:$0x6E50] =	vst v23  }
0x157: {  	v29 =	vadd.f32 v29, v28;
	v9 =	vld [tilespmem:$0x6D30];
	[tilespmem:$0x6C60] =	vst v25  }
0x158: {  	v13 =	vld [tilespmem:$0x6D40];
	[tilespmem:$0x6E60] =	vst v27  }
0x159: {  	v15 =	vld [tilespmem:$0x6F40];
	[tilespmem:$0x6C70] =	vst v29  }
0x15a: {  	v17 =	vld [tilespmem:$0x6D50];
	[tilespmem:$0x6E70] =	vst v31  }
0x15b: {  	v19 =	vld [tilespmem:$0x6F50];
	[tilespmem:$0x6C80] =	vst v33  }
0x15c: {  	v28 =	vadd.f32 v41, v40;
	[tilespmem:$0x6E80] =	vst v35;
	v21 =	vld [tilespmem:$0x6D60]  }
0x15d: {  	[tilespmem:$0x6C90] =	vst v37;
	v23 =	vld [tilespmem:$0x6F60]  }
0x15e: {  	[tilespmem:$0x6CA0] =	vst v28;
	v25 =	vld [tilespmem:$0x6D70]  }
0x15f: {  	[tilespmem:$0x6CB0] =	vst v30;
	v28 =	vld [tilespmem:$0x6B70]  }
0x160: {  	[tilespmem:$0x6CC0] =	vst v32;
	v30 =	vld [tilespmem:$0x6980]  }
0x161: {  	[tilespmem:$0x6CD0] =	vst v34;
	v32 =	vld [tilespmem:$0x6B80]  }
0x162: {  	v27 =	vadd.f32 v39, v38;
	[tilespmem:$0x6CE0] =	vst v36;
	v39 =	vld [tilespmem:$0x1FFA0]  }
0x163: {  	v34 =	vld [tilespmem:$0x6990];
	[tilespmem:$0x6C10] =	vst v0  }
0x164: {  	v29 =	vadd.f32 v43, v42;
	v31 =	vadd.f32 v47, v46;
	v47 =	vld [tilespmem:$0x6DA0];
	[tilespmem:$0x6E90] =	vst v27  }
0x165: {  	[tilespmem:$0x1FFB0] =	vst v62;
	v62 =	vld [tilespmem:$0x6900]  }
0x166: {  	v33 =	vadd.f32 v51, v50;
	v51 =	vld [tilespmem:$0x6FA0];
	[tilespmem:$0x6EA0] =	vst v29  }
0x167: {  	v35 =	vadd.f32 v55, v54;
	v55 =	vld [tilespmem:$0x6DB0];
	[tilespmem:$0x6EB0] =	vst v31  }
0x168: {  	v37 =	vadd.f32 v59, v58;
	v59 =	vld [tilespmem:$0x6FB0];
	[tilespmem:$0x6EC0] =	vst v33  }
0x169: {  	v38 =	vadd.f32 v61, v60;
	v61 =	vld [tilespmem:$0x6BB0];
	[tilespmem:$0x6ED0] =	vst v35  }
0x16a: {  	[tilespmem:$0x1FFC0] =	vst v62;
	v62 =	vld [tilespmem:$0x6F00]  }
0x16b: {  	v27 =	vld [tilespmem:$0x6F70];
	[tilespmem:$0x6EE0] =	vst v37;
	v2 =	vadd.f32 v63, v39  }
0x16c: {  	v29 =	vld [tilespmem:$0x6D80];
	[tilespmem:$0x6CF0] =	vst v38;
	v46 =	vadd.f32 v4, v3  }
0x16d: {  	v31 =	vld [tilespmem:$0x6F80];
	[tilespmem:$0x6EF0] =	vst v2  }
0x16e: {  	v33 =	vld [tilespmem:$0x6D90];
	v56 =	vadd.f32 v14, v13;
	[tilespmem:$0x6F10] =	vst v46  }
0x16f: {  	v58 =	vadd.f32 v16, v15;
	[tilespmem:$0x1FFD0] =	vst v62;
	v62 =	vld [tilespmem:$0x6B00]  }
0x170: {  	v35 =	vld [tilespmem:$0x6F90];
	v60 =	vadd.f32 v18, v17;
	[tilespmem:$0x6D40] =	vst v56  }
0x171: {  	v37 =	vld [tilespmem:$0x6DD0];
	v21 =	vadd.f32 v22, v21;
	[tilespmem:$0x6F40] =	vst v58  }
0x172: {  	v40 =	vld [tilespmem:$0x1FFB0];
	[tilespmem:$0x6D50] =	vst v60  }
0x173: {  	v23 =	vadd.f32 v24, v23;
	[tilespmem:$0x6D60] =	vst v21;
	v41 =	vld [tilespmem:$0x1FFC0]  }
0x174: {  	v25 =	vadd.f32 v26, v25;
	[tilespmem:$0x1FFE0] =	vst v62;
	v62 =	vld [tilespmem:$0x6D10]  }
0x175: {  	[tilespmem:$0x6F60] =	vst v23;
	v36 =	vadd.f32 v28, v27;
	v42 =	vld [tilespmem:$0x1FFD0]  }
0x176: {  	[tilespmem:$0x6D70] =	vst v25;
	v38 =	vadd.f32 v30, v29;
	v43 =	vld [tilespmem:$0x1FFE0]  }
0x177: {  	v63 =	vld [tilespmem:$0x6DC0];
	[tilespmem:$0x6F70] =	vst v36  }
0x178: {  	v22 =	vld [tilespmem:$0x69C0];
	[tilespmem:$0x6D80] =	vst v38;
	v0 =	vadd.f32 v41, v40  }
0x179: {  	v40 =	vadd.f32 v32, v31;
	[tilespmem:$0x1FFF0] =	vst v62;
	v62 =	vadd.f32 v7, v6;
	v6 =	vld [tilespmem:$0x6920]  }
0x17a: {  	[tilespmem:$0x6D00] =	vst v0;
	v7 =	vld [tilespmem:$0x6F20]  }
0x17b: {  	[tilespmem:$0x6F80] =	vst v40;
	v2 =	vadd.f32 v43, v42;
	v44 =	vld [tilespmem:$0x1FFF0]  }
0x17c: {  	v24 =	vld [tilespmem:$0x6FC0];
	v42 =	vadd.f32 v34, v33;
	[tilespmem:$0x6E10] =	vst v62  }
0x17d: {  	v26 =	vld [tilespmem:$0x6BC0];
	v62 =	vadd.f32 v11, v10;
	[tilespmem:$0x6F00] =	vst v2  }
0x17e: {  	v39 =	vld [tilespmem:$0x69D0];
	[tilespmem:$0x6D90] =	vst v42;
	v48 =	vadd.f32 v6, v5  }
0x17f: {  	v46 =	vld [tilespmem:$0x69E0];
	[tilespmem:$0x6E20] =	vst v62;
	v50 =	vadd.f32 v8, v7  }
0x180: {  	v56 =	vld [tilespmem:$0x6FF0];
	v0 =	vadd.f32 v1, v44;
	[tilespmem:$0x6D20] =	vst v48  }
0x181: {  	v58 =	vld [tilespmem:$0x6BF0];
	v1 =	vadd.f32 v45, v35;
	[tilespmem:$0x6F20] =	vst v50  }
0x182: {  	v41 =	vld [tilespmem:$0x6FD0];
	v45 =	vadd.f32 v49, v47;
	[tilespmem:$0x6D10] =	vst v0  }
0x183: {  	v10 =	vld [tilespmem:$0x6930];
	v47 =	vadd.f32 v53, v51;
	[tilespmem:$0x6F90] =	vst v1  }
0x184: {  	v11 =	vld [tilespmem:$0x6F30];
	v49 =	vadd.f32 v57, v55;
	[tilespmem:$0x6DA0] =	vst v45  }
0x185: {  	v43 =	vld [tilespmem:$0x6BD0];
	v51 =	vadd.f32 v61, v59;
	[tilespmem:$0x6FA0] =	vst v47  }
0x186: {  	v62 =	vld [tilespmem:$0x6B50];
	v53 =	vadd.f32 v22, v63;
	[tilespmem:$0x6DB0] =	vst v49  }
0x187: {  	v44 =	vld [tilespmem:$0x6DE0];
	v55 =	vadd.f32 v26, v24;
	[tilespmem:$0x6FB0] =	vst v51  }
0x188: {  	v52 =	vadd.f32 v10, v9;
	v48 =	vld [tilespmem:$0x6FE0];
	[tilespmem:$0x6DC0] =	vst v53  }
0x189: {  	v54 =	vadd.f32 v12, v11;
	v50 =	vld [tilespmem:$0x6BE0];
	[tilespmem:$0x6FC0] =	vst v55  }
0x18a: {  	v57 =	vadd.f32 v39, v37;
	[tilespmem:$0x6D30] =	vst v52;
	v52 =	vld [tilespmem:$0x6DF0]  }
0x18b: {  	v59 =	vadd.f32 v43, v41;
	[tilespmem:$0x6F30] =	vst v54;
	v54 =	vld [tilespmem:$0x69F0]  }
0x18c: {  	s12 =	sadd.s32 $0x1000, s12;
	v63 =	vadd.f32 v58, v56;
	[tilespmem:$0x6DD0] =	vst v57  }
0x18d: {  	p0 =	sne.s32 s12, $0x19000;
	[tilespmem:$0x6FD0] =	vst v59;
	v62 =	vadd.f32 v62, v19  }
.Ltmp1:
0x18e: {  	[tilespmem:$0x6FF0] =	vst v63;
	v60 =	vadd.f32 v46, v44;
	(pc) =	sbr.rel @p0 .LBB2_4-.Ltmp1, $4  }
0x18f: {  	[tilespmem:$0x6F50] =	vst v62;
	v61 =	vadd.f32 v50, v48  }
0x190: {  	[tilespmem:$0x6DE0] =	vst v60;
	v62 =	vadd.f32 v54, v52  }
0x191: {  	[tilespmem:$0x6FE0] =	vst v61  }
0x192: {  	[tilespmem:$0x6DF0] =	vst v62  }
0x193: {  	[hbm4b:s6+s2] =	stream.linear.scatter [tilespmem:s1], [sflag:$0x3], $0x200, $0x38;
	[tilespmem:$0x7000] =	vst v63  }
0x194: {  	s11 =	sadd.s32 $0x1, s11;
	_ =	swait.ge [sflag:s9], $0x200  }
0x195: {  	p0 =	sne.s32 s11, s8;
	[sflag:s9] =	ssyncset.done $0x0  }
.Ltmp2:
0x196: {  	[sflag:s9] =	ssyncadd.s32 $0xFFFFFE00;
	(pc) =	sbr.rel @p0 .LBB2_1-.Ltmp2, $4  }
0x197: {  	[hbm4b:s7+s2] =	stream.linear.scatter [tilespmem:s0], [sflag:$0x3], $0x200, $0x38;
	[tilespmem:$0x7000] =	vst v63  }
0x198: {  	_ =	swait.ge [sflag:s9], $0x200  }
0x199: {  	[sflag:s9] =	ssyncset.done $0x0  }
0x19a: {  	v0 =	vimm.f32 $0.0e+00;
	[sflag:s9] =	ssyncadd.s32 $0xFFFFFE00  }
0x19b: {  	_ =	sfence.sel $0x180000  }
0x19c: {  	[bflag:$0x0] =	sbarrier.arrive $0xFFFF  }
0x19d: {  	_ =	strace $0x90000047  }
0x19e: {  	s0 =	stileid.u32;
	[bflag:$0x2] =	sbarrier.arrive $0xFFFF  }
0x19f: {  	p0 =	sne.s32 s0, $0x0;
	s0 =	rddreg [dreg:$0x1]  }
0x1a0: {  	s0 =	sadd.s32 @!p0 $0x100000, s0  }
0x1a1: {  	[sflag:s0] =	ssyncadd.tile.s32 @!p0 $0x1;
	_ =	shalt  }
.Lfunc_end2:
_tile_overlayer_lowered:
.L_overlay_start_2:
0x1a2: {  	(tag) =	ssettag $0x2  }
0x1a3: {  	s0 =	rddreg [dreg:$0x0];
	s2 =	stileid.u32  }
0x1a4: {  	s1 =	rddreg [dreg:$0x1];
	p0 =	sne.s32 s2, $0x0  }
0x1a5: {  	s3 =	rddreg [dreg:$0x2];
	[bflag:$0x3] =	sbarrier.arrive $0xFFFF;
	s2 =	simm.s32 @!p0 $0x1C03  }
0x1a6: {  	[timem:s3], [sflag:s2] =	dma.local @!p0 [hbm:s0], s1  }
0x1a7: {  	s0 =	simm.s32 @!p0 $0x3  }
0x1a8: {  	_ =	swait.ge @!p0 [sflag:s0], s1  }
0x1a9: {  	s1 =	ssub.s32 @!p0 $0x0, s1;
	[sflag:s0] =	ssyncset.done @!p0 $0x0  }
0x1aa: {  	[sflag:s0] =	ssyncadd.s32 @!p0 s1  }
0x1ab: {  	[bflag:$0x3] =	sbarrier.arrive $0xFFFF  }
0x1ac: {  	_ =	shalt  }

</sc_bundles>
